<compile_context>
chip_gen: v7x
topology: tpu7x:2x2x1
jax: 0.10.2.dev20260603
libtpu: 0.0.44.dev20260713+nightly
codegen_flags: <defaults>
</compile_context>

<pallas_src>
import functools

import jax
import jax.numpy as jnp
from jax import lax
from jax.experimental import pallas as pl
from jax.experimental.pallas import tpu as pltpu
from jax.experimental.pallas import tpu_sc as plsc

NC = 2
NS = 16
K = 50
NBUF = 4
ZR = 624

_MESH = plsc.VectorSubcoreMesh(core_axis_name="c", subcore_axis_name="s")


def _sc_degree(idx2d, n):
    nrows = idx2d.shape[0]
    rpw = nrows // (NC * NS)

    @functools.partial(
        pl.kernel,
        out_type=jax.ShapeDtypeStruct((2, n), jnp.float32),
        mesh=_MESH,
        compiler_params=pltpu.CompilerParams(use_tc_tiling_on_sc=False),
        scratch_types=[
            pltpu.VMEM_SHARED((n,), jnp.float32),
            pltpu.VMEM((rpw, K), jnp.int32),
            pltpu.VMEM((128,), jnp.float32),
            pltpu.VMEM((n,), jnp.float32),
            pltpu.SemaphoreType.DMA,
            pltpu.SemaphoreType.DMA,
        ],
    )
    def deg_kernel(idx_hbm, out_hbm, acc, idxb, ones, stage, ssem, lsem):
        c = lax.axis_index("c")
        s = lax.axis_index("s")

        rowbase = (c * NS + s) * rpw
        pltpu.async_copy(idx_hbm.at[pl.ds(rowbase, rpw)], idxb, lsem)

        def set_ones(i, _):
            ones[pl.ds(i * 16, 16)] = jnp.full((16,), 1.0, jnp.float32)
            return 0
        lax.fori_loop(0, 8, set_ones, 0)

        @pl.when(s == 0)
        def _():
            def zstage(i, _):
                stage[pl.ds(i * 16, 16)] = jnp.zeros((16,), jnp.float32)
                return 0
            lax.fori_loop(0, n // 16, zstage, 0)
            pltpu.sync_copy(stage, acc)

        pltpu.make_async_copy(
            idx_hbm.at[pl.ds(rowbase, rpw)], idxb, lsem).wait()
        plsc.subcore_barrier()

        W = 8

        def body(j, _):
            @pl.when(j >= W)
            def _():
                pltpu.make_async_copy(
                    ones.at[pl.ds(0, K)], acc.at[idxb.at[j]], ssem).wait()
            pltpu.async_copy(
                ones.at[pl.ds(0, K)], acc.at[idxb.at[j]], ssem, add=True)
            return 0
        lax.fori_loop(0, rpw, body, 0)

        def drain(j, _):
            pltpu.make_async_copy(
                ones.at[pl.ds(0, K)], acc.at[idxb.at[j]], ssem).wait()
            return 0
        lax.fori_loop(0, W, drain, 0)
        plsc.subcore_barrier()

        @pl.when(s == 0)
        def _():
            pltpu.sync_copy(acc, stage)
            pltpu.sync_copy(stage, out_hbm.at[c])

    return deg_kernel(idx2d)


def _sc_edge_agg(hn, idx2d, n, d):
    nrows = idx2d.shape[0] // 2
    rpw = nrows // (NC * NS)
    zlast = n - (NS - 1) * ZR

    @functools.partial(
        pl.kernel,
        out_type=jax.ShapeDtypeStruct((2 * n, d), jnp.float32),
        mesh=_MESH,
        compiler_params=pltpu.CompilerParams(use_tc_tiling_on_sc=False),
        scratch_types=[
            pltpu.VMEM_SHARED((n, d), jnp.float32),
            pltpu.VMEM((rpw, K), jnp.int32),
            pltpu.VMEM((rpw, K), jnp.int32),
            pltpu.VMEM((K, d), jnp.float32),
            pltpu.VMEM((K, d), jnp.float32),
            pltpu.VMEM((K, d), jnp.float32),
            pltpu.VMEM((K, d), jnp.float32),
            pltpu.SemaphoreType.DMA,
            pltpu.SemaphoreType.DMA,
            pltpu.SemaphoreType.DMA,
            pltpu.SemaphoreType.DMA,
            pltpu.SemaphoreType.DMA,
            pltpu.SemaphoreType.DMA,
            pltpu.SemaphoreType.DMA,
            pltpu.SemaphoreType.DMA,
        ],
    )
    def edge_kernel(hn_hbm, idx_hbm, out_hbm,
                    acc, srcb, dstb, r0, r1, r2, r3,
                    g0, g1, g2, g3, s0, s1, s2, s3):
        rows = (r0, r1, r2, r3)
        gsem = (g0, g1, g2, g3)
        ssem = (s0, s1, s2, s3)
        c = lax.axis_index("c")
        s = lax.axis_index("s")

        rowbase = (c * NS + s) * rpw
        pltpu.async_copy(idx_hbm.at[pl.ds(rowbase, rpw)], srcb, g0)
        pltpu.async_copy(idx_hbm.at[pl.ds(nrows + rowbase, rpw)], dstb, g1)

        def zrow(i, _):
            for j in range(d // 16):
                r0[i, pl.ds(j * 16, 16)] = jnp.zeros((16,), jnp.float32)
            return 0
        lax.fori_loop(0, K, zrow, 0)

        nz = ZR // 48

        def zcopy(k, _):
            pltpu.sync_copy(r0.at[pl.ds(0, 48)],
                            acc.at[pl.ds(s * ZR + k * 48, 48)])
            return 0
        lax.fori_loop(0, nz, zcopy, 0)

        @pl.when(s == NS - 1)
        def _():
            pltpu.sync_copy(
                r0.at[pl.ds(0, zlast - ZR)],
                acc.at[pl.ds((NS - 1) * ZR + nz * 48, zlast - ZR)])

        pltpu.make_async_copy(
            idx_hbm.at[pl.ds(rowbase, rpw)], srcb, g0).wait()
        pltpu.make_async_copy(
            idx_hbm.at[pl.ds(nrows + rowbase, rpw)], dstb, g1).wait()
        plsc.subcore_barrier()

        ngrp = rpw // NBUF
        for b in range(NBUF):
            pltpu.async_copy(hn_hbm.at[srcb.at[b]], rows[b], gsem[b])

        def group(jj, _):
            for b in range(NBUF):
                j = jj * NBUF + b
                pltpu.make_async_copy(
                    hn_hbm.at[srcb.at[j]], rows[b], gsem[b]).wait()
                pltpu.async_copy(rows[b], acc.at[dstb.at[j]], ssem[b],
                                 add=True)

                @pl.when(jj < ngrp - 1)
                def _():
                    pltpu.make_async_copy(
                        rows[b], acc.at[dstb.at[j]], ssem[b]).wait()
                    pltpu.async_copy(
                        hn_hbm.at[srcb.at[j + NBUF]], rows[b], gsem[b])
            return 0
        lax.fori_loop(0, ngrp, group, 0)

        for b in range(NBUF):
            pltpu.make_async_copy(
                rows[b], acc.at[dstb.at[rpw - NBUF + b]], ssem[b]).wait()
        plsc.subcore_barrier()

        @pl.when(s < NS - 1)
        def _():
            pltpu.sync_copy(acc.at[pl.ds(s * ZR, ZR)],
                            out_hbm.at[pl.ds(c * n + s * ZR, ZR)])

        @pl.when(s == NS - 1)
        def _():
            pltpu.sync_copy(acc.at[pl.ds((NS - 1) * ZR, zlast)],
                            out_hbm.at[pl.ds(c * n + (NS - 1) * ZR, zlast)])

    return edge_kernel(hn, idx2d)


def _tc_prep(h, cnt_nc, n, d, blk):
    def prep_kernel(h_ref, c_ref, hn_ref, sc_ref):
        s = lax.rsqrt(jnp.maximum(c_ref[...], 1.0))
        sc_ref[...] = s
        hn_ref[...] = h_ref[...] * s[:, 0:1]

    return pl.pallas_call(
        prep_kernel,
        grid=(n // blk,),
        in_specs=[
            pl.BlockSpec((blk, d), lambda i: (i, 0)),
            pl.BlockSpec((blk, 2), lambda i: (i, 0)),
        ],
        out_specs=[
            pl.BlockSpec((blk, d), lambda i: (i, 0)),
            pl.BlockSpec((blk, 2), lambda i: (i, 0)),
        ],
        out_shape=[
            jax.ShapeDtypeStruct((n, d), jnp.float32),
            jax.ShapeDtypeStruct((n, 2), jnp.float32),
        ],
    )(h, cnt_nc)


def _tc_layer(part, scol, W, b2d, n, d, blk, norm_out):
    nb = n // blk

    def layer_kernel(p0_ref, p1_ref, sc_ref, w_ref, b_ref, o_ref):
        agg = (p0_ref[...] + p1_ref[...]) * sc_ref[:, 1:2]
        z = jnp.dot(agg, w_ref[...], precision=lax.Precision.DEFAULT,
                    preferred_element_type=jnp.float32)
        hv = jnp.maximum(z + b_ref[...], 0.0)
        if norm_out:
            hv = hv * sc_ref[:, 0:1]
        o_ref[...] = hv

    return pl.pallas_call(
        layer_kernel,
        grid=(nb,),
        in_specs=[
            pl.BlockSpec((blk, d), lambda i: (i, 0)),
            pl.BlockSpec((blk, d), lambda i: (i + nb, 0)),
            pl.BlockSpec((blk, 2), lambda i: (i, 0)),
            pl.BlockSpec((d, d), lambda i: (0, 0)),
            pl.BlockSpec((1, d), lambda i: (0, 0)),
        ],
        out_specs=pl.BlockSpec((blk, d), lambda i: (i, 0)),
        out_shape=jax.ShapeDtypeStruct((n, d), jnp.float32),
    )(part, part, scol, W, b2d)


def kernel(h, edge_index, W1, b1, W2, b2):
    n, d = h.shape
    e = edge_index.shape[1]
    blk = 2000

    idx2d = edge_index.reshape(2 * e // K, K)

    cnt = _sc_degree(idx2d, n)
    hn0, scol = _tc_prep(h, cnt.T, n, d, blk)

    part1 = _sc_edge_agg(hn0, idx2d, n, d)
    h1n = _tc_layer(part1, scol, W1, b1.reshape(1, d),
                    n, d, blk, norm_out=True)

    part2 = _sc_edge_agg(h1n, idx2d, n, d)
    out = _tc_layer(part2, scol, W2, b2.reshape(1, d),
                    n, d, blk, norm_out=False)
    return out

# --- scband reference (transcript-rebuilt; emitter-appended) ---
"""Pipeline reference for scband-gcnmodel-23003844838151 (READ-ONLY COPY).

The authoritative reference and input builder live on the scoring server;
editing this copy changes nothing except your own understanding.
"""

import jax, jax.numpy as jnp
import numpy as np

N = 10000
E = 320000
D = 128


def setup_inputs(seed: int = 0) -> dict:
    key = jax.random.key(seed)
    k1, k2, k3, k4, k5, k6 = jax.random.split(key, 6)
    h = jax.random.normal(k1, (N, D), dtype=jnp.float32)
    edge_index = jax.random.randint(k2, (2, E), 0, N, dtype=jnp.int32)
    # Learned params: two GraphConv layers (in=128 -> out=128 -> out=128)
    W1 = jax.random.normal(k3, (D, D), dtype=jnp.float32) * 0.05
    b1 = jnp.zeros((D,), dtype=jnp.float32)
    W2 = jax.random.normal(k4, (D, D), dtype=jnp.float32) * 0.05
    b2 = jnp.zeros((D,), dtype=jnp.float32)
    return {"h": h, "edge_index": edge_index, "W1": W1, "b1": b1, "W2": W2, "b2": b2}


def _graph_conv(h, src, dst, W, b):
    # DGL GraphConv with norm='both', allow_zero_in_degree=True, activation=ReLU
    ones = jnp.ones((src.shape[0],), dtype=h.dtype)
    deg_out = jnp.clip(jnp.zeros((N,), dtype=h.dtype).at[src].add(ones), 1.0)
    deg_in = jnp.clip(jnp.zeros((N,), dtype=h.dtype).at[dst].add(ones), 1.0)
    h = h * (deg_out ** -0.5)[:, None]
    msg = jnp.take(h, src, axis=0)
    agg = jax.ops.segment_sum(msg, dst, num_segments=N)
    agg = agg * (deg_in ** -0.5)[:, None]
    return jax.nn.relu(agg @ W + b)


def reference(h, edge_index, W1, b1, W2, b2):
    src = edge_index[0]
    dst = edge_index[1]
    h = _graph_conv(h, src, dst, W1, b1)
    h = _graph_conv(h, src, dst, W2, b2)
    return h

if __name__ == "__main__":
    import jax
    _d = setup_inputs()
    print(jax.jit(kernel)(*tuple(_d.values())))

</pallas_src>

<mosaic_0001>
#map = affine_map<(d0, d1) -> (0, 0)>
module attributes {stable_mosaic.version = 14 : i64} {
  func.func @edge_kernel(%arg0: i32, %arg1: i32, %arg2: memref<10000x128xf32, #tpu.memory_space<hbm>>, %arg3: memref<12800x50xi32, #tpu.memory_space<hbm>>, %arg4: memref<20000x128xf32, #tpu.memory_space<hbm>>, %arg5: memref<10000x128xf32, #tpu.memory_space<vmem_shared>>, %arg6: memref<200x50xi32, #tpu.memory_space<vmem>>, %arg7: memref<200x50xi32, #tpu.memory_space<vmem>>, %arg8: memref<50x128xf32, #tpu.memory_space<vmem>>, %arg9: memref<50x128xf32, #tpu.memory_space<vmem>>, %arg10: memref<50x128xf32, #tpu.memory_space<vmem>>, %arg11: memref<50x128xf32, #tpu.memory_space<vmem>>, %arg12: memref<!tpu.dma_semaphore, #tpu.memory_space<semaphore_mem>>, %arg13: memref<!tpu.dma_semaphore, #tpu.memory_space<semaphore_mem>>, %arg14: memref<!tpu.dma_semaphore, #tpu.memory_space<semaphore_mem>>, %arg15: memref<!tpu.dma_semaphore, #tpu.memory_space<semaphore_mem>>, %arg16: memref<!tpu.dma_semaphore, #tpu.memory_space<semaphore_mem>>, %arg17: memref<!tpu.dma_semaphore, #tpu.memory_space<semaphore_mem>>, %arg18: memref<!tpu.dma_semaphore, #tpu.memory_space<semaphore_mem>>, %arg19: memref<!tpu.dma_semaphore, #tpu.memory_space<semaphore_mem>>) attributes {dimension_semantics = [#tpu.dimension_semantics<core_parallel>, #tpu.dimension_semantics<subcore_parallel>], iteration_bounds = array<i64: 2, 16>, scalar_prefetch = 0 : i64, scratch_operands = 15 : i64, tpu.core_type = #tpu.core_type<sc_vector_subcore>, window_params = [{transform_indices = #map}, {transform_indices = #map}, {transform_indices = #map}]} {
    %mul3A = arith.constant 16 : i32
    %mul3A_0 = arith.muli %arg0, %mul3A : i32
    %add3A = arith.addi %mul3A_0, %arg1 : i32
    %mul3A_1 = arith.constant 200 : i32
    %mul3A_2 = arith.muli %add3A, %mul3A_1 : i32
    %dma_start3A = arith.constant 0 : i32
    %dma_start3A_3 = tpu.memref_slice %arg3[%mul3A_2, %dma_start3A] : memref<12800x50xi32, #tpu.memory_space<hbm>> -> memref<200x50xi32, #tpu.memory_space<hbm>>
    %dma_start3A_4 = arith.constant 0 : i32
    %dma_start3A_5 = tpu.memref_slice %arg3[%mul3A_2, %dma_start3A_4] : memref<12800x50xi32, #tpu.memory_space<hbm>> -> memref<200x50xi32, #tpu.memory_space<hbm>>
    tpu.enqueue_dma source(%dma_start3A_5 : memref<200x50xi32, #tpu.memory_space<hbm>>) target(%arg6 : memref<200x50xi32, #tpu.memory_space<vmem>>) target_semaphore(%arg12 : memref<!tpu.dma_semaphore, #tpu.memory_space<semaphore_mem>>)
    %add3A_6 = arith.constant 6400 : i32
    %add3A_7 = arith.addi %add3A_6, %mul3A_2 : i32
    %dma_start3A_8 = arith.constant 0 : i32
    %dma_start3A_9 = tpu.memref_slice %arg3[%add3A_7, %dma_start3A_8] : memref<12800x50xi32, #tpu.memory_space<hbm>> -> memref<200x50xi32, #tpu.memory_space<hbm>>
    %dma_start3A_10 = arith.constant 0 : i32
    %dma_start3A_11 = tpu.memref_slice %arg3[%add3A_7, %dma_start3A_10] : memref<12800x50xi32, #tpu.memory_space<hbm>> -> memref<200x50xi32, #tpu.memory_space<hbm>>
    tpu.enqueue_dma source(%dma_start3A_11 : memref<200x50xi32, #tpu.memory_space<hbm>>) target(%arg7 : memref<200x50xi32, #tpu.memory_space<vmem>>) target_semaphore(%arg13 : memref<!tpu.dma_semaphore, #tpu.memory_space<semaphore_mem>>)
    %scan3A = arith.constant 0 : i32
    %scan3A_12 = arith.constant 0 : i32
    %scan3A_13 = arith.constant 50 : i32
    %scan3A_14 = arith.addi %scan3A_12, %scan3A_13 : i32
    %scan3A_15 = arith.constant 1 : i32
    %scan3A_16 = scf.for %scan3A_109 = %scan3A_12 to %scan3A_14 step %scan3A_15 iter_args(%scan3A_110 = %scan3A) -> (i32)  : i32 {
      %broadcast_in_dim3A = arith.constant 0.000000e+00 : f32
      %broadcast_in_dim3A_111 = vector.broadcast %broadcast_in_dim3A : f32 to vector<16xf32>
      %swap3A = arith.index_cast %scan3A_109 : i32 to index
      %swap3A_112 = arith.constant 0 : index
      %swap3A_113 = tpu.vector_load %arg8[%swap3A, %swap3A_112] {strides = array<i32>} : memref<50x128xf32, #tpu.memory_space<vmem>>, vector<1x16xf32>,
      %swap3A_114 = vector.shape_cast %swap3A_113 : vector<1x16xf32> to vector<16xf32>
      %swap3A_115 = vector.shape_cast %broadcast_in_dim3A_111 : vector<16xf32> to vector<1x16xf32>
      tpu.vector_store %arg8[%swap3A, %swap3A_112], %swap3A_115 {strides = array<i32>} : memref<50x128xf32, #tpu.memory_space<vmem>>, vector<1x16xf32>,
      %broadcast_in_dim3A_116 = arith.constant 0.000000e+00 : f32
      %broadcast_in_dim3A_117 = vector.broadcast %broadcast_in_dim3A_116 : f32 to vector<16xf32>
      %swap3A_118 = arith.index_cast %scan3A_109 : i32 to index
      %swap3A_119 = arith.constant 16 : index
      %swap3A_120 = tpu.vector_load %arg8[%swap3A_118, %swap3A_119] {strides = array<i32>} : memref<50x128xf32, #tpu.memory_space<vmem>>, vector<1x16xf32>,
      %swap3A_121 = vector.shape_cast %swap3A_120 : vector<1x16xf32> to vector<16xf32>
      %swap3A_122 = vector.shape_cast %broadcast_in_dim3A_117 : vector<16xf32> to vector<1x16xf32>
      tpu.vector_store %arg8[%swap3A_118, %swap3A_119], %swap3A_122 {strides = array<i32>} : memref<50x128xf32, #tpu.memory_space<vmem>>, vector<1x16xf32>,
      %broadcast_in_dim3A_123 = arith.constant 0.000000e+00 : f32
      %broadcast_in_dim3A_124 = vector.broadcast %broadcast_in_dim3A_123 : f32 to vector<16xf32>
      %swap3A_125 = arith.index_cast %scan3A_109 : i32 to index
      %swap3A_126 = arith.constant 32 : index
      %swap3A_127 = tpu.vector_load %arg8[%swap3A_125, %swap3A_126] {strides = array<i32>} : memref<50x128xf32, #tpu.memory_space<vmem>>, vector<1x16xf32>,
      %swap3A_128 = vector.shape_cast %swap3A_127 : vector<1x16xf32> to vector<16xf32>
      %swap3A_129 = vector.shape_cast %broadcast_in_dim3A_124 : vector<16xf32> to vector<1x16xf32>
      tpu.vector_store %arg8[%swap3A_125, %swap3A_126], %swap3A_129 {strides = array<i32>} : memref<50x128xf32, #tpu.memory_space<vmem>>, vector<1x16xf32>,
      %broadcast_in_dim3A_130 = arith.constant 0.000000e+00 : f32
      %broadcast_in_dim3A_131 = vector.broadcast %broadcast_in_dim3A_130 : f32 to vector<16xf32>
      %swap3A_132 = arith.index_cast %scan3A_109 : i32 to index
      %swap3A_133 = arith.constant 48 : index
      %swap3A_134 = tpu.vector_load %arg8[%swap3A_132, %swap3A_133] {strides = array<i32>} : memref<50x128xf32, #tpu.memory_space<vmem>>, vector<1x16xf32>,
      %swap3A_135 = vector.shape_cast %swap3A_134 : vector<1x16xf32> to vector<16xf32>
      %swap3A_136 = vector.shape_cast %broadcast_in_dim3A_131 : vector<16xf32> to vector<1x16xf32>
      tpu.vector_store %arg8[%swap3A_132, %swap3A_133], %swap3A_136 {strides = array<i32>} : memref<50x128xf32, #tpu.memory_space<vmem>>, vector<1x16xf32>,
      %broadcast_in_dim3A_137 = arith.constant 0.000000e+00 : f32
      %broadcast_in_dim3A_138 = vector.broadcast %broadcast_in_dim3A_137 : f32 to vector<16xf32>
      %swap3A_139 = arith.index_cast %scan3A_109 : i32 to index
      %swap3A_140 = arith.constant 64 : index
      %swap3A_141 = tpu.vector_load %arg8[%swap3A_139, %swap3A_140] {strides = array<i32>} : memref<50x128xf32, #tpu.memory_space<vmem>>, vector<1x16xf32>,
      %swap3A_142 = vector.shape_cast %swap3A_141 : vector<1x16xf32> to vector<16xf32>
      %swap3A_143 = vector.shape_cast %broadcast_in_dim3A_138 : vector<16xf32> to vector<1x16xf32>
      tpu.vector_store %arg8[%swap3A_139, %swap3A_140], %swap3A_143 {strides = array<i32>} : memref<50x128xf32, #tpu.memory_space<vmem>>, vector<1x16xf32>,
      %broadcast_in_dim3A_144 = arith.constant 0.000000e+00 : f32
      %broadcast_in_dim3A_145 = vector.broadcast %broadcast_in_dim3A_144 : f32 to vector<16xf32>
      %swap3A_146 = arith.index_cast %scan3A_109 : i32 to index
      %swap3A_147 = arith.constant 80 : index
      %swap3A_148 = tpu.vector_load %arg8[%swap3A_146, %swap3A_147] {strides = array<i32>} : memref<50x128xf32, #tpu.memory_space<vmem>>, vector<1x16xf32>,
      %swap3A_149 = vector.shape_cast %swap3A_148 : vector<1x16xf32> to vector<16xf32>
      %swap3A_150 = vector.shape_cast %broadcast_in_dim3A_145 : vector<16xf32> to vector<1x16xf32>
      tpu.vector_store %arg8[%swap3A_146, %swap3A_147], %swap3A_150 {strides = array<i32>} : memref<50x128xf32, #tpu.memory_space<vmem>>, vector<1x16xf32>,
      %broadcast_in_dim3A_151 = arith.constant 0.000000e+00 : f32
      %broadcast_in_dim3A_152 = vector.broadcast %broadcast_in_dim3A_151 : f32 to vector<16xf32>
      %swap3A_153 = arith.index_cast %scan3A_109 : i32 to index
      %swap3A_154 = arith.constant 96 : index
      %swap3A_155 = tpu.vector_load %arg8[%swap3A_153, %swap3A_154] {strides = array<i32>} : memref<50x128xf32, #tpu.memory_space<vmem>>, vector<1x16xf32>,
      %swap3A_156 = vector.shape_cast %swap3A_155 : vector<1x16xf32> to vector<16xf32>
      %swap3A_157 = vector.shape_cast %broadcast_in_dim3A_152 : vector<16xf32> to vector<1x16xf32>
      tpu.vector_store %arg8[%swap3A_153, %swap3A_154], %swap3A_157 {strides = array<i32>} : memref<50x128xf32, #tpu.memory_space<vmem>>, vector<1x16xf32>,
      %broadcast_in_dim3A_158 = arith.constant 0.000000e+00 : f32
      %broadcast_in_dim3A_159 = vector.broadcast %broadcast_in_dim3A_158 : f32 to vector<16xf32>
      %swap3A_160 = arith.index_cast %scan3A_109 : i32 to index
      %swap3A_161 = arith.constant 112 : index
      %swap3A_162 = tpu.vector_load %arg8[%swap3A_160, %swap3A_161] {strides = array<i32>} : memref<50x128xf32, #tpu.memory_space<vmem>>, vector<1x16xf32>,
      %swap3A_163 = vector.shape_cast %swap3A_162 : vector<1x16xf32> to vector<16xf32>
      %swap3A_164 = vector.shape_cast %broadcast_in_dim3A_159 : vector<16xf32> to vector<1x16xf32>
      tpu.vector_store %arg8[%swap3A_160, %swap3A_161], %swap3A_164 {strides = array<i32>} : memref<50x128xf32, #tpu.memory_space<vmem>>, vector<1x16xf32>,
      %scan3A_165 = arith.constant 0 : i32
      scf.yield %scan3A_165 : i32
    }
    %scan3A_17 = arith.constant 50 : i32
    %scan3A_18 = arith.constant 0 : i32
    %scan3A_19 = arith.constant 0 : i32
    %scan3A_20 = arith.constant 13 : i32
    %scan3A_21 = arith.addi %scan3A_19, %scan3A_20 : i32
    %scan3A_22 = arith.constant 1 : i32
    %scan3A_23 = scf.for %scan3A_109 = %scan3A_19 to %scan3A_21 step %scan3A_22 iter_args(%scan3A_110 = %scan3A_18) -> (i32)  : i32 {
      %mul3A_111 = arith.constant 624 : i32
      %mul3A_112 = arith.muli %arg1, %mul3A_111 : i32
      %mul3A_113 = arith.constant 48 : i32
      %mul3A_114 = arith.muli %scan3A_109, %mul3A_113 : i32
      %add3A_115 = arith.addi %mul3A_112, %mul3A_114 : i32
      "tpu.region"() ({
        %run_scoped3A = tpu.sem_alloc : memref<!tpu.dma_semaphore, #tpu.memory_space<semaphore_mem>>
        %dma_start3A_117 = arith.constant 0 : i32
        %dma_start3A_118 = arith.constant 0 : i32
        %dma_start3A_119 = tpu.memref_slice %arg8[%dma_start3A_117, %dma_start3A_118] : memref<50x128xf32, #tpu.memory_space<vmem>> -> memref<48x128xf32, #tpu.memory_space<vmem>>
        %dma_start3A_120 = arith.constant 0 : i32
        %dma_start3A_121 = tpu.memref_slice %arg5[%add3A_115, %dma_start3A_120] : memref<10000x128xf32, #tpu.memory_space<vmem_shared>> -> memref<48x128xf32, #tpu.memory_space<vmem_shared>>
        %dma_start3A_122 = arith.constant 0 : i32
        %dma_start3A_123 = tpu.memref_slice %arg5[%add3A_115, %dma_start3A_122] : memref<10000x128xf32, #tpu.memory_space<vmem_shared>> -> memref<48x128xf32, #tpu.memory_space<vmem_shared>>
        %dma_start3A_124 = arith.constant 0 : i32
        %dma_start3A_125 = arith.constant 0 : i32
        %dma_start3A_126 = tpu.memref_slice %arg8[%dma_start3A_124, %dma_start3A_125] : memref<50x128xf32, #tpu.memory_space<vmem>> -> memref<48x128xf32, #tpu.memory_space<vmem>>
        tpu.enqueue_dma source(%dma_start3A_126 : memref<48x128xf32, #tpu.memory_space<vmem>>) target(%dma_start3A_123 : memref<48x128xf32, #tpu.memory_space<vmem_shared>>) target_semaphore(%run_scoped3A : memref<!tpu.dma_semaphore, #tpu.memory_space<semaphore_mem>>)
        %dma_wait3A_127 = arith.constant 0 : i32
        %dma_wait3A_128 = arith.constant 0 : i32
        %dma_wait3A_129 = tpu.memref_slice %arg8[%dma_wait3A_127, %dma_wait3A_128] : memref<50x128xf32, #tpu.memory_space<vmem>> -> memref<48x128xf32, #tpu.memory_space<vmem>>
        %dma_wait3A_130 = arith.constant 0 : i32
        %dma_wait3A_131 = tpu.memref_slice %arg5[%add3A_115, %dma_wait3A_130] : memref<10000x128xf32, #tpu.memory_space<vmem_shared>> -> memref<48x128xf32, #tpu.memory_space<vmem_shared>>
        %dma_wait3A_132 = arith.constant 0 : i32
        %dma_wait3A_133 = tpu.memref_slice %arg5[%add3A_115, %dma_wait3A_132] : memref<10000x128xf32, #tpu.memory_space<vmem_shared>> -> memref<48x128xf32, #tpu.memory_space<vmem_shared>>
        %dma_wait3A_134 = arith.constant 0 : i32
        %dma_wait3A_135 = arith.constant 0 : i32
        %dma_wait3A_136 = tpu.memref_slice %arg8[%dma_wait3A_134, %dma_wait3A_135] : memref<50x128xf32, #tpu.memory_space<vmem>> -> memref<48x128xf32, #tpu.memory_space<vmem>>
        tpu.wait_dma2 semaphore(%run_scoped3A : memref<!tpu.dma_semaphore, #tpu.memory_space<semaphore_mem>>) src(%dma_wait3A_136 : memref<48x128xf32, #tpu.memory_space<vmem>>) dst(%dma_wait3A_133 : memref<48x128xf32, #tpu.memory_space<vmem_shared>>)
        tpu.yield
      }) : () -> ()
      %scan3A_116 = arith.constant 0 : i32
      scf.yield %scan3A_116 : i32
    }
    %scan3A_24 = arith.constant 13 : i32
    %eq3A = arith.constant 15 : i32
    %eq3A_25 = arith.cmpi eq, %arg1, %eq3A : i32
    %convert_element_type3A = arith.extui %eq3A_25 : i1 to i32
    %cond3A = arith.constant 0 : i32
    %cond3A_26 = arith.cmpi ne, %convert_element_type3A, %cond3A : i32
    scf.if %cond3A_26 {
      "tpu.region"() ({
        %run_scoped3A = tpu.sem_alloc : memref<!tpu.dma_semaphore, #tpu.memory_space<semaphore_mem>>
        %dma_start3A_109 = arith.constant 0 : i32
        %dma_start3A_110 = arith.constant 0 : i32
        %dma_start3A_111 = tpu.memref_slice %arg8[%dma_start3A_109, %dma_start3A_110] : memref<50x128xf32, #tpu.memory_space<vmem>> -> memref<16x128xf32, #tpu.memory_space<vmem>>
        %dma_start3A_112 = arith.constant 9984 : i32
        %dma_start3A_113 = arith.constant 0 : i32
        %dma_start3A_114 = tpu.memref_slice %arg5[%dma_start3A_112, %dma_start3A_113] : memref<10000x128xf32, #tpu.memory_space<vmem_shared>> -> memref<16x128xf32, #tpu.memory_space<vmem_shared>>
        %dma_start3A_115 = arith.constant 9984 : i32
        %dma_start3A_116 = arith.constant 0 : i32
        %dma_start3A_117 = tpu.memref_slice %arg5[%dma_start3A_115, %dma_start3A_116] : memref<10000x128xf32, #tpu.memory_space<vmem_shared>> -> memref<16x128xf32, #tpu.memory_space<vmem_shared>>
        %dma_start3A_118 = arith.constant 0 : i32
        %dma_start3A_119 = arith.constant 0 : i32
        %dma_start3A_120 = tpu.memref_slice %arg8[%dma_start3A_118, %dma_start3A_119] : memref<50x128xf32, #tpu.memory_space<vmem>> -> memref<16x128xf32, #tpu.memory_space<vmem>>
        tpu.enqueue_dma source(%dma_start3A_120 : memref<16x128xf32, #tpu.memory_space<vmem>>) target(%dma_start3A_117 : memref<16x128xf32, #tpu.memory_space<vmem_shared>>) target_semaphore(%run_scoped3A : memref<!tpu.dma_semaphore, #tpu.memory_space<semaphore_mem>>)
        %dma_wait3A_121 = arith.constant 0 : i32
        %dma_wait3A_122 = arith.constant 0 : i32
        %dma_wait3A_123 = tpu.memref_slice %arg8[%dma_wait3A_121, %dma_wait3A_122] : memref<50x128xf32, #tpu.memory_space<vmem>> -> memref<16x128xf32, #tpu.memory_space<vmem>>
        %dma_wait3A_124 = arith.constant 9984 : i32
        %dma_wait3A_125 = arith.constant 0 : i32
        %dma_wait3A_126 = tpu.memref_slice %arg5[%dma_wait3A_124, %dma_wait3A_125] : memref<10000x128xf32, #tpu.memory_space<vmem_shared>> -> memref<16x128xf32, #tpu.memory_space<vmem_shared>>
        %dma_wait3A_127 = arith.constant 9984 : i32
        %dma_wait3A_128 = arith.constant 0 : i32
        %dma_wait3A_129 = tpu.memref_slice %arg5[%dma_wait3A_127, %dma_wait3A_128] : memref<10000x128xf32, #tpu.memory_space<vmem_shared>> -> memref<16x128xf32, #tpu.memory_space<vmem_shared>>
        %dma_wait3A_130 = arith.constant 0 : i32
        %dma_wait3A_131 = arith.constant 0 : i32
        %dma_wait3A_132 = tpu.memref_slice %arg8[%dma_wait3A_130, %dma_wait3A_131] : memref<50x128xf32, #tpu.memory_space<vmem>> -> memref<16x128xf32, #tpu.memory_space<vmem>>
        tpu.wait_dma2 semaphore(%run_scoped3A : memref<!tpu.dma_semaphore, #tpu.memory_space<semaphore_mem>>) src(%dma_wait3A_132 : memref<16x128xf32, #tpu.memory_space<vmem>>) dst(%dma_wait3A_129 : memref<16x128xf32, #tpu.memory_space<vmem_shared>>)
        tpu.yield
      }) : () -> ()
    } else {
    }
    %dma_wait3A = arith.constant 0 : i32
    %dma_wait3A_27 = tpu.memref_slice %arg3[%mul3A_2, %dma_wait3A] : memref<12800x50xi32, #tpu.memory_space<hbm>> -> memref<200x50xi32, #tpu.memory_space<hbm>>
    %dma_wait3A_28 = arith.constant 0 : i32
    %dma_wait3A_29 = tpu.memref_slice %arg3[%mul3A_2, %dma_wait3A_28] : memref<12800x50xi32, #tpu.memory_space<hbm>> -> memref<200x50xi32, #tpu.memory_space<hbm>>
    tpu.wait_dma2 semaphore(%arg12 : memref<!tpu.dma_semaphore, #tpu.memory_space<semaphore_mem>>) src(%dma_wait3A_29 : memref<200x50xi32, #tpu.memory_space<hbm>>) dst(%arg6 : memref<200x50xi32, #tpu.memory_space<vmem>>)
    %add3A_30 = arith.constant 6400 : i32
    %add3A_31 = arith.addi %add3A_30, %mul3A_2 : i32
    %dma_wait3A_32 = arith.constant 0 : i32
    %dma_wait3A_33 = tpu.memref_slice %arg3[%add3A_31, %dma_wait3A_32] : memref<12800x50xi32, #tpu.memory_space<hbm>> -> memref<200x50xi32, #tpu.memory_space<hbm>>
    %dma_wait3A_34 = arith.constant 0 : i32
    %dma_wait3A_35 = tpu.memref_slice %arg3[%add3A_31, %dma_wait3A_34] : memref<12800x50xi32, #tpu.memory_space<hbm>> -> memref<200x50xi32, #tpu.memory_space<hbm>>
    tpu.wait_dma2 semaphore(%arg13 : memref<!tpu.dma_semaphore, #tpu.memory_space<semaphore_mem>>) src(%dma_wait3A_35 : memref<200x50xi32, #tpu.memory_space<hbm>>) dst(%arg7 : memref<200x50xi32, #tpu.memory_space<vmem>>)
    %barrier3A = arith.constant 0 : index
    tpu.barrier barrier_id(%barrier3A)
    %dma_start3A_36 = arith.constant 0 : i32
    %dma_start3A_37 = arith.constant 0 : i32
    %dma_start3A_38 = tpu.memref_slice %arg6[%dma_start3A_36, %dma_start3A_37] : memref<200x50xi32, #tpu.memory_space<vmem>> -> memref<1x50xi32, #tpu.memory_space<vmem>>
    %dma_start3A_39 = tpu.memref_squeeze %dma_start3A_38 : memref<1x50xi32, #tpu.memory_space<vmem>> -> memref<50xi32, #tpu.memory_space<vmem>>
    %dma_start3A_40 = arith.constant 0 : i32
    %dma_start3A_41 = arith.constant 0 : i32
    %dma_start3A_42 = tpu.memref_slice %arg2[%dma_start3A_40, %dma_start3A_41] : memref<10000x128xf32, #tpu.memory_space<hbm>> -> memref<10000x128xf32, #tpu.memory_space<hbm>>
    tpu.enqueue_indirect_dma source(%dma_start3A_42 : memref<10000x128xf32, #tpu.memory_space<hbm>>) target(%arg8 : memref<50x128xf32, #tpu.memory_space<vmem>>) offsets(%dma_start3A_39 : memref<50xi32, #tpu.memory_space<vmem>>) semaphore(%arg12 : memref<!tpu.dma_semaphore, #tpu.memory_space<semaphore_mem>>)
    %dma_start3A_43 = arith.constant 1 : i32
    %dma_start3A_44 = arith.constant 0 : i32
    %dma_start3A_45 = tpu.memref_slice %arg6[%dma_start3A_43, %dma_start3A_44] : memref<200x50xi32, #tpu.memory_space<vmem>> -> memref<1x50xi32, #tpu.memory_space<vmem>>
    %dma_start3A_46 = tpu.memref_squeeze %dma_start3A_45 : memref<1x50xi32, #tpu.memory_space<vmem>> -> memref<50xi32, #tpu.memory_space<vmem>>
    %dma_start3A_47 = arith.constant 0 : i32
    %dma_start3A_48 = arith.constant 0 : i32
    %dma_start3A_49 = tpu.memref_slice %arg2[%dma_start3A_47, %dma_start3A_48] : memref<10000x128xf32, #tpu.memory_space<hbm>> -> memref<10000x128xf32, #tpu.memory_space<hbm>>
    tpu.enqueue_indirect_dma source(%dma_start3A_49 : memref<10000x128xf32, #tpu.memory_space<hbm>>) target(%arg9 : memref<50x128xf32, #tpu.memory_space<vmem>>) offsets(%dma_start3A_46 : memref<50xi32, #tpu.memory_space<vmem>>) semaphore(%arg13 : memref<!tpu.dma_semaphore, #tpu.memory_space<semaphore_mem>>)
    %dma_start3A_50 = arith.constant 2 : i32
    %dma_start3A_51 = arith.constant 0 : i32
    %dma_start3A_52 = tpu.memref_slice %arg6[%dma_start3A_50, %dma_start3A_51] : memref<200x50xi32, #tpu.memory_space<vmem>> -> memref<1x50xi32, #tpu.memory_space<vmem>>
    %dma_start3A_53 = tpu.memref_squeeze %dma_start3A_52 : memref<1x50xi32, #tpu.memory_space<vmem>> -> memref<50xi32, #tpu.memory_space<vmem>>
    %dma_start3A_54 = arith.constant 0 : i32
    %dma_start3A_55 = arith.constant 0 : i32
    %dma_start3A_56 = tpu.memref_slice %arg2[%dma_start3A_54, %dma_start3A_55] : memref<10000x128xf32, #tpu.memory_space<hbm>> -> memref<10000x128xf32, #tpu.memory_space<hbm>>
    tpu.enqueue_indirect_dma source(%dma_start3A_56 : memref<10000x128xf32, #tpu.memory_space<hbm>>) target(%arg10 : memref<50x128xf32, #tpu.memory_space<vmem>>) offsets(%dma_start3A_53 : memref<50xi32, #tpu.memory_space<vmem>>) semaphore(%arg14 : memref<!tpu.dma_semaphore, #tpu.memory_space<semaphore_mem>>)
    %dma_start3A_57 = arith.constant 3 : i32
    %dma_start3A_58 = arith.constant 0 : i32
    %dma_start3A_59 = tpu.memref_slice %arg6[%dma_start3A_57, %dma_start3A_58] : memref<200x50xi32, #tpu.memory_space<vmem>> -> memref<1x50xi32, #tpu.memory_space<vmem>>
    %dma_start3A_60 = tpu.memref_squeeze %dma_start3A_59 : memref<1x50xi32, #tpu.memory_space<vmem>> -> memref<50xi32, #tpu.memory_space<vmem>>
    %dma_start3A_61 = arith.constant 0 : i32
    %dma_start3A_62 = arith.constant 0 : i32
    %dma_start3A_63 = tpu.memref_slice %arg2[%dma_start3A_61, %dma_start3A_62] : memref<10000x128xf32, #tpu.memory_space<hbm>> -> memref<10000x128xf32, #tpu.memory_space<hbm>>
    tpu.enqueue_indirect_dma source(%dma_start3A_63 : memref<10000x128xf32, #tpu.memory_space<hbm>>) target(%arg11 : memref<50x128xf32, #tpu.memory_space<vmem>>) offsets(%dma_start3A_60 : memref<50xi32, #tpu.memory_space<vmem>>) semaphore(%arg15 : memref<!tpu.dma_semaphore, #tpu.memory_space<semaphore_mem>>)
    %scan3A_64 = arith.constant 0 : i32
    %scan3A_65 = arith.constant 0 : i32
    %scan3A_66 = arith.constant 50 : i32
    %scan3A_67 = arith.addi %scan3A_65, %scan3A_66 : i32
    %scan3A_68 = arith.constant 1 : i32
    %scan3A_69 = scf.for %scan3A_109 = %scan3A_65 to %scan3A_67 step %scan3A_68 iter_args(%scan3A_110 = %scan3A_64) -> (i32)  : i32 {
      %mul3A_111 = arith.constant 4 : i32
      %mul3A_112 = arith.muli %scan3A_109, %mul3A_111 : i32
      %add3A_113 = arith.constant 0 : i32
      %add3A_114 = arith.addi %mul3A_112, %add3A_113 : i32
      %dma_wait3A_115 = arith.constant 0 : i32
      %dma_wait3A_116 = tpu.memref_slice %arg6[%add3A_114, %dma_wait3A_115] : memref<200x50xi32, #tpu.memory_space<vmem>> -> memref<1x50xi32, #tpu.memory_space<vmem>>
      %dma_wait3A_117 = tpu.memref_squeeze %dma_wait3A_116 : memref<1x50xi32, #tpu.memory_space<vmem>> -> memref<50xi32, #tpu.memory_space<vmem>>
      %dma_wait3A_118 = arith.constant 0 : i32
      %dma_wait3A_119 = arith.constant 0 : i32
      %dma_wait3A_120 = tpu.memref_slice %arg2[%dma_wait3A_118, %dma_wait3A_119] : memref<10000x128xf32, #tpu.memory_space<hbm>> -> memref<10000x128xf32, #tpu.memory_space<hbm>>
      tpu.wait_indirect_dma semaphore(%arg12 : memref<!tpu.dma_semaphore, #tpu.memory_space<semaphore_mem>>) src(%dma_wait3A_120 : memref<10000x128xf32, #tpu.memory_space<hbm>>) dst(%arg8 : memref<50x128xf32, #tpu.memory_space<vmem>>)
      %dma_start3A_121 = arith.constant 0 : i32
      %dma_start3A_122 = tpu.memref_slice %arg7[%add3A_114, %dma_start3A_121] : memref<200x50xi32, #tpu.memory_space<vmem>> -> memref<1x50xi32, #tpu.memory_space<vmem>>
      %dma_start3A_123 = tpu.memref_squeeze %dma_start3A_122 : memref<1x50xi32, #tpu.memory_space<vmem>> -> memref<50xi32, #tpu.memory_space<vmem>>
      %dma_start3A_124 = arith.constant 0 : i32
      %dma_start3A_125 = arith.constant 0 : i32
      %dma_start3A_126 = tpu.memref_slice %arg5[%dma_start3A_124, %dma_start3A_125] : memref<10000x128xf32, #tpu.memory_space<vmem_shared>> -> memref<10000x128xf32, #tpu.memory_space<vmem_shared>>
      tpu.enqueue_indirect_dma source(%arg8 : memref<50x128xf32, #tpu.memory_space<vmem>>) target(%dma_start3A_126 : memref<10000x128xf32, #tpu.memory_space<vmem_shared>>) offsets(%dma_start3A_123 : memref<50xi32, #tpu.memory_space<vmem>>) semaphore(%arg16 : memref<!tpu.dma_semaphore, #tpu.memory_space<semaphore_mem>>) {add = true}
      %lt3A_127 = arith.constant 49 : i32
      %lt3A_128 = arith.cmpi slt, %scan3A_109, %lt3A_127 : i32
      %convert_element_type3A_129 = arith.extui %lt3A_128 : i1 to i32
      %cond3A_130 = arith.constant 0 : i32
      %cond3A_131 = arith.cmpi ne, %convert_element_type3A_129, %cond3A_130 : i32
      scf.if %cond3A_131 {
        %dma_wait3A_196 = arith.constant 0 : i32
        %dma_wait3A_197 = tpu.memref_slice %arg7[%add3A_114, %dma_wait3A_196] : memref<200x50xi32, #tpu.memory_space<vmem>> -> memref<1x50xi32, #tpu.memory_space<vmem>>
        %dma_wait3A_198 = tpu.memref_squeeze %dma_wait3A_197 : memref<1x50xi32, #tpu.memory_space<vmem>> -> memref<50xi32, #tpu.memory_space<vmem>>
        %dma_wait3A_199 = arith.constant 0 : i32
        %dma_wait3A_200 = arith.constant 0 : i32
        %dma_wait3A_201 = tpu.memref_slice %arg5[%dma_wait3A_199, %dma_wait3A_200] : memref<10000x128xf32, #tpu.memory_space<vmem_shared>> -> memref<10000x128xf32, #tpu.memory_space<vmem_shared>>
        tpu.wait_indirect_dma semaphore(%arg16 : memref<!tpu.dma_semaphore, #tpu.memory_space<semaphore_mem>>) src(%arg8 : memref<50x128xf32, #tpu.memory_space<vmem>>) dst(%dma_wait3A_201 : memref<10000x128xf32, #tpu.memory_space<vmem_shared>>)
        %add3A_202 = arith.constant 4 : i32
        %add3A_203 = arith.addi %add3A_114, %add3A_202 : i32
        %dma_start3A_204 = arith.constant 0 : i32
        %dma_start3A_205 = tpu.memref_slice %arg6[%add3A_203, %dma_start3A_204] : memref<200x50xi32, #tpu.memory_space<vmem>> -> memref<1x50xi32, #tpu.memory_space<vmem>>
        %dma_start3A_206 = tpu.memref_squeeze %dma_start3A_205 : memref<1x50xi32, #tpu.memory_space<vmem>> -> memref<50xi32, #tpu.memory_space<vmem>>
        %dma_start3A_207 = arith.constant 0 : i32
        %dma_start3A_208 = arith.constant 0 : i32
        %dma_start3A_209 = tpu.memref_slice %arg2[%dma_start3A_207, %dma_start3A_208] : memref<10000x128xf32, #tpu.memory_space<hbm>> -> memref<10000x128xf32, #tpu.memory_space<hbm>>
        tpu.enqueue_indirect_dma source(%dma_start3A_209 : memref<10000x128xf32, #tpu.memory_space<hbm>>) target(%arg8 : memref<50x128xf32, #tpu.memory_space<vmem>>) offsets(%dma_start3A_206 : memref<50xi32, #tpu.memory_space<vmem>>) semaphore(%arg12 : memref<!tpu.dma_semaphore, #tpu.memory_space<semaphore_mem>>)
      } else {
      }
      %mul3A_132 = arith.constant 4 : i32
      %mul3A_133 = arith.muli %scan3A_109, %mul3A_132 : i32
      %add3A_134 = arith.constant 1 : i32
      %add3A_135 = arith.addi %mul3A_133, %add3A_134 : i32
      %dma_wait3A_136 = arith.constant 0 : i32
      %dma_wait3A_137 = tpu.memref_slice %arg6[%add3A_135, %dma_wait3A_136] : memref<200x50xi32, #tpu.memory_space<vmem>> -> memref<1x50xi32, #tpu.memory_space<vmem>>
      %dma_wait3A_138 = tpu.memref_squeeze %dma_wait3A_137 : memref<1x50xi32, #tpu.memory_space<vmem>> -> memref<50xi32, #tpu.memory_space<vmem>>
      %dma_wait3A_139 = arith.constant 0 : i32
      %dma_wait3A_140 = arith.constant 0 : i32
      %dma_wait3A_141 = tpu.memref_slice %arg2[%dma_wait3A_139, %dma_wait3A_140] : memref<10000x128xf32, #tpu.memory_space<hbm>> -> memref<10000x128xf32, #tpu.memory_space<hbm>>
      tpu.wait_indirect_dma semaphore(%arg13 : memref<!tpu.dma_semaphore, #tpu.memory_space<semaphore_mem>>) src(%dma_wait3A_141 : memref<10000x128xf32, #tpu.memory_space<hbm>>) dst(%arg9 : memref<50x128xf32, #tpu.memory_space<vmem>>)
      %dma_start3A_142 = arith.constant 0 : i32
      %dma_start3A_143 = tpu.memref_slice %arg7[%add3A_135, %dma_start3A_142] : memref<200x50xi32, #tpu.memory_space<vmem>> -> memref<1x50xi32, #tpu.memory_space<vmem>>
      %dma_start3A_144 = tpu.memref_squeeze %dma_start3A_143 : memref<1x50xi32, #tpu.memory_space<vmem>> -> memref<50xi32, #tpu.memory_space<vmem>>
      %dma_start3A_145 = arith.constant 0 : i32
      %dma_start3A_146 = arith.constant 0 : i32
      %dma_start3A_147 = tpu.memref_slice %arg5[%dma_start3A_145, %dma_start3A_146] : memref<10000x128xf32, #tpu.memory_space<vmem_shared>> -> memref<10000x128xf32, #tpu.memory_space<vmem_shared>>
      tpu.enqueue_indirect_dma source(%arg9 : memref<50x128xf32, #tpu.memory_space<vmem>>) target(%dma_start3A_147 : memref<10000x128xf32, #tpu.memory_space<vmem_shared>>) offsets(%dma_start3A_144 : memref<50xi32, #tpu.memory_space<vmem>>) semaphore(%arg17 : memref<!tpu.dma_semaphore, #tpu.memory_space<semaphore_mem>>) {add = true}
      %lt3A_148 = arith.constant 49 : i32
      %lt3A_149 = arith.cmpi slt, %scan3A_109, %lt3A_148 : i32
      %convert_element_type3A_150 = arith.extui %lt3A_149 : i1 to i32
      %cond3A_151 = arith.constant 0 : i32
      %cond3A_152 = arith.cmpi ne, %convert_element_type3A_150, %cond3A_151 : i32
      scf.if %cond3A_152 {
        %dma_wait3A_196 = arith.constant 0 : i32
        %dma_wait3A_197 = tpu.memref_slice %arg7[%add3A_135, %dma_wait3A_196] : memref<200x50xi32, #tpu.memory_space<vmem>> -> memref<1x50xi32, #tpu.memory_space<vmem>>
        %dma_wait3A_198 = tpu.memref_squeeze %dma_wait3A_197 : memref<1x50xi32, #tpu.memory_space<vmem>> -> memref<50xi32, #tpu.memory_space<vmem>>
        %dma_wait3A_199 = arith.constant 0 : i32
        %dma_wait3A_200 = arith.constant 0 : i32
        %dma_wait3A_201 = tpu.memref_slice %arg5[%dma_wait3A_199, %dma_wait3A_200] : memref<10000x128xf32, #tpu.memory_space<vmem_shared>> -> memref<10000x128xf32, #tpu.memory_space<vmem_shared>>
        tpu.wait_indirect_dma semaphore(%arg17 : memref<!tpu.dma_semaphore, #tpu.memory_space<semaphore_mem>>) src(%arg9 : memref<50x128xf32, #tpu.memory_space<vmem>>) dst(%dma_wait3A_201 : memref<10000x128xf32, #tpu.memory_space<vmem_shared>>)
        %add3A_202 = arith.constant 4 : i32
        %add3A_203 = arith.addi %add3A_135, %add3A_202 : i32
        %dma_start3A_204 = arith.constant 0 : i32
        %dma_start3A_205 = tpu.memref_slice %arg6[%add3A_203, %dma_start3A_204] : memref<200x50xi32, #tpu.memory_space<vmem>> -> memref<1x50xi32, #tpu.memory_space<vmem>>
        %dma_start3A_206 = tpu.memref_squeeze %dma_start3A_205 : memref<1x50xi32, #tpu.memory_space<vmem>> -> memref<50xi32, #tpu.memory_space<vmem>>
        %dma_start3A_207 = arith.constant 0 : i32
        %dma_start3A_208 = arith.constant 0 : i32
        %dma_start3A_209 = tpu.memref_slice %arg2[%dma_start3A_207, %dma_start3A_208] : memref<10000x128xf32, #tpu.memory_space<hbm>> -> memref<10000x128xf32, #tpu.memory_space<hbm>>
        tpu.enqueue_indirect_dma source(%dma_start3A_209 : memref<10000x128xf32, #tpu.memory_space<hbm>>) target(%arg9 : memref<50x128xf32, #tpu.memory_space<vmem>>) offsets(%dma_start3A_206 : memref<50xi32, #tpu.memory_space<vmem>>) semaphore(%arg13 : memref<!tpu.dma_semaphore, #tpu.memory_space<semaphore_mem>>)
      } else {
      }
      %mul3A_153 = arith.constant 4 : i32
      %mul3A_154 = arith.muli %scan3A_109, %mul3A_153 : i32
      %add3A_155 = arith.constant 2 : i32
      %add3A_156 = arith.addi %mul3A_154, %add3A_155 : i32
      %dma_wait3A_157 = arith.constant 0 : i32
      %dma_wait3A_158 = tpu.memref_slice %arg6[%add3A_156, %dma_wait3A_157] : memref<200x50xi32, #tpu.memory_space<vmem>> -> memref<1x50xi32, #tpu.memory_space<vmem>>
      %dma_wait3A_159 = tpu.memref_squeeze %dma_wait3A_158 : memref<1x50xi32, #tpu.memory_space<vmem>> -> memref<50xi32, #tpu.memory_space<vmem>>
      %dma_wait3A_160 = arith.constant 0 : i32
      %dma_wait3A_161 = arith.constant 0 : i32
      %dma_wait3A_162 = tpu.memref_slice %arg2[%dma_wait3A_160, %dma_wait3A_161] : memref<10000x128xf32, #tpu.memory_space<hbm>> -> memref<10000x128xf32, #tpu.memory_space<hbm>>
      tpu.wait_indirect_dma semaphore(%arg14 : memref<!tpu.dma_semaphore, #tpu.memory_space<semaphore_mem>>) src(%dma_wait3A_162 : memref<10000x128xf32, #tpu.memory_space<hbm>>) dst(%arg10 : memref<50x128xf32, #tpu.memory_space<vmem>>)
      %dma_start3A_163 = arith.constant 0 : i32
      %dma_start3A_164 = tpu.memref_slice %arg7[%add3A_156, %dma_start3A_163] : memref<200x50xi32, #tpu.memory_space<vmem>> -> memref<1x50xi32, #tpu.memory_space<vmem>>
      %dma_start3A_165 = tpu.memref_squeeze %dma_start3A_164 : memref<1x50xi32, #tpu.memory_space<vmem>> -> memref<50xi32, #tpu.memory_space<vmem>>
      %dma_start3A_166 = arith.constant 0 : i32
      %dma_start3A_167 = arith.constant 0 : i32
      %dma_start3A_168 = tpu.memref_slice %arg5[%dma_start3A_166, %dma_start3A_167] : memref<10000x128xf32, #tpu.memory_space<vmem_shared>> -> memref<10000x128xf32, #tpu.memory_space<vmem_shared>>
      tpu.enqueue_indirect_dma source(%arg10 : memref<50x128xf32, #tpu.memory_space<vmem>>) target(%dma_start3A_168 : memref<10000x128xf32, #tpu.memory_space<vmem_shared>>) offsets(%dma_start3A_165 : memref<50xi32, #tpu.memory_space<vmem>>) semaphore(%arg18 : memref<!tpu.dma_semaphore, #tpu.memory_space<semaphore_mem>>) {add = true}
      %lt3A_169 = arith.constant 49 : i32
      %lt3A_170 = arith.cmpi slt, %scan3A_109, %lt3A_169 : i32
      %convert_element_type3A_171 = arith.extui %lt3A_170 : i1 to i32
      %cond3A_172 = arith.constant 0 : i32
      %cond3A_173 = arith.cmpi ne, %convert_element_type3A_171, %cond3A_172 : i32
      scf.if %cond3A_173 {
        %dma_wait3A_196 = arith.constant 0 : i32
        %dma_wait3A_197 = tpu.memref_slice %arg7[%add3A_156, %dma_wait3A_196] : memref<200x50xi32, #tpu.memory_space<vmem>> -> memref<1x50xi32, #tpu.memory_space<vmem>>
        %dma_wait3A_198 = tpu.memref_squeeze %dma_wait3A_197 : memref<1x50xi32, #tpu.memory_space<vmem>> -> memref<50xi32, #tpu.memory_space<vmem>>
        %dma_wait3A_199 = arith.constant 0 : i32
        %dma_wait3A_200 = arith.constant 0 : i32
        %dma_wait3A_201 = tpu.memref_slice %arg5[%dma_wait3A_199, %dma_wait3A_200] : memref<10000x128xf32, #tpu.memory_space<vmem_shared>> -> memref<10000x128xf32, #tpu.memory_space<vmem_shared>>
        tpu.wait_indirect_dma semaphore(%arg18 : memref<!tpu.dma_semaphore, #tpu.memory_space<semaphore_mem>>) src(%arg10 : memref<50x128xf32, #tpu.memory_space<vmem>>) dst(%dma_wait3A_201 : memref<10000x128xf32, #tpu.memory_space<vmem_shared>>)
        %add3A_202 = arith.constant 4 : i32
        %add3A_203 = arith.addi %add3A_156, %add3A_202 : i32
        %dma_start3A_204 = arith.constant 0 : i32
        %dma_start3A_205 = tpu.memref_slice %arg6[%add3A_203, %dma_start3A_204] : memref<200x50xi32, #tpu.memory_space<vmem>> -> memref<1x50xi32, #tpu.memory_space<vmem>>
        %dma_start3A_206 = tpu.memref_squeeze %dma_start3A_205 : memref<1x50xi32, #tpu.memory_space<vmem>> -> memref<50xi32, #tpu.memory_space<vmem>>
        %dma_start3A_207 = arith.constant 0 : i32
        %dma_start3A_208 = arith.constant 0 : i32
        %dma_start3A_209 = tpu.memref_slice %arg2[%dma_start3A_207, %dma_start3A_208] : memref<10000x128xf32, #tpu.memory_space<hbm>> -> memref<10000x128xf32, #tpu.memory_space<hbm>>
        tpu.enqueue_indirect_dma source(%dma_start3A_209 : memref<10000x128xf32, #tpu.memory_space<hbm>>) target(%arg10 : memref<50x128xf32, #tpu.memory_space<vmem>>) offsets(%dma_start3A_206 : memref<50xi32, #tpu.memory_space<vmem>>) semaphore(%arg14 : memref<!tpu.dma_semaphore, #tpu.memory_space<semaphore_mem>>)
      } else {
      }
      %mul3A_174 = arith.constant 4 : i32
      %mul3A_175 = arith.muli %scan3A_109, %mul3A_174 : i32
      %add3A_176 = arith.constant 3 : i32
      %add3A_177 = arith.addi %mul3A_175, %add3A_176 : i32
      %dma_wait3A_178 = arith.constant 0 : i32
      %dma_wait3A_179 = tpu.memref_slice %arg6[%add3A_177, %dma_wait3A_178] : memref<200x50xi32, #tpu.memory_space<vmem>> -> memref<1x50xi32, #tpu.memory_space<vmem>>
      %dma_wait3A_180 = tpu.memref_squeeze %dma_wait3A_179 : memref<1x50xi32, #tpu.memory_space<vmem>> -> memref<50xi32, #tpu.memory_space<vmem>>
      %dma_wait3A_181 = arith.constant 0 : i32
      %dma_wait3A_182 = arith.constant 0 : i32
      %dma_wait3A_183 = tpu.memref_slice %arg2[%dma_wait3A_181, %dma_wait3A_182] : memref<10000x128xf32, #tpu.memory_space<hbm>> -> memref<10000x128xf32, #tpu.memory_space<hbm>>
      tpu.wait_indirect_dma semaphore(%arg15 : memref<!tpu.dma_semaphore, #tpu.memory_space<semaphore_mem>>) src(%dma_wait3A_183 : memref<10000x128xf32, #tpu.memory_space<hbm>>) dst(%arg11 : memref<50x128xf32, #tpu.memory_space<vmem>>)
      %dma_start3A_184 = arith.constant 0 : i32
      %dma_start3A_185 = tpu.memref_slice %arg7[%add3A_177, %dma_start3A_184] : memref<200x50xi32, #tpu.memory_space<vmem>> -> memref<1x50xi32, #tpu.memory_space<vmem>>
      %dma_start3A_186 = tpu.memref_squeeze %dma_start3A_185 : memref<1x50xi32, #tpu.memory_space<vmem>> -> memref<50xi32, #tpu.memory_space<vmem>>
      %dma_start3A_187 = arith.constant 0 : i32
      %dma_start3A_188 = arith.constant 0 : i32
      %dma_start3A_189 = tpu.memref_slice %arg5[%dma_start3A_187, %dma_start3A_188] : memref<10000x128xf32, #tpu.memory_space<vmem_shared>> -> memref<10000x128xf32, #tpu.memory_space<vmem_shared>>
      tpu.enqueue_indirect_dma source(%arg11 : memref<50x128xf32, #tpu.memory_space<vmem>>) target(%dma_start3A_189 : memref<10000x128xf32, #tpu.memory_space<vmem_shared>>) offsets(%dma_start3A_186 : memref<50xi32, #tpu.memory_space<vmem>>) semaphore(%arg19 : memref<!tpu.dma_semaphore, #tpu.memory_space<semaphore_mem>>) {add = true}
      %lt3A_190 = arith.constant 49 : i32
      %lt3A_191 = arith.cmpi slt, %scan3A_109, %lt3A_190 : i32
      %convert_element_type3A_192 = arith.extui %lt3A_191 : i1 to i32
      %cond3A_193 = arith.constant 0 : i32
      %cond3A_194 = arith.cmpi ne, %convert_element_type3A_192, %cond3A_193 : i32
      scf.if %cond3A_194 {
        %dma_wait3A_196 = arith.constant 0 : i32
        %dma_wait3A_197 = tpu.memref_slice %arg7[%add3A_177, %dma_wait3A_196] : memref<200x50xi32, #tpu.memory_space<vmem>> -> memref<1x50xi32, #tpu.memory_space<vmem>>
        %dma_wait3A_198 = tpu.memref_squeeze %dma_wait3A_197 : memref<1x50xi32, #tpu.memory_space<vmem>> -> memref<50xi32, #tpu.memory_space<vmem>>
        %dma_wait3A_199 = arith.constant 0 : i32
        %dma_wait3A_200 = arith.constant 0 : i32
        %dma_wait3A_201 = tpu.memref_slice %arg5[%dma_wait3A_199, %dma_wait3A_200] : memref<10000x128xf32, #tpu.memory_space<vmem_shared>> -> memref<10000x128xf32, #tpu.memory_space<vmem_shared>>
        tpu.wait_indirect_dma semaphore(%arg19 : memref<!tpu.dma_semaphore, #tpu.memory_space<semaphore_mem>>) src(%arg11 : memref<50x128xf32, #tpu.memory_space<vmem>>) dst(%dma_wait3A_201 : memref<10000x128xf32, #tpu.memory_space<vmem_shared>>)
        %add3A_202 = arith.constant 4 : i32
        %add3A_203 = arith.addi %add3A_177, %add3A_202 : i32
        %dma_start3A_204 = arith.constant 0 : i32
        %dma_start3A_205 = tpu.memref_slice %arg6[%add3A_203, %dma_start3A_204] : memref<200x50xi32, #tpu.memory_space<vmem>> -> memref<1x50xi32, #tpu.memory_space<vmem>>
        %dma_start3A_206 = tpu.memref_squeeze %dma_start3A_205 : memref<1x50xi32, #tpu.memory_space<vmem>> -> memref<50xi32, #tpu.memory_space<vmem>>
        %dma_start3A_207 = arith.constant 0 : i32
        %dma_start3A_208 = arith.constant 0 : i32
        %dma_start3A_209 = tpu.memref_slice %arg2[%dma_start3A_207, %dma_start3A_208] : memref<10000x128xf32, #tpu.memory_space<hbm>> -> memref<10000x128xf32, #tpu.memory_space<hbm>>
        tpu.enqueue_indirect_dma source(%dma_start3A_209 : memref<10000x128xf32, #tpu.memory_space<hbm>>) target(%arg11 : memref<50x128xf32, #tpu.memory_space<vmem>>) offsets(%dma_start3A_206 : memref<50xi32, #tpu.memory_space<vmem>>) semaphore(%arg15 : memref<!tpu.dma_semaphore, #tpu.memory_space<semaphore_mem>>)
      } else {
      }
      %scan3A_195 = arith.constant 0 : i32
      scf.yield %scan3A_195 : i32
    }
    %scan3A_70 = arith.constant 50 : i32
    %dma_wait3A_71 = arith.constant 196 : i32
    %dma_wait3A_72 = arith.constant 0 : i32
    %dma_wait3A_73 = tpu.memref_slice %arg7[%dma_wait3A_71, %dma_wait3A_72] : memref<200x50xi32, #tpu.memory_space<vmem>> -> memref<1x50xi32, #tpu.memory_space<vmem>>
    %dma_wait3A_74 = tpu.memref_squeeze %dma_wait3A_73 : memref<1x50xi32, #tpu.memory_space<vmem>> -> memref<50xi32, #tpu.memory_space<vmem>>
    %dma_wait3A_75 = arith.constant 0 : i32
    %dma_wait3A_76 = arith.constant 0 : i32
    %dma_wait3A_77 = tpu.memref_slice %arg5[%dma_wait3A_75, %dma_wait3A_76] : memref<10000x128xf32, #tpu.memory_space<vmem_shared>> -> memref<10000x128xf32, #tpu.memory_space<vmem_shared>>
    tpu.wait_indirect_dma semaphore(%arg16 : memref<!tpu.dma_semaphore, #tpu.memory_space<semaphore_mem>>) src(%arg8 : memref<50x128xf32, #tpu.memory_space<vmem>>) dst(%dma_wait3A_77 : memref<10000x128xf32, #tpu.memory_space<vmem_shared>>)
    %dma_wait3A_78 = arith.constant 197 : i32
    %dma_wait3A_79 = arith.constant 0 : i32
    %dma_wait3A_80 = tpu.memref_slice %arg7[%dma_wait3A_78, %dma_wait3A_79] : memref<200x50xi32, #tpu.memory_space<vmem>> -> memref<1x50xi32, #tpu.memory_space<vmem>>
    %dma_wait3A_81 = tpu.memref_squeeze %dma_wait3A_80 : memref<1x50xi32, #tpu.memory_space<vmem>> -> memref<50xi32, #tpu.memory_space<vmem>>
    %dma_wait3A_82 = arith.constant 0 : i32
    %dma_wait3A_83 = arith.constant 0 : i32
    %dma_wait3A_84 = tpu.memref_slice %arg5[%dma_wait3A_82, %dma_wait3A_83] : memref<10000x128xf32, #tpu.memory_space<vmem_shared>> -> memref<10000x128xf32, #tpu.memory_space<vmem_shared>>
    tpu.wait_indirect_dma semaphore(%arg17 : memref<!tpu.dma_semaphore, #tpu.memory_space<semaphore_mem>>) src(%arg9 : memref<50x128xf32, #tpu.memory_space<vmem>>) dst(%dma_wait3A_84 : memref<10000x128xf32, #tpu.memory_space<vmem_shared>>)
    %dma_wait3A_85 = arith.constant 198 : i32
    %dma_wait3A_86 = arith.constant 0 : i32
    %dma_wait3A_87 = tpu.memref_slice %arg7[%dma_wait3A_85, %dma_wait3A_86] : memref<200x50xi32, #tpu.memory_space<vmem>> -> memref<1x50xi32, #tpu.memory_space<vmem>>
    %dma_wait3A_88 = tpu.memref_squeeze %dma_wait3A_87 : memref<1x50xi32, #tpu.memory_space<vmem>> -> memref<50xi32, #tpu.memory_space<vmem>>
    %dma_wait3A_89 = arith.constant 0 : i32
    %dma_wait3A_90 = arith.constant 0 : i32
    %dma_wait3A_91 = tpu.memref_slice %arg5[%dma_wait3A_89, %dma_wait3A_90] : memref<10000x128xf32, #tpu.memory_space<vmem_shared>> -> memref<10000x128xf32, #tpu.memory_space<vmem_shared>>
    tpu.wait_indirect_dma semaphore(%arg18 : memref<!tpu.dma_semaphore, #tpu.memory_space<semaphore_mem>>) src(%arg10 : memref<50x128xf32, #tpu.memory_space<vmem>>) dst(%dma_wait3A_91 : memref<10000x128xf32, #tpu.memory_space<vmem_shared>>)
    %dma_wait3A_92 = arith.constant 199 : i32
    %dma_wait3A_93 = arith.constant 0 : i32
    %dma_wait3A_94 = tpu.memref_slice %arg7[%dma_wait3A_92, %dma_wait3A_93] : memref<200x50xi32, #tpu.memory_space<vmem>> -> memref<1x50xi32, #tpu.memory_space<vmem>>
    %dma_wait3A_95 = tpu.memref_squeeze %dma_wait3A_94 : memref<1x50xi32, #tpu.memory_space<vmem>> -> memref<50xi32, #tpu.memory_space<vmem>>
    %dma_wait3A_96 = arith.constant 0 : i32
    %dma_wait3A_97 = arith.constant 0 : i32
    %dma_wait3A_98 = tpu.memref_slice %arg5[%dma_wait3A_96, %dma_wait3A_97] : memref<10000x128xf32, #tpu.memory_space<vmem_shared>> -> memref<10000x128xf32, #tpu.memory_space<vmem_shared>>
    tpu.wait_indirect_dma semaphore(%arg19 : memref<!tpu.dma_semaphore, #tpu.memory_space<semaphore_mem>>) src(%arg11 : memref<50x128xf32, #tpu.memory_space<vmem>>) dst(%dma_wait3A_98 : memref<10000x128xf32, #tpu.memory_space<vmem_shared>>)
    %barrier3A_99 = arith.constant 0 : index
    tpu.barrier barrier_id(%barrier3A_99)
    %lt3A = arith.constant 15 : i32
    %lt3A_100 = arith.cmpi slt, %arg1, %lt3A : i32
    %convert_element_type3A_101 = arith.extui %lt3A_100 : i1 to i32
    %cond3A_102 = arith.constant 0 : i32
    %cond3A_103 = arith.cmpi ne, %convert_element_type3A_101, %cond3A_102 : i32
    scf.if %cond3A_103 {
      %mul3A_109 = arith.constant 624 : i32
      %mul3A_110 = arith.muli %arg1, %mul3A_109 : i32
      %mul3A_111 = arith.constant 10000 : i32
      %mul3A_112 = arith.muli %arg0, %mul3A_111 : i32
      %mul3A_113 = arith.constant 624 : i32
      %mul3A_114 = arith.muli %arg1, %mul3A_113 : i32
      %add3A_115 = arith.addi %mul3A_112, %mul3A_114 : i32
      "tpu.region"() ({
        %run_scoped3A = tpu.sem_alloc : memref<!tpu.dma_semaphore, #tpu.memory_space<semaphore_mem>>
        %dma_start3A_116 = arith.constant 0 : i32
        %dma_start3A_117 = tpu.memref_slice %arg4[%add3A_115, %dma_start3A_116] : memref<20000x128xf32, #tpu.memory_space<hbm>> -> memref<624x128xf32, #tpu.memory_space<hbm>>
        %dma_start3A_118 = arith.constant 0 : i32
        %dma_start3A_119 = tpu.memref_slice %arg5[%mul3A_110, %dma_start3A_118] : memref<10000x128xf32, #tpu.memory_space<vmem_shared>> -> memref<624x128xf32, #tpu.memory_space<vmem_shared>>
        tpu.enqueue_dma source(%dma_start3A_119 : memref<624x128xf32, #tpu.memory_space<vmem_shared>>) target(%dma_start3A_117 : memref<624x128xf32, #tpu.memory_space<hbm>>) target_semaphore(%run_scoped3A : memref<!tpu.dma_semaphore, #tpu.memory_space<semaphore_mem>>)
        %dma_wait3A_120 = arith.constant 0 : i32
        %dma_wait3A_121 = tpu.memref_slice %arg4[%add3A_115, %dma_wait3A_120] : memref<20000x128xf32, #tpu.memory_space<hbm>> -> memref<624x128xf32, #tpu.memory_space<hbm>>
        %dma_wait3A_122 = arith.constant 0 : i32
        %dma_wait3A_123 = tpu.memref_slice %arg5[%mul3A_110, %dma_wait3A_122] : memref<10000x128xf32, #tpu.memory_space<vmem_shared>> -> memref<624x128xf32, #tpu.memory_space<vmem_shared>>
        tpu.wait_dma2 semaphore(%run_scoped3A : memref<!tpu.dma_semaphore, #tpu.memory_space<semaphore_mem>>) src(%dma_wait3A_123 : memref<624x128xf32, #tpu.memory_space<vmem_shared>>) dst(%dma_wait3A_121 : memref<624x128xf32, #tpu.memory_space<hbm>>)
        tpu.yield
      }) : () -> ()
    } else {
    }
    %eq3A_104 = arith.constant 15 : i32
    %eq3A_105 = arith.cmpi eq, %arg1, %eq3A_104 : i32
    %convert_element_type3A_106 = arith.extui %eq3A_105 : i1 to i32
    %cond3A_107 = arith.constant 0 : i32
    %cond3A_108 = arith.cmpi ne, %convert_element_type3A_106, %cond3A_107 : i32
    scf.if %cond3A_108 {
      %mul3A_109 = arith.constant 10000 : i32
      %mul3A_110 = arith.muli %arg0, %mul3A_109 : i32
      %add3A_111 = arith.constant 9360 : i32
      %add3A_112 = arith.addi %mul3A_110, %add3A_111 : i32
      "tpu.region"() ({
        %run_scoped3A = tpu.sem_alloc : memref<!tpu.dma_semaphore, #tpu.memory_space<semaphore_mem>>
        %dma_start3A_113 = arith.constant 0 : i32
        %dma_start3A_114 = tpu.memref_slice %arg4[%add3A_112, %dma_start3A_113] : memref<20000x128xf32, #tpu.memory_space<hbm>> -> memref<640x128xf32, #tpu.memory_space<hbm>>
        %dma_start3A_115 = arith.constant 9360 : i32
        %dma_start3A_116 = arith.constant 0 : i32
        %dma_start3A_117 = tpu.memref_slice %arg5[%dma_start3A_115, %dma_start3A_116] : memref<10000x128xf32, #tpu.memory_space<vmem_shared>> -> memref<640x128xf32, #tpu.memory_space<vmem_shared>>
        tpu.enqueue_dma source(%dma_start3A_117 : memref<640x128xf32, #tpu.memory_space<vmem_shared>>) target(%dma_start3A_114 : memref<640x128xf32, #tpu.memory_space<hbm>>) target_semaphore(%run_scoped3A : memref<!tpu.dma_semaphore, #tpu.memory_space<semaphore_mem>>)
        %dma_wait3A_118 = arith.constant 0 : i32
        %dma_wait3A_119 = tpu.memref_slice %arg4[%add3A_112, %dma_wait3A_118] : memref<20000x128xf32, #tpu.memory_space<hbm>> -> memref<640x128xf32, #tpu.memory_space<hbm>>
        %dma_wait3A_120 = arith.constant 9360 : i32
        %dma_wait3A_121 = arith.constant 0 : i32
        %dma_wait3A_122 = tpu.memref_slice %arg5[%dma_wait3A_120, %dma_wait3A_121] : memref<10000x128xf32, #tpu.memory_space<vmem_shared>> -> memref<640x128xf32, #tpu.memory_space<vmem_shared>>
        tpu.wait_dma2 semaphore(%run_scoped3A : memref<!tpu.dma_semaphore, #tpu.memory_space<semaphore_mem>>) src(%dma_wait3A_122 : memref<640x128xf32, #tpu.memory_space<vmem_shared>>) dst(%dma_wait3A_119 : memref<640x128xf32, #tpu.memory_space<hbm>>)
        tpu.yield
      }) : () -> ()
    } else {
    }
    return
  }
}

#map = affine_map<(d0, d1) -> (0, 0)>
module attributes {stable_mosaic.version = 14 : i64} {
  func.func @deg_kernel(%arg0: i32, %arg1: i32, %arg2: memref<12800x50xi32, #tpu.memory_space<hbm>>, %arg3: memref<2x10000xf32, #tpu.memory_space<hbm>>, %arg4: memref<10000xf32, #tpu.memory_space<vmem_shared>>, %arg5: memref<400x50xi32, #tpu.memory_space<vmem>>, %arg6: memref<128xf32, #tpu.memory_space<vmem>>, %arg7: memref<10000xf32, #tpu.memory_space<vmem>>, %arg8: memref<!tpu.dma_semaphore, #tpu.memory_space<semaphore_mem>>, %arg9: memref<!tpu.dma_semaphore, #tpu.memory_space<semaphore_mem>>) attributes {dimension_semantics = [#tpu.dimension_semantics<core_parallel>, #tpu.dimension_semantics<subcore_parallel>], iteration_bounds = array<i64: 2, 16>, scalar_prefetch = 0 : i64, scratch_operands = 6 : i64, tpu.core_type = #tpu.core_type<sc_vector_subcore>, window_params = [{transform_indices = #map}, {transform_indices = #map}]} {
    %mul3A = arith.constant 16 : i32
    %mul3A_0 = arith.muli %arg0, %mul3A : i32
    %add3A = arith.addi %mul3A_0, %arg1 : i32
    %mul3A_1 = arith.constant 400 : i32
    %mul3A_2 = arith.muli %add3A, %mul3A_1 : i32
    %dma_start3A = arith.constant 0 : i32
    %dma_start3A_3 = tpu.memref_slice %arg2[%mul3A_2, %dma_start3A] : memref<12800x50xi32, #tpu.memory_space<hbm>> -> memref<400x50xi32, #tpu.memory_space<hbm>>
    %dma_start3A_4 = arith.constant 0 : i32
    %dma_start3A_5 = tpu.memref_slice %arg2[%mul3A_2, %dma_start3A_4] : memref<12800x50xi32, #tpu.memory_space<hbm>> -> memref<400x50xi32, #tpu.memory_space<hbm>>
    tpu.enqueue_dma source(%dma_start3A_5 : memref<400x50xi32, #tpu.memory_space<hbm>>) target(%arg5 : memref<400x50xi32, #tpu.memory_space<vmem>>) target_semaphore(%arg9 : memref<!tpu.dma_semaphore, #tpu.memory_space<semaphore_mem>>)
    %scan3A = arith.constant 0 : i32
    %scan3A_6 = arith.constant 0 : i32
    %scan3A_7 = arith.constant 8 : i32
    %scan3A_8 = arith.addi %scan3A_6, %scan3A_7 : i32
    %scan3A_9 = arith.constant 1 : i32
    %scan3A_10 = scf.for %scan3A_37 = %scan3A_6 to %scan3A_8 step %scan3A_9 iter_args(%scan3A_38 = %scan3A) -> (i32)  : i32 {
      %broadcast_in_dim3A = arith.constant 1.000000e+00 : f32
      %broadcast_in_dim3A_39 = vector.broadcast %broadcast_in_dim3A : f32 to vector<16xf32>
      %mul3A_40 = arith.constant 16 : i32
      %mul3A_41 = arith.muli %scan3A_37, %mul3A_40 : i32
      %swap3A = arith.index_cast %mul3A_41 : i32 to index
      %swap3A_42 = tpu.vector_load %arg6[%swap3A] {strides = array<i32>} : memref<128xf32, #tpu.memory_space<vmem>>, vector<16xf32>,
      %swap3A_43 = vector.shape_cast %swap3A_42 : vector<16xf32> to vector<16xf32>
      %swap3A_44 = vector.shape_cast %broadcast_in_dim3A_39 : vector<16xf32> to vector<16xf32>
      tpu.vector_store %arg6[%swap3A], %swap3A_44 {strides = array<i32>} : memref<128xf32, #tpu.memory_space<vmem>>, vector<16xf32>,
      %scan3A_45 = arith.constant 0 : i32
      scf.yield %scan3A_45 : i32
    }
    %scan3A_11 = arith.constant 8 : i32
    %eq3A = arith.constant 0 : i32
    %eq3A_12 = arith.cmpi eq, %arg1, %eq3A : i32
    %convert_element_type3A = arith.extui %eq3A_12 : i1 to i32
    %cond3A = arith.constant 0 : i32
    %cond3A_13 = arith.cmpi ne, %convert_element_type3A, %cond3A : i32
    scf.if %cond3A_13 {
      %scan3A_37 = arith.constant 0 : i32
      %scan3A_38 = arith.constant 0 : i32
      %scan3A_39 = arith.constant 625 : i32
      %scan3A_40 = arith.addi %scan3A_38, %scan3A_39 : i32
      %scan3A_41 = arith.constant 1 : i32
      %scan3A_42 = scf.for %scan3A_44 = %scan3A_38 to %scan3A_40 step %scan3A_41 iter_args(%scan3A_45 = %scan3A_37) -> (i32)  : i32 {
        %broadcast_in_dim3A = arith.constant 0.000000e+00 : f32
        %broadcast_in_dim3A_46 = vector.broadcast %broadcast_in_dim3A : f32 to vector<16xf32>
        %mul3A_47 = arith.constant 16 : i32
        %mul3A_48 = arith.muli %scan3A_44, %mul3A_47 : i32
        %swap3A = arith.index_cast %mul3A_48 : i32 to index
        %swap3A_49 = tpu.vector_load %arg7[%swap3A] {strides = array<i32>} : memref<10000xf32, #tpu.memory_space<vmem>>, vector<16xf32>,
        %swap3A_50 = vector.shape_cast %swap3A_49 : vector<16xf32> to vector<16xf32>
        %swap3A_51 = vector.shape_cast %broadcast_in_dim3A_46 : vector<16xf32> to vector<16xf32>
        tpu.vector_store %arg7[%swap3A], %swap3A_51 {strides = array<i32>} : memref<10000xf32, #tpu.memory_space<vmem>>, vector<16xf32>,
        %scan3A_52 = arith.constant 0 : i32
        scf.yield %scan3A_52 : i32
      }
      %scan3A_43 = arith.constant 625 : i32
      "tpu.region"() ({
        %run_scoped3A = tpu.sem_alloc : memref<!tpu.dma_semaphore, #tpu.memory_space<semaphore_mem>>
        tpu.enqueue_dma source(%arg7 : memref<10000xf32, #tpu.memory_space<vmem>>) target(%arg4 : memref<10000xf32, #tpu.memory_space<vmem_shared>>) target_semaphore(%run_scoped3A : memref<!tpu.dma_semaphore, #tpu.memory_space<semaphore_mem>>)
        tpu.wait_dma2 semaphore(%run_scoped3A : memref<!tpu.dma_semaphore, #tpu.memory_space<semaphore_mem>>) src(%arg7 : memref<10000xf32, #tpu.memory_space<vmem>>) dst(%arg4 : memref<10000xf32, #tpu.memory_space<vmem_shared>>)
        tpu.yield
      }) : () -> ()
    } else {
    }
    %dma_wait3A = arith.constant 0 : i32
    %dma_wait3A_14 = tpu.memref_slice %arg2[%mul3A_2, %dma_wait3A] : memref<12800x50xi32, #tpu.memory_space<hbm>> -> memref<400x50xi32, #tpu.memory_space<hbm>>
    %dma_wait3A_15 = arith.constant 0 : i32
    %dma_wait3A_16 = tpu.memref_slice %arg2[%mul3A_2, %dma_wait3A_15] : memref<12800x50xi32, #tpu.memory_space<hbm>> -> memref<400x50xi32, #tpu.memory_space<hbm>>
    tpu.wait_dma2 semaphore(%arg9 : memref<!tpu.dma_semaphore, #tpu.memory_space<semaphore_mem>>) src(%dma_wait3A_16 : memref<400x50xi32, #tpu.memory_space<hbm>>) dst(%arg5 : memref<400x50xi32, #tpu.memory_space<vmem>>)
    %barrier3A = arith.constant 0 : index
    tpu.barrier barrier_id(%barrier3A)
    %scan3A_17 = arith.constant 0 : i32
    %scan3A_18 = arith.constant 0 : i32
    %scan3A_19 = arith.constant 400 : i32
    %scan3A_20 = arith.addi %scan3A_18, %scan3A_19 : i32
    %scan3A_21 = arith.constant 1 : i32
    %scan3A_22 = scf.for %scan3A_37 = %scan3A_18 to %scan3A_20 step %scan3A_21 iter_args(%scan3A_38 = %scan3A_17) -> (i32)  : i32 {
      %ge3A = arith.constant 8 : i32
      %ge3A_39 = arith.cmpi sge, %scan3A_37, %ge3A : i32
      %convert_element_type3A_40 = arith.extui %ge3A_39 : i1 to i32
      %cond3A_41 = arith.constant 0 : i32
      %cond3A_42 = arith.cmpi ne, %convert_element_type3A_40, %cond3A_41 : i32
      scf.if %cond3A_42 {
        %dma_wait3A_51 = arith.constant 0 : i32
        %dma_wait3A_52 = tpu.memref_slice %arg6[%dma_wait3A_51] : memref<128xf32, #tpu.memory_space<vmem>> -> memref<50xf32, #tpu.memory_space<vmem>>
        %dma_wait3A_53 = arith.constant 0 : i32
        %dma_wait3A_54 = tpu.memref_slice %arg5[%scan3A_37, %dma_wait3A_53] : memref<400x50xi32, #tpu.memory_space<vmem>> -> memref<1x50xi32, #tpu.memory_space<vmem>>
        %dma_wait3A_55 = tpu.memref_squeeze %dma_wait3A_54 : memref<1x50xi32, #tpu.memory_space<vmem>> -> memref<50xi32, #tpu.memory_space<vmem>>
        %dma_wait3A_56 = arith.constant 0 : i32
        %dma_wait3A_57 = tpu.memref_slice %arg4[%dma_wait3A_56] : memref<10000xf32, #tpu.memory_space<vmem_shared>> -> memref<10000xf32, #tpu.memory_space<vmem_shared>>
        tpu.wait_indirect_dma semaphore(%arg8 : memref<!tpu.dma_semaphore, #tpu.memory_space<semaphore_mem>>) src(%dma_wait3A_52 : memref<50xf32, #tpu.memory_space<vmem>>) dst(%dma_wait3A_57 : memref<10000xf32, #tpu.memory_space<vmem_shared>>)
      } else {
      }
      %dma_start3A_43 = arith.constant 0 : i32
      %dma_start3A_44 = tpu.memref_slice %arg6[%dma_start3A_43] : memref<128xf32, #tpu.memory_space<vmem>> -> memref<50xf32, #tpu.memory_space<vmem>>
      %dma_start3A_45 = arith.constant 0 : i32
      %dma_start3A_46 = tpu.memref_slice %arg5[%scan3A_37, %dma_start3A_45] : memref<400x50xi32, #tpu.memory_space<vmem>> -> memref<1x50xi32, #tpu.memory_space<vmem>>
      %dma_start3A_47 = tpu.memref_squeeze %dma_start3A_46 : memref<1x50xi32, #tpu.memory_space<vmem>> -> memref<50xi32, #tpu.memory_space<vmem>>
      %dma_start3A_48 = arith.constant 0 : i32
      %dma_start3A_49 = tpu.memref_slice %arg4[%dma_start3A_48] : memref<10000xf32, #tpu.memory_space<vmem_shared>> -> memref<10000xf32, #tpu.memory_space<vmem_shared>>
      tpu.enqueue_indirect_dma source(%dma_start3A_44 : memref<50xf32, #tpu.memory_space<vmem>>) target(%dma_start3A_49 : memref<10000xf32, #tpu.memory_space<vmem_shared>>) offsets(%dma_start3A_47 : memref<50xi32, #tpu.memory_space<vmem>>) semaphore(%arg8 : memref<!tpu.dma_semaphore, #tpu.memory_space<semaphore_mem>>) {add = true}
      %scan3A_50 = arith.constant 0 : i32
      scf.yield %scan3A_50 : i32
    }
    %scan3A_23 = arith.constant 400 : i32
    %scan3A_24 = arith.constant 0 : i32
    %scan3A_25 = arith.constant 0 : i32
    %scan3A_26 = arith.constant 8 : i32
    %scan3A_27 = arith.addi %scan3A_25, %scan3A_26 : i32
    %scan3A_28 = arith.constant 1 : i32
    %scan3A_29 = scf.for %scan3A_37 = %scan3A_25 to %scan3A_27 step %scan3A_28 iter_args(%scan3A_38 = %scan3A_24) -> (i32)  : i32 {
      %dma_wait3A_39 = arith.constant 0 : i32
      %dma_wait3A_40 = tpu.memref_slice %arg6[%dma_wait3A_39] : memref<128xf32, #tpu.memory_space<vmem>> -> memref<50xf32, #tpu.memory_space<vmem>>
      %dma_wait3A_41 = arith.constant 0 : i32
      %dma_wait3A_42 = tpu.memref_slice %arg5[%scan3A_37, %dma_wait3A_41] : memref<400x50xi32, #tpu.memory_space<vmem>> -> memref<1x50xi32, #tpu.memory_space<vmem>>
      %dma_wait3A_43 = tpu.memref_squeeze %dma_wait3A_42 : memref<1x50xi32, #tpu.memory_space<vmem>> -> memref<50xi32, #tpu.memory_space<vmem>>
      %dma_wait3A_44 = arith.constant 0 : i32
      %dma_wait3A_45 = tpu.memref_slice %arg4[%dma_wait3A_44] : memref<10000xf32, #tpu.memory_space<vmem_shared>> -> memref<10000xf32, #tpu.memory_space<vmem_shared>>
      tpu.wait_indirect_dma semaphore(%arg8 : memref<!tpu.dma_semaphore, #tpu.memory_space<semaphore_mem>>) src(%dma_wait3A_40 : memref<50xf32, #tpu.memory_space<vmem>>) dst(%dma_wait3A_45 : memref<10000xf32, #tpu.memory_space<vmem_shared>>)
      %scan3A_46 = arith.constant 0 : i32
      scf.yield %scan3A_46 : i32
    }
    %scan3A_30 = arith.constant 8 : i32
    %barrier3A_31 = arith.constant 0 : index
    tpu.barrier barrier_id(%barrier3A_31)
    %eq3A_32 = arith.constant 0 : i32
    %eq3A_33 = arith.cmpi eq, %arg1, %eq3A_32 : i32
    %convert_element_type3A_34 = arith.extui %eq3A_33 : i1 to i32
    %cond3A_35 = arith.constant 0 : i32
    %cond3A_36 = arith.cmpi ne, %convert_element_type3A_34, %cond3A_35 : i32
    scf.if %cond3A_36 {
      "tpu.region"() ({
        %run_scoped3A = tpu.sem_alloc : memref<!tpu.dma_semaphore, #tpu.memory_space<semaphore_mem>>
        tpu.enqueue_dma source(%arg4 : memref<10000xf32, #tpu.memory_space<vmem_shared>>) target(%arg7 : memref<10000xf32, #tpu.memory_space<vmem>>) target_semaphore(%run_scoped3A : memref<!tpu.dma_semaphore, #tpu.memory_space<semaphore_mem>>)
        tpu.wait_dma2 semaphore(%run_scoped3A : memref<!tpu.dma_semaphore, #tpu.memory_space<semaphore_mem>>) src(%arg4 : memref<10000xf32, #tpu.memory_space<vmem_shared>>) dst(%arg7 : memref<10000xf32, #tpu.memory_space<vmem>>)
        tpu.yield
      }) : () -> ()
      "tpu.region"() ({
        %run_scoped3A = tpu.sem_alloc : memref<!tpu.dma_semaphore, #tpu.memory_space<semaphore_mem>>
        %dma_start3A_37 = arith.constant 0 : i32
        %dma_start3A_38 = tpu.memref_slice %arg3[%arg0, %dma_start3A_37] : memref<2x10000xf32, #tpu.memory_space<hbm>> -> memref<1x10000xf32, #tpu.memory_space<hbm>>
        %dma_start3A_39 = tpu.memref_squeeze %dma_start3A_38 : memref<1x10000xf32, #tpu.memory_space<hbm>> -> memref<10000xf32, #tpu.memory_space<hbm>>
        %dma_start3A_40 = arith.constant 0 : i32
        %dma_start3A_41 = tpu.memref_slice %arg3[%arg0, %dma_start3A_40] : memref<2x10000xf32, #tpu.memory_space<hbm>> -> memref<1x10000xf32, #tpu.memory_space<hbm>>
        %dma_start3A_42 = tpu.memref_squeeze %dma_start3A_41 : memref<1x10000xf32, #tpu.memory_space<hbm>> -> memref<10000xf32, #tpu.memory_space<hbm>>
        tpu.enqueue_dma source(%arg7 : memref<10000xf32, #tpu.memory_space<vmem>>) target(%dma_start3A_42 : memref<10000xf32, #tpu.memory_space<hbm>>) target_semaphore(%run_scoped3A : memref<!tpu.dma_semaphore, #tpu.memory_space<semaphore_mem>>)
        %dma_wait3A_43 = arith.constant 0 : i32
        %dma_wait3A_44 = tpu.memref_slice %arg3[%arg0, %dma_wait3A_43] : memref<2x10000xf32, #tpu.memory_space<hbm>> -> memref<1x10000xf32, #tpu.memory_space<hbm>>
        %dma_wait3A_45 = tpu.memref_squeeze %dma_wait3A_44 : memref<1x10000xf32, #tpu.memory_space<hbm>> -> memref<10000xf32, #tpu.memory_space<hbm>>
        %dma_wait3A_46 = arith.constant 0 : i32
        %dma_wait3A_47 = tpu.memref_slice %arg3[%arg0, %dma_wait3A_46] : memref<2x10000xf32, #tpu.memory_space<hbm>> -> memref<1x10000xf32, #tpu.memory_space<hbm>>
        %dma_wait3A_48 = tpu.memref_squeeze %dma_wait3A_47 : memref<1x10000xf32, #tpu.memory_space<hbm>> -> memref<10000xf32, #tpu.memory_space<hbm>>
        tpu.wait_dma2 semaphore(%run_scoped3A : memref<!tpu.dma_semaphore, #tpu.memory_space<semaphore_mem>>) src(%arg7 : memref<10000xf32, #tpu.memory_space<vmem>>) dst(%dma_wait3A_48 : memref<10000xf32, #tpu.memory_space<hbm>>)
        tpu.yield
      }) : () -> ()
    } else {
    }
    return
  }
}

#map = affine_map<(d0, d1) -> (0, 0)>
module attributes {stable_mosaic.version = 14 : i64} {
  func.func @edge_kernel(%arg0: i32, %arg1: i32, %arg2: memref<10000x128xf32, #tpu.memory_space<hbm>>, %arg3: memref<12800x50xi32, #tpu.memory_space<hbm>>, %arg4: memref<20000x128xf32, #tpu.memory_space<hbm>>, %arg5: memref<10000x128xf32, #tpu.memory_space<vmem_shared>>, %arg6: memref<200x50xi32, #tpu.memory_space<vmem>>, %arg7: memref<200x50xi32, #tpu.memory_space<vmem>>, %arg8: memref<50x128xf32, #tpu.memory_space<vmem>>, %arg9: memref<50x128xf32, #tpu.memory_space<vmem>>, %arg10: memref<50x128xf32, #tpu.memory_space<vmem>>, %arg11: memref<50x128xf32, #tpu.memory_space<vmem>>, %arg12: memref<!tpu.dma_semaphore, #tpu.memory_space<semaphore_mem>>, %arg13: memref<!tpu.dma_semaphore, #tpu.memory_space<semaphore_mem>>, %arg14: memref<!tpu.dma_semaphore, #tpu.memory_space<semaphore_mem>>, %arg15: memref<!tpu.dma_semaphore, #tpu.memory_space<semaphore_mem>>, %arg16: memref<!tpu.dma_semaphore, #tpu.memory_space<semaphore_mem>>, %arg17: memref<!tpu.dma_semaphore, #tpu.memory_space<semaphore_mem>>, %arg18: memref<!tpu.dma_semaphore, #tpu.memory_space<semaphore_mem>>, %arg19: memref<!tpu.dma_semaphore, #tpu.memory_space<semaphore_mem>>) attributes {dimension_semantics = [#tpu.dimension_semantics<core_parallel>, #tpu.dimension_semantics<subcore_parallel>], iteration_bounds = array<i64: 2, 16>, scalar_prefetch = 0 : i64, scratch_operands = 15 : i64, tpu.core_type = #tpu.core_type<sc_vector_subcore>, window_params = [{transform_indices = #map}, {transform_indices = #map}, {transform_indices = #map}]} {
    %mul3A = arith.constant 16 : i32
    %mul3A_0 = arith.muli %arg0, %mul3A : i32
    %add3A = arith.addi %mul3A_0, %arg1 : i32
    %mul3A_1 = arith.constant 200 : i32
    %mul3A_2 = arith.muli %add3A, %mul3A_1 : i32
    %dma_start3A = arith.constant 0 : i32
    %dma_start3A_3 = tpu.memref_slice %arg3[%mul3A_2, %dma_start3A] : memref<12800x50xi32, #tpu.memory_space<hbm>> -> memref<200x50xi32, #tpu.memory_space<hbm>>
    %dma_start3A_4 = arith.constant 0 : i32
    %dma_start3A_5 = tpu.memref_slice %arg3[%mul3A_2, %dma_start3A_4] : memref<12800x50xi32, #tpu.memory_space<hbm>> -> memref<200x50xi32, #tpu.memory_space<hbm>>
    tpu.enqueue_dma source(%dma_start3A_5 : memref<200x50xi32, #tpu.memory_space<hbm>>) target(%arg6 : memref<200x50xi32, #tpu.memory_space<vmem>>) target_semaphore(%arg12 : memref<!tpu.dma_semaphore, #tpu.memory_space<semaphore_mem>>)
    %add3A_6 = arith.constant 6400 : i32
    %add3A_7 = arith.addi %add3A_6, %mul3A_2 : i32
    %dma_start3A_8 = arith.constant 0 : i32
    %dma_start3A_9 = tpu.memref_slice %arg3[%add3A_7, %dma_start3A_8] : memref<12800x50xi32, #tpu.memory_space<hbm>> -> memref<200x50xi32, #tpu.memory_space<hbm>>
    %dma_start3A_10 = arith.constant 0 : i32
    %dma_start3A_11 = tpu.memref_slice %arg3[%add3A_7, %dma_start3A_10] : memref<12800x50xi32, #tpu.memory_space<hbm>> -> memref<200x50xi32, #tpu.memory_space<hbm>>
    tpu.enqueue_dma source(%dma_start3A_11 : memref<200x50xi32, #tpu.memory_space<hbm>>) target(%arg7 : memref<200x50xi32, #tpu.memory_space<vmem>>) target_semaphore(%arg13 : memref<!tpu.dma_semaphore, #tpu.memory_space<semaphore_mem>>)
    %scan3A = arith.constant 0 : i32
    %scan3A_12 = arith.constant 0 : i32
    %scan3A_13 = arith.constant 50 : i32
    %scan3A_14 = arith.addi %scan3A_12, %scan3A_13 : i32
    %scan3A_15 = arith.constant 1 : i32
    %scan3A_16 = scf.for %scan3A_109 = %scan3A_12 to %scan3A_14 step %scan3A_15 iter_args(%scan3A_110 = %scan3A) -> (i32)  : i32 {
      %broadcast_in_dim3A = arith.constant 0.000000e+00 : f32
      %broadcast_in_dim3A_111 = vector.broadcast %broadcast_in_dim3A : f32 to vector<16xf32>
      %swap3A = arith.index_cast %scan3A_109 : i32 to index
      %swap3A_112 = arith.constant 0 : index
      %swap3A_113 = tpu.vector_load %arg8[%swap3A, %swap3A_112] {strides = array<i32>} : memref<50x128xf32, #tpu.memory_space<vmem>>, vector<1x16xf32>,
      %swap3A_114 = vector.shape_cast %swap3A_113 : vector<1x16xf32> to vector<16xf32>
      %swap3A_115 = vector.shape_cast %broadcast_in_dim3A_111 : vector<16xf32> to vector<1x16xf32>
      tpu.vector_store %arg8[%swap3A, %swap3A_112], %swap3A_115 {strides = array<i32>} : memref<50x128xf32, #tpu.memory_space<vmem>>, vector<1x16xf32>,
      %broadcast_in_dim3A_116 = arith.constant 0.000000e+00 : f32
      %broadcast_in_dim3A_117 = vector.broadcast %broadcast_in_dim3A_116 : f32 to vector<16xf32>
      %swap3A_118 = arith.index_cast %scan3A_109 : i32 to index
      %swap3A_119 = arith.constant 16 : index
      %swap3A_120 = tpu.vector_load %arg8[%swap3A_118, %swap3A_119] {strides = array<i32>} : memref<50x128xf32, #tpu.memory_space<vmem>>, vector<1x16xf32>,
      %swap3A_121 = vector.shape_cast %swap3A_120 : vector<1x16xf32> to vector<16xf32>
      %swap3A_122 = vector.shape_cast %broadcast_in_dim3A_117 : vector<16xf32> to vector<1x16xf32>
      tpu.vector_store %arg8[%swap3A_118, %swap3A_119], %swap3A_122 {strides = array<i32>} : memref<50x128xf32, #tpu.memory_space<vmem>>, vector<1x16xf32>,
      %broadcast_in_dim3A_123 = arith.constant 0.000000e+00 : f32
      %broadcast_in_dim3A_124 = vector.broadcast %broadcast_in_dim3A_123 : f32 to vector<16xf32>
      %swap3A_125 = arith.index_cast %scan3A_109 : i32 to index
      %swap3A_126 = arith.constant 32 : index
      %swap3A_127 = tpu.vector_load %arg8[%swap3A_125, %swap3A_126] {strides = array<i32>} : memref<50x128xf32, #tpu.memory_space<vmem>>, vector<1x16xf32>,
      %swap3A_128 = vector.shape_cast %swap3A_127 : vector<1x16xf32> to vector<16xf32>
      %swap3A_129 = vector.shape_cast %broadcast_in_dim3A_124 : vector<16xf32> to vector<1x16xf32>
      tpu.vector_store %arg8[%swap3A_125, %swap3A_126], %swap3A_129 {strides = array<i32>} : memref<50x128xf32, #tpu.memory_space<vmem>>, vector<1x16xf32>,
      %broadcast_in_dim3A_130 = arith.constant 0.000000e+00 : f32
      %broadcast_in_dim3A_131 = vector.broadcast %broadcast_in_dim3A_130 : f32 to vector<16xf32>
      %swap3A_132 = arith.index_cast %scan3A_109 : i32 to index
      %swap3A_133 = arith.constant 48 : index
      %swap3A_134 = tpu.vector_load %arg8[%swap3A_132, %swap3A_133] {strides = array<i32>} : memref<50x128xf32, #tpu.memory_space<vmem>>, vector<1x16xf32>,
      %swap3A_135 = vector.shape_cast %swap3A_134 : vector<1x16xf32> to vector<16xf32>
      %swap3A_136 = vector.shape_cast %broadcast_in_dim3A_131 : vector<16xf32> to vector<1x16xf32>
      tpu.vector_store %arg8[%swap3A_132, %swap3A_133], %swap3A_136 {strides = array<i32>} : memref<50x128xf32, #tpu.memory_space<vmem>>, vector<1x16xf32>,
      %broadcast_in_dim3A_137 = arith.constant 0.000000e+00 : f32
      %broadcast_in_dim3A_138 = vector.broadcast %broadcast_in_dim3A_137 : f32 to vector<16xf32>
      %swap3A_139 = arith.index_cast %scan3A_109 : i32 to index
      %swap3A_140 = arith.constant 64 : index
      %swap3A_141 = tpu.vector_load %arg8[%swap3A_139, %swap3A_140] {strides = array<i32>} : memref<50x128xf32, #tpu.memory_space<vmem>>, vector<1x16xf32>,
      %swap3A_142 = vector.shape_cast %swap3A_141 : vector<1x16xf32> to vector<16xf32>
      %swap3A_143 = vector.shape_cast %broadcast_in_dim3A_138 : vector<16xf32> to vector<1x16xf32>
      tpu.vector_store %arg8[%swap3A_139, %swap3A_140], %swap3A_143 {strides = array<i32>} : memref<50x128xf32, #tpu.memory_space<vmem>>, vector<1x16xf32>,
      %broadcast_in_dim3A_144 = arith.constant 0.000000e+00 : f32
      %broadcast_in_dim3A_145 = vector.broadcast %broadcast_in_dim3A_144 : f32 to vector<16xf32>
      %swap3A_146 = arith.index_cast %scan3A_109 : i32 to index
      %swap3A_147 = arith.constant 80 : index
      %swap3A_148 = tpu.vector_load %arg8[%swap3A_146, %swap3A_147] {strides = array<i32>} : memref<50x128xf32, #tpu.memory_space<vmem>>, vector<1x16xf32>,
      %swap3A_149 = vector.shape_cast %swap3A_148 : vector<1x16xf32> to vector<16xf32>
      %swap3A_150 = vector.shape_cast %broadcast_in_dim3A_145 : vector<16xf32> to vector<1x16xf32>
      tpu.vector_store %arg8[%swap3A_146, %swap3A_147], %swap3A_150 {strides = array<i32>} : memref<50x128xf32, #tpu.memory_space<vmem>>, vector<1x16xf32>,
      %broadcast_in_dim3A_151 = arith.constant 0.000000e+00 : f32
      %broadcast_in_dim3A_152 = vector.broadcast %broadcast_in_dim3A_151 : f32 to vector<16xf32>
      %swap3A_153 = arith.index_cast %scan3A_109 : i32 to index
      %swap3A_154 = arith.constant 96 : index
      %swap3A_155 = tpu.vector_load %arg8[%swap3A_153, %swap3A_154] {strides = array<i32>} : memref<50x128xf32, #tpu.memory_space<vmem>>, vector<1x16xf32>,
      %swap3A_156 = vector.shape_cast %swap3A_155 : vector<1x16xf32> to vector<16xf32>
      %swap3A_157 = vector.shape_cast %broadcast_in_dim3A_152 : vector<16xf32> to vector<1x16xf32>
      tpu.vector_store %arg8[%swap3A_153, %swap3A_154], %swap3A_157 {strides = array<i32>} : memref<50x128xf32, #tpu.memory_space<vmem>>, vector<1x16xf32>,
      %broadcast_in_dim3A_158 = arith.constant 0.000000e+00 : f32
      %broadcast_in_dim3A_159 = vector.broadcast %broadcast_in_dim3A_158 : f32 to vector<16xf32>
      %swap3A_160 = arith.index_cast %scan3A_109 : i32 to index
      %swap3A_161 = arith.constant 112 : index
      %swap3A_162 = tpu.vector_load %arg8[%swap3A_160, %swap3A_161] {strides = array<i32>} : memref<50x128xf32, #tpu.memory_space<vmem>>, vector<1x16xf32>,
      %swap3A_163 = vector.shape_cast %swap3A_162 : vector<1x16xf32> to vector<16xf32>
      %swap3A_164 = vector.shape_cast %broadcast_in_dim3A_159 : vector<16xf32> to vector<1x16xf32>
      tpu.vector_store %arg8[%swap3A_160, %swap3A_161], %swap3A_164 {strides = array<i32>} : memref<50x128xf32, #tpu.memory_space<vmem>>, vector<1x16xf32>,
      %scan3A_165 = arith.constant 0 : i32
      scf.yield %scan3A_165 : i32
    }
    %scan3A_17 = arith.constant 50 : i32
    %scan3A_18 = arith.constant 0 : i32
    %scan3A_19 = arith.constant 0 : i32
    %scan3A_20 = arith.constant 13 : i32
    %scan3A_21 = arith.addi %scan3A_19, %scan3A_20 : i32
    %scan3A_22 = arith.constant 1 : i32
    %scan3A_23 = scf.for %scan3A_109 = %scan3A_19 to %scan3A_21 step %scan3A_22 iter_args(%scan3A_110 = %scan3A_18) -> (i32)  : i32 {
      %mul3A_111 = arith.constant 624 : i32
      %mul3A_112 = arith.muli %arg1, %mul3A_111 : i32
      %mul3A_113 = arith.constant 48 : i32
      %mul3A_114 = arith.muli %scan3A_109, %mul3A_113 : i32
      %add3A_115 = arith.addi %mul3A_112, %mul3A_114 : i32
      "tpu.region"() ({
        %run_scoped3A = tpu.sem_alloc : memref<!tpu.dma_semaphore, #tpu.memory_space<semaphore_mem>>
        %dma_start3A_117 = arith.constant 0 : i32
        %dma_start3A_118 = arith.constant 0 : i32
        %dma_start3A_119 = tpu.memref_slice %arg8[%dma_start3A_117, %dma_start3A_118] : memref<50x128xf32, #tpu.memory_space<vmem>> -> memref<48x128xf32, #tpu.memory_space<vmem>>
        %dma_start3A_120 = arith.constant 0 : i32
        %dma_start3A_121 = tpu.memref_slice %arg5[%add3A_115, %dma_start3A_120] : memref<10000x128xf32, #tpu.memory_space<vmem_shared>> -> memref<48x128xf32, #tpu.memory_space<vmem_shared>>
        %dma_start3A_122 = arith.constant 0 : i32
        %dma_start3A_123 = tpu.memref_slice %arg5[%add3A_115, %dma_start3A_122] : memref<10000x128xf32, #tpu.memory_space<vmem_shared>> -> memref<48x128xf32, #tpu.memory_space<vmem_shared>>
        %dma_start3A_124 = arith.constant 0 : i32
        %dma_start3A_125 = arith.constant 0 : i32
        %dma_start3A_126 = tpu.memref_slice %arg8[%dma_start3A_124, %dma_start3A_125] : memref<50x128xf32, #tpu.memory_space<vmem>> -> memref<48x128xf32, #tpu.memory_space<vmem>>
        tpu.enqueue_dma source(%dma_start3A_126 : memref<48x128xf32, #tpu.memory_space<vmem>>) target(%dma_start3A_123 : memref<48x128xf32, #tpu.memory_space<vmem_shared>>) target_semaphore(%run_scoped3A : memref<!tpu.dma_semaphore, #tpu.memory_space<semaphore_mem>>)
        %dma_wait3A_127 = arith.constant 0 : i32
        %dma_wait3A_128 = arith.constant 0 : i32
        %dma_wait3A_129 = tpu.memref_slice %arg8[%dma_wait3A_127, %dma_wait3A_128] : memref<50x128xf32, #tpu.memory_space<vmem>> -> memref<48x128xf32, #tpu.memory_space<vmem>>
        %dma_wait3A_130 = arith.constant 0 : i32
        %dma_wait3A_131 = tpu.memref_slice %arg5[%add3A_115, %dma_wait3A_130] : memref<10000x128xf32, #tpu.memory_space<vmem_shared>> -> memref<48x128xf32, #tpu.memory_space<vmem_shared>>
        %dma_wait3A_132 = arith.constant 0 : i32
        %dma_wait3A_133 = tpu.memref_slice %arg5[%add3A_115, %dma_wait3A_132] : memref<10000x128xf32, #tpu.memory_space<vmem_shared>> -> memref<48x128xf32, #tpu.memory_space<vmem_shared>>
        %dma_wait3A_134 = arith.constant 0 : i32
        %dma_wait3A_135 = arith.constant 0 : i32
        %dma_wait3A_136 = tpu.memref_slice %arg8[%dma_wait3A_134, %dma_wait3A_135] : memref<50x128xf32, #tpu.memory_space<vmem>> -> memref<48x128xf32, #tpu.memory_space<vmem>>
        tpu.wait_dma2 semaphore(%run_scoped3A : memref<!tpu.dma_semaphore, #tpu.memory_space<semaphore_mem>>) src(%dma_wait3A_136 : memref<48x128xf32, #tpu.memory_space<vmem>>) dst(%dma_wait3A_133 : memref<48x128xf32, #tpu.memory_space<vmem_shared>>)
        tpu.yield
      }) : () -> ()
      %scan3A_116 = arith.constant 0 : i32
      scf.yield %scan3A_116 : i32
    }
    %scan3A_24 = arith.constant 13 : i32
    %eq3A = arith.constant 15 : i32
    %eq3A_25 = arith.cmpi eq, %arg1, %eq3A : i32
    %convert_element_type3A = arith.extui %eq3A_25 : i1 to i32
    %cond3A = arith.constant 0 : i32
    %cond3A_26 = arith.cmpi ne, %convert_element_type3A, %cond3A : i32
    scf.if %cond3A_26 {
      "tpu.region"() ({
        %run_scoped3A = tpu.sem_alloc : memref<!tpu.dma_semaphore, #tpu.memory_space<semaphore_mem>>
        %dma_start3A_109 = arith.constant 0 : i32
        %dma_start3A_110 = arith.constant 0 : i32
        %dma_start3A_111 = tpu.memref_slice %arg8[%dma_start3A_109, %dma_start3A_110] : memref<50x128xf32, #tpu.memory_space<vmem>> -> memref<16x128xf32, #tpu.memory_space<vmem>>
        %dma_start3A_112 = arith.constant 9984 : i32
        %dma_start3A_113 = arith.constant 0 : i32
        %dma_start3A_114 = tpu.memref_slice %arg5[%dma_start3A_112, %dma_start3A_113] : memref<10000x128xf32, #tpu.memory_space<vmem_shared>> -> memref<16x128xf32, #tpu.memory_space<vmem_shared>>
        %dma_start3A_115 = arith.constant 9984 : i32
        %dma_start3A_116 = arith.constant 0 : i32
        %dma_start3A_117 = tpu.memref_slice %arg5[%dma_start3A_115, %dma_start3A_116] : memref<10000x128xf32, #tpu.memory_space<vmem_shared>> -> memref<16x128xf32, #tpu.memory_space<vmem_shared>>
        %dma_start3A_118 = arith.constant 0 : i32
        %dma_start3A_119 = arith.constant 0 : i32
        %dma_start3A_120 = tpu.memref_slice %arg8[%dma_start3A_118, %dma_start3A_119] : memref<50x128xf32, #tpu.memory_space<vmem>> -> memref<16x128xf32, #tpu.memory_space<vmem>>
        tpu.enqueue_dma source(%dma_start3A_120 : memref<16x128xf32, #tpu.memory_space<vmem>>) target(%dma_start3A_117 : memref<16x128xf32, #tpu.memory_space<vmem_shared>>) target_semaphore(%run_scoped3A : memref<!tpu.dma_semaphore, #tpu.memory_space<semaphore_mem>>)
        %dma_wait3A_121 = arith.constant 0 : i32
        %dma_wait3A_122 = arith.constant 0 : i32
        %dma_wait3A_123 = tpu.memref_slice %arg8[%dma_wait3A_121, %dma_wait3A_122] : memref<50x128xf32, #tpu.memory_space<vmem>> -> memref<16x128xf32, #tpu.memory_space<vmem>>
        %dma_wait3A_124 = arith.constant 9984 : i32
        %dma_wait3A_125 = arith.constant 0 : i32
        %dma_wait3A_126 = tpu.memref_slice %arg5[%dma_wait3A_124, %dma_wait3A_125] : memref<10000x128xf32, #tpu.memory_space<vmem_shared>> -> memref<16x128xf32, #tpu.memory_space<vmem_shared>>
        %dma_wait3A_127 = arith.constant 9984 : i32
        %dma_wait3A_128 = arith.constant 0 : i32
        %dma_wait3A_129 = tpu.memref_slice %arg5[%dma_wait3A_127, %dma_wait3A_128] : memref<10000x128xf32, #tpu.memory_space<vmem_shared>> -> memref<16x128xf32, #tpu.memory_space<vmem_shared>>
        %dma_wait3A_130 = arith.constant 0 : i32
        %dma_wait3A_131 = arith.constant 0 : i32
        %dma_wait3A_132 = tpu.memref_slice %arg8[%dma_wait3A_130, %dma_wait3A_131] : memref<50x128xf32, #tpu.memory_space<vmem>> -> memref<16x128xf32, #tpu.memory_space<vmem>>
        tpu.wait_dma2 semaphore(%run_scoped3A : memref<!tpu.dma_semaphore, #tpu.memory_space<semaphore_mem>>) src(%dma_wait3A_132 : memref<16x128xf32, #tpu.memory_space<vmem>>) dst(%dma_wait3A_129 : memref<16x128xf32, #tpu.memory_space<vmem_shared>>)
        tpu.yield
      }) : () -> ()
    } else {
    }
    %dma_wait3A = arith.constant 0 : i32
    %dma_wait3A_27 = tpu.memref_slice %arg3[%mul3A_2, %dma_wait3A] : memref<12800x50xi32, #tpu.memory_space<hbm>> -> memref<200x50xi32, #tpu.memory_space<hbm>>
    %dma_wait3A_28 = arith.constant 0 : i32
    %dma_wait3A_29 = tpu.memref_slice %arg3[%mul3A_2, %dma_wait3A_28] : memref<12800x50xi32, #tpu.memory_space<hbm>> -> memref<200x50xi32, #tpu.memory_space<hbm>>
    tpu.wait_dma2 semaphore(%arg12 : memref<!tpu.dma_semaphore, #tpu.memory_space<semaphore_mem>>) src(%dma_wait3A_29 : memref<200x50xi32, #tpu.memory_space<hbm>>) dst(%arg6 : memref<200x50xi32, #tpu.memory_space<vmem>>)
    %add3A_30 = arith.constant 6400 : i32
    %add3A_31 = arith.addi %add3A_30, %mul3A_2 : i32
    %dma_wait3A_32 = arith.constant 0 : i32
    %dma_wait3A_33 = tpu.memref_slice %arg3[%add3A_31, %dma_wait3A_32] : memref<12800x50xi32, #tpu.memory_space<hbm>> -> memref<200x50xi32, #tpu.memory_space<hbm>>
    %dma_wait3A_34 = arith.constant 0 : i32
    %dma_wait3A_35 = tpu.memref_slice %arg3[%add3A_31, %dma_wait3A_34] : memref<12800x50xi32, #tpu.memory_space<hbm>> -> memref<200x50xi32, #tpu.memory_space<hbm>>
    tpu.wait_dma2 semaphore(%arg13 : memref<!tpu.dma_semaphore, #tpu.memory_space<semaphore_mem>>) src(%dma_wait3A_35 : memref<200x50xi32, #tpu.memory_space<hbm>>) dst(%arg7 : memref<200x50xi32, #tpu.memory_space<vmem>>)
    %barrier3A = arith.constant 0 : index
    tpu.barrier barrier_id(%barrier3A)
    %dma_start3A_36 = arith.constant 0 : i32
    %dma_start3A_37 = arith.constant 0 : i32
    %dma_start3A_38 = tpu.memref_slice %arg6[%dma_start3A_36, %dma_start3A_37] : memref<200x50xi32, #tpu.memory_space<vmem>> -> memref<1x50xi32, #tpu.memory_space<vmem>>
    %dma_start3A_39 = tpu.memref_squeeze %dma_start3A_38 : memref<1x50xi32, #tpu.memory_space<vmem>> -> memref<50xi32, #tpu.memory_space<vmem>>
    %dma_start3A_40 = arith.constant 0 : i32
    %dma_start3A_41 = arith.constant 0 : i32
    %dma_start3A_42 = tpu.memref_slice %arg2[%dma_start3A_40, %dma_start3A_41] : memref<10000x128xf32, #tpu.memory_space<hbm>> -> memref<10000x128xf32, #tpu.memory_space<hbm>>
    tpu.enqueue_indirect_dma source(%dma_start3A_42 : memref<10000x128xf32, #tpu.memory_space<hbm>>) target(%arg8 : memref<50x128xf32, #tpu.memory_space<vmem>>) offsets(%dma_start3A_39 : memref<50xi32, #tpu.memory_space<vmem>>) semaphore(%arg12 : memref<!tpu.dma_semaphore, #tpu.memory_space<semaphore_mem>>)
    %dma_start3A_43 = arith.constant 1 : i32
    %dma_start3A_44 = arith.constant 0 : i32
    %dma_start3A_45 = tpu.memref_slice %arg6[%dma_start3A_43, %dma_start3A_44] : memref<200x50xi32, #tpu.memory_space<vmem>> -> memref<1x50xi32, #tpu.memory_space<vmem>>
    %dma_start3A_46 = tpu.memref_squeeze %dma_start3A_45 : memref<1x50xi32, #tpu.memory_space<vmem>> -> memref<50xi32, #tpu.memory_space<vmem>>
    %dma_start3A_47 = arith.constant 0 : i32
    %dma_start3A_48 = arith.constant 0 : i32
    %dma_start3A_49 = tpu.memref_slice %arg2[%dma_start3A_47, %dma_start3A_48] : memref<10000x128xf32, #tpu.memory_space<hbm>> -> memref<10000x128xf32, #tpu.memory_space<hbm>>
    tpu.enqueue_indirect_dma source(%dma_start3A_49 : memref<10000x128xf32, #tpu.memory_space<hbm>>) target(%arg9 : memref<50x128xf32, #tpu.memory_space<vmem>>) offsets(%dma_start3A_46 : memref<50xi32, #tpu.memory_space<vmem>>) semaphore(%arg13 : memref<!tpu.dma_semaphore, #tpu.memory_space<semaphore_mem>>)
    %dma_start3A_50 = arith.constant 2 : i32
    %dma_start3A_51 = arith.constant 0 : i32
    %dma_start3A_52 = tpu.memref_slice %arg6[%dma_start3A_50, %dma_start3A_51] : memref<200x50xi32, #tpu.memory_space<vmem>> -> memref<1x50xi32, #tpu.memory_space<vmem>>
    %dma_start3A_53 = tpu.memref_squeeze %dma_start3A_52 : memref<1x50xi32, #tpu.memory_space<vmem>> -> memref<50xi32, #tpu.memory_space<vmem>>
    %dma_start3A_54 = arith.constant 0 : i32
    %dma_start3A_55 = arith.constant 0 : i32
    %dma_start3A_56 = tpu.memref_slice %arg2[%dma_start3A_54, %dma_start3A_55] : memref<10000x128xf32, #tpu.memory_space<hbm>> -> memref<10000x128xf32, #tpu.memory_space<hbm>>
    tpu.enqueue_indirect_dma source(%dma_start3A_56 : memref<10000x128xf32, #tpu.memory_space<hbm>>) target(%arg10 : memref<50x128xf32, #tpu.memory_space<vmem>>) offsets(%dma_start3A_53 : memref<50xi32, #tpu.memory_space<vmem>>) semaphore(%arg14 : memref<!tpu.dma_semaphore, #tpu.memory_space<semaphore_mem>>)
    %dma_start3A_57 = arith.constant 3 : i32
    %dma_start3A_58 = arith.constant 0 : i32
    %dma_start3A_59 = tpu.memref_slice %arg6[%dma_start3A_57, %dma_start3A_58] : memref<200x50xi32, #tpu.memory_space<vmem>> -> memref<1x50xi32, #tpu.memory_space<vmem>>
    %dma_start3A_60 = tpu.memref_squeeze %dma_start3A_59 : memref<1x50xi32, #tpu.memory_space<vmem>> -> memref<50xi32, #tpu.memory_space<vmem>>
    %dma_start3A_61 = arith.constant 0 : i32
    %dma_start3A_62 = arith.constant 0 : i32
    %dma_start3A_63 = tpu.memref_slice %arg2[%dma_start3A_61, %dma_start3A_62] : memref<10000x128xf32, #tpu.memory_space<hbm>> -> memref<10000x128xf32, #tpu.memory_space<hbm>>
    tpu.enqueue_indirect_dma source(%dma_start3A_63 : memref<10000x128xf32, #tpu.memory_space<hbm>>) target(%arg11 : memref<50x128xf32, #tpu.memory_space<vmem>>) offsets(%dma_start3A_60 : memref<50xi32, #tpu.memory_space<vmem>>) semaphore(%arg15 : memref<!tpu.dma_semaphore, #tpu.memory_space<semaphore_mem>>)
    %scan3A_64 = arith.constant 0 : i32
    %scan3A_65 = arith.constant 0 : i32
    %scan3A_66 = arith.constant 50 : i32
    %scan3A_67 = arith.addi %scan3A_65, %scan3A_66 : i32
    %scan3A_68 = arith.constant 1 : i32
    %scan3A_69 = scf.for %scan3A_109 = %scan3A_65 to %scan3A_67 step %scan3A_68 iter_args(%scan3A_110 = %scan3A_64) -> (i32)  : i32 {
      %mul3A_111 = arith.constant 4 : i32
      %mul3A_112 = arith.muli %scan3A_109, %mul3A_111 : i32
      %add3A_113 = arith.constant 0 : i32
      %add3A_114 = arith.addi %mul3A_112, %add3A_113 : i32
      %dma_wait3A_115 = arith.constant 0 : i32
      %dma_wait3A_116 = tpu.memref_slice %arg6[%add3A_114, %dma_wait3A_115] : memref<200x50xi32, #tpu.memory_space<vmem>> -> memref<1x50xi32, #tpu.memory_space<vmem>>
      %dma_wait3A_117 = tpu.memref_squeeze %dma_wait3A_116 : memref<1x50xi32, #tpu.memory_space<vmem>> -> memref<50xi32, #tpu.memory_space<vmem>>
      %dma_wait3A_118 = arith.constant 0 : i32
      %dma_wait3A_119 = arith.constant 0 : i32
      %dma_wait3A_120 = tpu.memref_slice %arg2[%dma_wait3A_118, %dma_wait3A_119] : memref<10000x128xf32, #tpu.memory_space<hbm>> -> memref<10000x128xf32, #tpu.memory_space<hbm>>
      tpu.wait_indirect_dma semaphore(%arg12 : memref<!tpu.dma_semaphore, #tpu.memory_space<semaphore_mem>>) src(%dma_wait3A_120 : memref<10000x128xf32, #tpu.memory_space<hbm>>) dst(%arg8 : memref<50x128xf32, #tpu.memory_space<vmem>>)
      %dma_start3A_121 = arith.constant 0 : i32
      %dma_start3A_122 = tpu.memref_slice %arg7[%add3A_114, %dma_start3A_121] : memref<200x50xi32, #tpu.memory_space<vmem>> -> memref<1x50xi32, #tpu.memory_space<vmem>>
      %dma_start3A_123 = tpu.memref_squeeze %dma_start3A_122 : memref<1x50xi32, #tpu.memory_space<vmem>> -> memref<50xi32, #tpu.memory_space<vmem>>
      %dma_start3A_124 = arith.constant 0 : i32
      %dma_start3A_125 = arith.constant 0 : i32
      %dma_start3A_126 = tpu.memref_slice %arg5[%dma_start3A_124, %dma_start3A_125] : memref<10000x128xf32, #tpu.memory_space<vmem_shared>> -> memref<10000x128xf32, #tpu.memory_space<vmem_shared>>
      tpu.enqueue_indirect_dma source(%arg8 : memref<50x128xf32, #tpu.memory_space<vmem>>) target(%dma_start3A_126 : memref<10000x128xf32, #tpu.memory_space<vmem_shared>>) offsets(%dma_start3A_123 : memref<50xi32, #tpu.memory_space<vmem>>) semaphore(%arg16 : memref<!tpu.dma_semaphore, #tpu.memory_space<semaphore_mem>>) {add = true}
      %lt3A_127 = arith.constant 49 : i32
      %lt3A_128 = arith.cmpi slt, %scan3A_109, %lt3A_127 : i32
      %convert_element_type3A_129 = arith.extui %lt3A_128 : i1 to i32
      %cond3A_130 = arith.constant 0 : i32
      %cond3A_131 = arith.cmpi ne, %convert_element_type3A_129, %cond3A_130 : i32
      scf.if %cond3A_131 {
        %dma_wait3A_196 = arith.constant 0 : i32
        %dma_wait3A_197 = tpu.memref_slice %arg7[%add3A_114, %dma_wait3A_196] : memref<200x50xi32, #tpu.memory_space<vmem>> -> memref<1x50xi32, #tpu.memory_space<vmem>>
        %dma_wait3A_198 = tpu.memref_squeeze %dma_wait3A_197 : memref<1x50xi32, #tpu.memory_space<vmem>> -> memref<50xi32, #tpu.memory_space<vmem>>
        %dma_wait3A_199 = arith.constant 0 : i32
        %dma_wait3A_200 = arith.constant 0 : i32
        %dma_wait3A_201 = tpu.memref_slice %arg5[%dma_wait3A_199, %dma_wait3A_200] : memref<10000x128xf32, #tpu.memory_space<vmem_shared>> -> memref<10000x128xf32, #tpu.memory_space<vmem_shared>>
        tpu.wait_indirect_dma semaphore(%arg16 : memref<!tpu.dma_semaphore, #tpu.memory_space<semaphore_mem>>) src(%arg8 : memref<50x128xf32, #tpu.memory_space<vmem>>) dst(%dma_wait3A_201 : memref<10000x128xf32, #tpu.memory_space<vmem_shared>>)
        %add3A_202 = arith.constant 4 : i32
        %add3A_203 = arith.addi %add3A_114, %add3A_202 : i32
        %dma_start3A_204 = arith.constant 0 : i32
        %dma_start3A_205 = tpu.memref_slice %arg6[%add3A_203, %dma_start3A_204] : memref<200x50xi32, #tpu.memory_space<vmem>> -> memref<1x50xi32, #tpu.memory_space<vmem>>
        %dma_start3A_206 = tpu.memref_squeeze %dma_start3A_205 : memref<1x50xi32, #tpu.memory_space<vmem>> -> memref<50xi32, #tpu.memory_space<vmem>>
        %dma_start3A_207 = arith.constant 0 : i32
        %dma_start3A_208 = arith.constant 0 : i32
        %dma_start3A_209 = tpu.memref_slice %arg2[%dma_start3A_207, %dma_start3A_208] : memref<10000x128xf32, #tpu.memory_space<hbm>> -> memref<10000x128xf32, #tpu.memory_space<hbm>>
        tpu.enqueue_indirect_dma source(%dma_start3A_209 : memref<10000x128xf32, #tpu.memory_space<hbm>>) target(%arg8 : memref<50x128xf32, #tpu.memory_space<vmem>>) offsets(%dma_start3A_206 : memref<50xi32, #tpu.memory_space<vmem>>) semaphore(%arg12 : memref<!tpu.dma_semaphore, #tpu.memory_space<semaphore_mem>>)
      } else {
      }
      %mul3A_132 = arith.constant 4 : i32
      %mul3A_133 = arith.muli %scan3A_109, %mul3A_132 : i32
      %add3A_134 = arith.constant 1 : i32
      %add3A_135 = arith.addi %mul3A_133, %add3A_134 : i32
      %dma_wait3A_136 = arith.constant 0 : i32
      %dma_wait3A_137 = tpu.memref_slice %arg6[%add3A_135, %dma_wait3A_136] : memref<200x50xi32, #tpu.memory_space<vmem>> -> memref<1x50xi32, #tpu.memory_space<vmem>>
      %dma_wait3A_138 = tpu.memref_squeeze %dma_wait3A_137 : memref<1x50xi32, #tpu.memory_space<vmem>> -> memref<50xi32, #tpu.memory_space<vmem>>
      %dma_wait3A_139 = arith.constant 0 : i32
      %dma_wait3A_140 = arith.constant 0 : i32
      %dma_wait3A_141 = tpu.memref_slice %arg2[%dma_wait3A_139, %dma_wait3A_140] : memref<10000x128xf32, #tpu.memory_space<hbm>> -> memref<10000x128xf32, #tpu.memory_space<hbm>>
      tpu.wait_indirect_dma semaphore(%arg13 : memref<!tpu.dma_semaphore, #tpu.memory_space<semaphore_mem>>) src(%dma_wait3A_141 : memref<10000x128xf32, #tpu.memory_space<hbm>>) dst(%arg9 : memref<50x128xf32, #tpu.memory_space<vmem>>)
      %dma_start3A_142 = arith.constant 0 : i32
      %dma_start3A_143 = tpu.memref_slice %arg7[%add3A_135, %dma_start3A_142] : memref<200x50xi32, #tpu.memory_space<vmem>> -> memref<1x50xi32, #tpu.memory_space<vmem>>
      %dma_start3A_144 = tpu.memref_squeeze %dma_start3A_143 : memref<1x50xi32, #tpu.memory_space<vmem>> -> memref<50xi32, #tpu.memory_space<vmem>>
      %dma_start3A_145 = arith.constant 0 : i32
      %dma_start3A_146 = arith.constant 0 : i32
      %dma_start3A_147 = tpu.memref_slice %arg5[%dma_start3A_145, %dma_start3A_146] : memref<10000x128xf32, #tpu.memory_space<vmem_shared>> -> memref<10000x128xf32, #tpu.memory_space<vmem_shared>>
      tpu.enqueue_indirect_dma source(%arg9 : memref<50x128xf32, #tpu.memory_space<vmem>>) target(%dma_start3A_147 : memref<10000x128xf32, #tpu.memory_space<vmem_shared>>) offsets(%dma_start3A_144 : memref<50xi32, #tpu.memory_space<vmem>>) semaphore(%arg17 : memref<!tpu.dma_semaphore, #tpu.memory_space<semaphore_mem>>) {add = true}
      %lt3A_148 = arith.constant 49 : i32
      %lt3A_149 = arith.cmpi slt, %scan3A_109, %lt3A_148 : i32
      %convert_element_type3A_150 = arith.extui %lt3A_149 : i1 to i32
      %cond3A_151 = arith.constant 0 : i32
      %cond3A_152 = arith.cmpi ne, %convert_element_type3A_150, %cond3A_151 : i32
      scf.if %cond3A_152 {
        %dma_wait3A_196 = arith.constant 0 : i32
        %dma_wait3A_197 = tpu.memref_slice %arg7[%add3A_135, %dma_wait3A_196] : memref<200x50xi32, #tpu.memory_space<vmem>> -> memref<1x50xi32, #tpu.memory_space<vmem>>
        %dma_wait3A_198 = tpu.memref_squeeze %dma_wait3A_197 : memref<1x50xi32, #tpu.memory_space<vmem>> -> memref<50xi32, #tpu.memory_space<vmem>>
        %dma_wait3A_199 = arith.constant 0 : i32
        %dma_wait3A_200 = arith.constant 0 : i32
        %dma_wait3A_201 = tpu.memref_slice %arg5[%dma_wait3A_199, %dma_wait3A_200] : memref<10000x128xf32, #tpu.memory_space<vmem_shared>> -> memref<10000x128xf32, #tpu.memory_space<vmem_shared>>
        tpu.wait_indirect_dma semaphore(%arg17 : memref<!tpu.dma_semaphore, #tpu.memory_space<semaphore_mem>>) src(%arg9 : memref<50x128xf32, #tpu.memory_space<vmem>>) dst(%dma_wait3A_201 : memref<10000x128xf32, #tpu.memory_space<vmem_shared>>)
        %add3A_202 = arith.constant 4 : i32
        %add3A_203 = arith.addi %add3A_135, %add3A_202 : i32
        %dma_start3A_204 = arith.constant 0 : i32
        %dma_start3A_205 = tpu.memref_slice %arg6[%add3A_203, %dma_start3A_204] : memref<200x50xi32, #tpu.memory_space<vmem>> -> memref<1x50xi32, #tpu.memory_space<vmem>>
        %dma_start3A_206 = tpu.memref_squeeze %dma_start3A_205 : memref<1x50xi32, #tpu.memory_space<vmem>> -> memref<50xi32, #tpu.memory_space<vmem>>
        %dma_start3A_207 = arith.constant 0 : i32
        %dma_start3A_208 = arith.constant 0 : i32
        %dma_start3A_209 = tpu.memref_slice %arg2[%dma_start3A_207, %dma_start3A_208] : memref<10000x128xf32, #tpu.memory_space<hbm>> -> memref<10000x128xf32, #tpu.memory_space<hbm>>
        tpu.enqueue_indirect_dma source(%dma_start3A_209 : memref<10000x128xf32, #tpu.memory_space<hbm>>) target(%arg9 : memref<50x128xf32, #tpu.memory_space<vmem>>) offsets(%dma_start3A_206 : memref<50xi32, #tpu.memory_space<vmem>>) semaphore(%arg13 : memref<!tpu.dma_semaphore, #tpu.memory_space<semaphore_mem>>)
      } else {
      }
      %mul3A_153 = arith.constant 4 : i32
      %mul3A_154 = arith.muli %scan3A_109, %mul3A_153 : i32
      %add3A_155 = arith.constant 2 : i32
      %add3A_156 = arith.addi %mul3A_154, %add3A_155 : i32
      %dma_wait3A_157 = arith.constant 0 : i32
      %dma_wait3A_158 = tpu.memref_slice %arg6[%add3A_156, %dma_wait3A_157] : memref<200x50xi32, #tpu.memory_space<vmem>> -> memref<1x50xi32, #tpu.memory_space<vmem>>
      %dma_wait3A_159 = tpu.memref_squeeze %dma_wait3A_158 : memref<1x50xi32, #tpu.memory_space<vmem>> -> memref<50xi32, #tpu.memory_space<vmem>>
      %dma_wait3A_160 = arith.constant 0 : i32
      %dma_wait3A_161 = arith.constant 0 : i32
      %dma_wait3A_162 = tpu.memref_slice %arg2[%dma_wait3A_160, %dma_wait3A_161] : memref<10000x128xf32, #tpu.memory_space<hbm>> -> memref<10000x128xf32, #tpu.memory_space<hbm>>
      tpu.wait_indirect_dma semaphore(%arg14 : memref<!tpu.dma_semaphore, #tpu.memory_space<semaphore_mem>>) src(%dma_wait3A_162 : memref<10000x128xf32, #tpu.memory_space<hbm>>) dst(%arg10 : memref<50x128xf32, #tpu.memory_space<vmem>>)
      %dma_start3A_163 = arith.constant 0 : i32
      %dma_start3A_164 = tpu.memref_slice %arg7[%add3A_156, %dma_start3A_163] : memref<200x50xi32, #tpu.memory_space<vmem>> -> memref<1x50xi32, #tpu.memory_space<vmem>>
      %dma_start3A_165 = tpu.memref_squeeze %dma_start3A_164 : memref<1x50xi32, #tpu.memory_space<vmem>> -> memref<50xi32, #tpu.memory_space<vmem>>
      %dma_start3A_166 = arith.constant 0 : i32
      %dma_start3A_167 = arith.constant 0 : i32
      %dma_start3A_168 = tpu.memref_slice %arg5[%dma_start3A_166, %dma_start3A_167] : memref<10000x128xf32, #tpu.memory_space<vmem_shared>> -> memref<10000x128xf32, #tpu.memory_space<vmem_shared>>
      tpu.enqueue_indirect_dma source(%arg10 : memref<50x128xf32, #tpu.memory_space<vmem>>) target(%dma_start3A_168 : memref<10000x128xf32, #tpu.memory_space<vmem_shared>>) offsets(%dma_start3A_165 : memref<50xi32, #tpu.memory_space<vmem>>) semaphore(%arg18 : memref<!tpu.dma_semaphore, #tpu.memory_space<semaphore_mem>>) {add = true}
      %lt3A_169 = arith.constant 49 : i32
      %lt3A_170 = arith.cmpi slt, %scan3A_109, %lt3A_169 : i32
      %convert_element_type3A_171 = arith.extui %lt3A_170 : i1 to i32
      %cond3A_172 = arith.constant 0 : i32
      %cond3A_173 = arith.cmpi ne, %convert_element_type3A_171, %cond3A_172 : i32
      scf.if %cond3A_173 {
        %dma_wait3A_196 = arith.constant 0 : i32
        %dma_wait3A_197 = tpu.memref_slice %arg7[%add3A_156, %dma_wait3A_196] : memref<200x50xi32, #tpu.memory_space<vmem>> -> memref<1x50xi32, #tpu.memory_space<vmem>>
        %dma_wait3A_198 = tpu.memref_squeeze %dma_wait3A_197 : memref<1x50xi32, #tpu.memory_space<vmem>> -> memref<50xi32, #tpu.memory_space<vmem>>
        %dma_wait3A_199 = arith.constant 0 : i32
        %dma_wait3A_200 = arith.constant 0 : i32
        %dma_wait3A_201 = tpu.memref_slice %arg5[%dma_wait3A_199, %dma_wait3A_200] : memref<10000x128xf32, #tpu.memory_space<vmem_shared>> -> memref<10000x128xf32, #tpu.memory_space<vmem_shared>>
        tpu.wait_indirect_dma semaphore(%arg18 : memref<!tpu.dma_semaphore, #tpu.memory_space<semaphore_mem>>) src(%arg10 : memref<50x128xf32, #tpu.memory_space<vmem>>) dst(%dma_wait3A_201 : memref<10000x128xf32, #tpu.memory_space<vmem_shared>>)
        %add3A_202 = arith.constant 4 : i32
        %add3A_203 = arith.addi %add3A_156, %add3A_202 : i32
        %dma_start3A_204 = arith.constant 0 : i32
        %dma_start3A_205 = tpu.memref_slice %arg6[%add3A_203, %dma_start3A_204] : memref<200x50xi32, #tpu.memory_space<vmem>> -> memref<1x50xi32, #tpu.memory_space<vmem>>
        %dma_start3A_206 = tpu.memref_squeeze %dma_start3A_205 : memref<1x50xi32, #tpu.memory_space<vmem>> -> memref<50xi32, #tpu.memory_space<vmem>>
        %dma_start3A_207 = arith.constant 0 : i32
        %dma_start3A_208 = arith.constant 0 : i32
        %dma_start3A_209 = tpu.memref_slice %arg2[%dma_start3A_207, %dma_start3A_208] : memref<10000x128xf32, #tpu.memory_space<hbm>> -> memref<10000x128xf32, #tpu.memory_space<hbm>>
        tpu.enqueue_indirect_dma source(%dma_start3A_209 : memref<10000x128xf32, #tpu.memory_space<hbm>>) target(%arg10 : memref<50x128xf32, #tpu.memory_space<vmem>>) offsets(%dma_start3A_206 : memref<50xi32, #tpu.memory_space<vmem>>) semaphore(%arg14 : memref<!tpu.dma_semaphore, #tpu.memory_space<semaphore_mem>>)
      } else {
      }
      %mul3A_174 = arith.constant 4 : i32
      %mul3A_175 = arith.muli %scan3A_109, %mul3A_174 : i32
      %add3A_176 = arith.constant 3 : i32
      %add3A_177 = arith.addi %mul3A_175, %add3A_176 : i32
      %dma_wait3A_178 = arith.constant 0 : i32
      %dma_wait3A_179 = tpu.memref_slice %arg6[%add3A_177, %dma_wait3A_178] : memref<200x50xi32, #tpu.memory_space<vmem>> -> memref<1x50xi32, #tpu.memory_space<vmem>>
      %dma_wait3A_180 = tpu.memref_squeeze %dma_wait3A_179 : memref<1x50xi32, #tpu.memory_space<vmem>> -> memref<50xi32, #tpu.memory_space<vmem>>
      %dma_wait3A_181 = arith.constant 0 : i32
      %dma_wait3A_182 = arith.constant 0 : i32
      %dma_wait3A_183 = tpu.memref_slice %arg2[%dma_wait3A_181, %dma_wait3A_182] : memref<10000x128xf32, #tpu.memory_space<hbm>> -> memref<10000x128xf32, #tpu.memory_space<hbm>>
      tpu.wait_indirect_dma semaphore(%arg15 : memref<!tpu.dma_semaphore, #tpu.memory_space<semaphore_mem>>) src(%dma_wait3A_183 : memref<10000x128xf32, #tpu.memory_space<hbm>>) dst(%arg11 : memref<50x128xf32, #tpu.memory_space<vmem>>)
      %dma_start3A_184 = arith.constant 0 : i32
      %dma_start3A_185 = tpu.memref_slice %arg7[%add3A_177, %dma_start3A_184] : memref<200x50xi32, #tpu.memory_space<vmem>> -> memref<1x50xi32, #tpu.memory_space<vmem>>
      %dma_start3A_186 = tpu.memref_squeeze %dma_start3A_185 : memref<1x50xi32, #tpu.memory_space<vmem>> -> memref<50xi32, #tpu.memory_space<vmem>>
      %dma_start3A_187 = arith.constant 0 : i32
      %dma_start3A_188 = arith.constant 0 : i32
      %dma_start3A_189 = tpu.memref_slice %arg5[%dma_start3A_187, %dma_start3A_188] : memref<10000x128xf32, #tpu.memory_space<vmem_shared>> -> memref<10000x128xf32, #tpu.memory_space<vmem_shared>>
      tpu.enqueue_indirect_dma source(%arg11 : memref<50x128xf32, #tpu.memory_space<vmem>>) target(%dma_start3A_189 : memref<10000x128xf32, #tpu.memory_space<vmem_shared>>) offsets(%dma_start3A_186 : memref<50xi32, #tpu.memory_space<vmem>>) semaphore(%arg19 : memref<!tpu.dma_semaphore, #tpu.memory_space<semaphore_mem>>) {add = true}
      %lt3A_190 = arith.constant 49 : i32
      %lt3A_191 = arith.cmpi slt, %scan3A_109, %lt3A_190 : i32
      %convert_element_type3A_192 = arith.extui %lt3A_191 : i1 to i32
      %cond3A_193 = arith.constant 0 : i32
      %cond3A_194 = arith.cmpi ne, %convert_element_type3A_192, %cond3A_193 : i32
      scf.if %cond3A_194 {
        %dma_wait3A_196 = arith.constant 0 : i32
        %dma_wait3A_197 = tpu.memref_slice %arg7[%add3A_177, %dma_wait3A_196] : memref<200x50xi32, #tpu.memory_space<vmem>> -> memref<1x50xi32, #tpu.memory_space<vmem>>
        %dma_wait3A_198 = tpu.memref_squeeze %dma_wait3A_197 : memref<1x50xi32, #tpu.memory_space<vmem>> -> memref<50xi32, #tpu.memory_space<vmem>>
        %dma_wait3A_199 = arith.constant 0 : i32
        %dma_wait3A_200 = arith.constant 0 : i32
        %dma_wait3A_201 = tpu.memref_slice %arg5[%dma_wait3A_199, %dma_wait3A_200] : memref<10000x128xf32, #tpu.memory_space<vmem_shared>> -> memref<10000x128xf32, #tpu.memory_space<vmem_shared>>
        tpu.wait_indirect_dma semaphore(%arg19 : memref<!tpu.dma_semaphore, #tpu.memory_space<semaphore_mem>>) src(%arg11 : memref<50x128xf32, #tpu.memory_space<vmem>>) dst(%dma_wait3A_201 : memref<10000x128xf32, #tpu.memory_space<vmem_shared>>)
        %add3A_202 = arith.constant 4 : i32
        %add3A_203 = arith.addi %add3A_177, %add3A_202 : i32
        %dma_start3A_204 = arith.constant 0 : i32
        %dma_start3A_205 = tpu.memref_slice %arg6[%add3A_203, %dma_start3A_204] : memref<200x50xi32, #tpu.memory_space<vmem>> -> memref<1x50xi32, #tpu.memory_space<vmem>>
        %dma_start3A_206 = tpu.memref_squeeze %dma_start3A_205 : memref<1x50xi32, #tpu.memory_space<vmem>> -> memref<50xi32, #tpu.memory_space<vmem>>
        %dma_start3A_207 = arith.constant 0 : i32
        %dma_start3A_208 = arith.constant 0 : i32
        %dma_start3A_209 = tpu.memref_slice %arg2[%dma_start3A_207, %dma_start3A_208] : memref<10000x128xf32, #tpu.memory_space<hbm>> -> memref<10000x128xf32, #tpu.memory_space<hbm>>
        tpu.enqueue_indirect_dma source(%dma_start3A_209 : memref<10000x128xf32, #tpu.memory_space<hbm>>) target(%arg11 : memref<50x128xf32, #tpu.memory_space<vmem>>) offsets(%dma_start3A_206 : memref<50xi32, #tpu.memory_space<vmem>>) semaphore(%arg15 : memref<!tpu.dma_semaphore, #tpu.memory_space<semaphore_mem>>)
      } else {
      }
      %scan3A_195 = arith.constant 0 : i32
      scf.yield %scan3A_195 : i32
    }
    %scan3A_70 = arith.constant 50 : i32
    %dma_wait3A_71 = arith.constant 196 : i32
    %dma_wait3A_72 = arith.constant 0 : i32
    %dma_wait3A_73 = tpu.memref_slice %arg7[%dma_wait3A_71, %dma_wait3A_72] : memref<200x50xi32, #tpu.memory_space<vmem>> -> memref<1x50xi32, #tpu.memory_space<vmem>>
    %dma_wait3A_74 = tpu.memref_squeeze %dma_wait3A_73 : memref<1x50xi32, #tpu.memory_space<vmem>> -> memref<50xi32, #tpu.memory_space<vmem>>
    %dma_wait3A_75 = arith.constant 0 : i32
    %dma_wait3A_76 = arith.constant 0 : i32
    %dma_wait3A_77 = tpu.memref_slice %arg5[%dma_wait3A_75, %dma_wait3A_76] : memref<10000x128xf32, #tpu.memory_space<vmem_shared>> -> memref<10000x128xf32, #tpu.memory_space<vmem_shared>>
    tpu.wait_indirect_dma semaphore(%arg16 : memref<!tpu.dma_semaphore, #tpu.memory_space<semaphore_mem>>) src(%arg8 : memref<50x128xf32, #tpu.memory_space<vmem>>) dst(%dma_wait3A_77 : memref<10000x128xf32, #tpu.memory_space<vmem_shared>>)
    %dma_wait3A_78 = arith.constant 197 : i32
    %dma_wait3A_79 = arith.constant 0 : i32
    %dma_wait3A_80 = tpu.memref_slice %arg7[%dma_wait3A_78, %dma_wait3A_79] : memref<200x50xi32, #tpu.memory_space<vmem>> -> memref<1x50xi32, #tpu.memory_space<vmem>>
    %dma_wait3A_81 = tpu.memref_squeeze %dma_wait3A_80 : memref<1x50xi32, #tpu.memory_space<vmem>> -> memref<50xi32, #tpu.memory_space<vmem>>
    %dma_wait3A_82 = arith.constant 0 : i32
    %dma_wait3A_83 = arith.constant 0 : i32
    %dma_wait3A_84 = tpu.memref_slice %arg5[%dma_wait3A_82, %dma_wait3A_83] : memref<10000x128xf32, #tpu.memory_space<vmem_shared>> -> memref<10000x128xf32, #tpu.memory_space<vmem_shared>>
    tpu.wait_indirect_dma semaphore(%arg17 : memref<!tpu.dma_semaphore, #tpu.memory_space<semaphore_mem>>) src(%arg9 : memref<50x128xf32, #tpu.memory_space<vmem>>) dst(%dma_wait3A_84 : memref<10000x128xf32, #tpu.memory_space<vmem_shared>>)
    %dma_wait3A_85 = arith.constant 198 : i32
    %dma_wait3A_86 = arith.constant 0 : i32
    %dma_wait3A_87 = tpu.memref_slice %arg7[%dma_wait3A_85, %dma_wait3A_86] : memref<200x50xi32, #tpu.memory_space<vmem>> -> memref<1x50xi32, #tpu.memory_space<vmem>>
    %dma_wait3A_88 = tpu.memref_squeeze %dma_wait3A_87 : memref<1x50xi32, #tpu.memory_space<vmem>> -> memref<50xi32, #tpu.memory_space<vmem>>
    %dma_wait3A_89 = arith.constant 0 : i32
    %dma_wait3A_90 = arith.constant 0 : i32
    %dma_wait3A_91 = tpu.memref_slice %arg5[%dma_wait3A_89, %dma_wait3A_90] : memref<10000x128xf32, #tpu.memory_space<vmem_shared>> -> memref<10000x128xf32, #tpu.memory_space<vmem_shared>>
    tpu.wait_indirect_dma semaphore(%arg18 : memref<!tpu.dma_semaphore, #tpu.memory_space<semaphore_mem>>) src(%arg10 : memref<50x128xf32, #tpu.memory_space<vmem>>) dst(%dma_wait3A_91 : memref<10000x128xf32, #tpu.memory_space<vmem_shared>>)
    %dma_wait3A_92 = arith.constant 199 : i32
    %dma_wait3A_93 = arith.constant 0 : i32
    %dma_wait3A_94 = tpu.memref_slice %arg7[%dma_wait3A_92, %dma_wait3A_93] : memref<200x50xi32, #tpu.memory_space<vmem>> -> memref<1x50xi32, #tpu.memory_space<vmem>>
    %dma_wait3A_95 = tpu.memref_squeeze %dma_wait3A_94 : memref<1x50xi32, #tpu.memory_space<vmem>> -> memref<50xi32, #tpu.memory_space<vmem>>
    %dma_wait3A_96 = arith.constant 0 : i32
    %dma_wait3A_97 = arith.constant 0 : i32
    %dma_wait3A_98 = tpu.memref_slice %arg5[%dma_wait3A_96, %dma_wait3A_97] : memref<10000x128xf32, #tpu.memory_space<vmem_shared>> -> memref<10000x128xf32, #tpu.memory_space<vmem_shared>>
    tpu.wait_indirect_dma semaphore(%arg19 : memref<!tpu.dma_semaphore, #tpu.memory_space<semaphore_mem>>) src(%arg11 : memref<50x128xf32, #tpu.memory_space<vmem>>) dst(%dma_wait3A_98 : memref<10000x128xf32, #tpu.memory_space<vmem_shared>>)
    %barrier3A_99 = arith.constant 0 : index
    tpu.barrier barrier_id(%barrier3A_99)
    %lt3A = arith.constant 15 : i32
    %lt3A_100 = arith.cmpi slt, %arg1, %lt3A : i32
    %convert_element_type3A_101 = arith.extui %lt3A_100 : i1 to i32
    %cond3A_102 = arith.constant 0 : i32
    %cond3A_103 = arith.cmpi ne, %convert_element_type3A_101, %cond3A_102 : i32
    scf.if %cond3A_103 {
      %mul3A_109 = arith.constant 624 : i32
      %mul3A_110 = arith.muli %arg1, %mul3A_109 : i32
      %mul3A_111 = arith.constant 10000 : i32
      %mul3A_112 = arith.muli %arg0, %mul3A_111 : i32
      %mul3A_113 = arith.constant 624 : i32
      %mul3A_114 = arith.muli %arg1, %mul3A_113 : i32
      %add3A_115 = arith.addi %mul3A_112, %mul3A_114 : i32
      "tpu.region"() ({
        %run_scoped3A = tpu.sem_alloc : memref<!tpu.dma_semaphore, #tpu.memory_space<semaphore_mem>>
        %dma_start3A_116 = arith.constant 0 : i32
        %dma_start3A_117 = tpu.memref_slice %arg4[%add3A_115, %dma_start3A_116] : memref<20000x128xf32, #tpu.memory_space<hbm>> -> memref<624x128xf32, #tpu.memory_space<hbm>>
        %dma_start3A_118 = arith.constant 0 : i32
        %dma_start3A_119 = tpu.memref_slice %arg5[%mul3A_110, %dma_start3A_118] : memref<10000x128xf32, #tpu.memory_space<vmem_shared>> -> memref<624x128xf32, #tpu.memory_space<vmem_shared>>
        tpu.enqueue_dma source(%dma_start3A_119 : memref<624x128xf32, #tpu.memory_space<vmem_shared>>) target(%dma_start3A_117 : memref<624x128xf32, #tpu.memory_space<hbm>>) target_semaphore(%run_scoped3A : memref<!tpu.dma_semaphore, #tpu.memory_space<semaphore_mem>>)
        %dma_wait3A_120 = arith.constant 0 : i32
        %dma_wait3A_121 = tpu.memref_slice %arg4[%add3A_115, %dma_wait3A_120] : memref<20000x128xf32, #tpu.memory_space<hbm>> -> memref<624x128xf32, #tpu.memory_space<hbm>>
        %dma_wait3A_122 = arith.constant 0 : i32
        %dma_wait3A_123 = tpu.memref_slice %arg5[%mul3A_110, %dma_wait3A_122] : memref<10000x128xf32, #tpu.memory_space<vmem_shared>> -> memref<624x128xf32, #tpu.memory_space<vmem_shared>>
        tpu.wait_dma2 semaphore(%run_scoped3A : memref<!tpu.dma_semaphore, #tpu.memory_space<semaphore_mem>>) src(%dma_wait3A_123 : memref<624x128xf32, #tpu.memory_space<vmem_shared>>) dst(%dma_wait3A_121 : memref<624x128xf32, #tpu.memory_space<hbm>>)
        tpu.yield
      }) : () -> ()
    } else {
    }
    %eq3A_104 = arith.constant 15 : i32
    %eq3A_105 = arith.cmpi eq, %arg1, %eq3A_104 : i32
    %convert_element_type3A_106 = arith.extui %eq3A_105 : i1 to i32
    %cond3A_107 = arith.constant 0 : i32
    %cond3A_108 = arith.cmpi ne, %convert_element_type3A_106, %cond3A_107 : i32
    scf.if %cond3A_108 {
      %mul3A_109 = arith.constant 10000 : i32
      %mul3A_110 = arith.muli %arg0, %mul3A_109 : i32
      %add3A_111 = arith.constant 9360 : i32
      %add3A_112 = arith.addi %mul3A_110, %add3A_111 : i32
      "tpu.region"() ({
        %run_scoped3A = tpu.sem_alloc : memref<!tpu.dma_semaphore, #tpu.memory_space<semaphore_mem>>
        %dma_start3A_113 = arith.constant 0 : i32
        %dma_start3A_114 = tpu.memref_slice %arg4[%add3A_112, %dma_start3A_113] : memref<20000x128xf32, #tpu.memory_space<hbm>> -> memref<640x128xf32, #tpu.memory_space<hbm>>
        %dma_start3A_115 = arith.constant 9360 : i32
        %dma_start3A_116 = arith.constant 0 : i32
        %dma_start3A_117 = tpu.memref_slice %arg5[%dma_start3A_115, %dma_start3A_116] : memref<10000x128xf32, #tpu.memory_space<vmem_shared>> -> memref<640x128xf32, #tpu.memory_space<vmem_shared>>
        tpu.enqueue_dma source(%dma_start3A_117 : memref<640x128xf32, #tpu.memory_space<vmem_shared>>) target(%dma_start3A_114 : memref<640x128xf32, #tpu.memory_space<hbm>>) target_semaphore(%run_scoped3A : memref<!tpu.dma_semaphore, #tpu.memory_space<semaphore_mem>>)
        %dma_wait3A_118 = arith.constant 0 : i32
        %dma_wait3A_119 = tpu.memref_slice %arg4[%add3A_112, %dma_wait3A_118] : memref<20000x128xf32, #tpu.memory_space<hbm>> -> memref<640x128xf32, #tpu.memory_space<hbm>>
        %dma_wait3A_120 = arith.constant 9360 : i32
        %dma_wait3A_121 = arith.constant 0 : i32
        %dma_wait3A_122 = tpu.memref_slice %arg5[%dma_wait3A_120, %dma_wait3A_121] : memref<10000x128xf32, #tpu.memory_space<vmem_shared>> -> memref<640x128xf32, #tpu.memory_space<vmem_shared>>
        tpu.wait_dma2 semaphore(%run_scoped3A : memref<!tpu.dma_semaphore, #tpu.memory_space<semaphore_mem>>) src(%dma_wait3A_122 : memref<640x128xf32, #tpu.memory_space<vmem_shared>>) dst(%dma_wait3A_119 : memref<640x128xf32, #tpu.memory_space<hbm>>)
        tpu.yield
      }) : () -> ()
    } else {
    }
    return
  }
}

module attributes {stable_mosaic.version = 14 : i64} {
  func.func @prep_kernel(%arg0: i32, %arg1: memref<2000x128xf32, #tpu.memory_space<vmem>>, %arg2: memref<2000x2xf32, #tpu.memory_space<vmem>>, %arg3: memref<2000x128xf32, #tpu.memory_space<vmem>>, %arg4: memref<2000x2xf32, #tpu.memory_space<vmem>>) attributes {dimension_semantics = [#tpu.dimension_semantics<arbitrary>], iteration_bounds = array<i64: 5>, scalar_prefetch = 0 : i64, scratch_operands = 0 : i64, tpu.core_type = #tpu.core_type<tc>, window_params = [{transform_indices = @transform_0, window_bounds = array<i64: 2000, 128>}, {transform_indices = @transform_1, window_bounds = array<i64: 2000, 2>}, {transform_indices = @transform_2, window_bounds = array<i64: 2000, 128>}, {transform_indices = @transform_3, window_bounds = array<i64: 2000, 2>}]} {
    %get3A = arith.constant 0 : index
    %get3A_0 = arith.constant 0 : index
    %get3A_1 = vector.load %arg2[%get3A, %get3A_0] : memref<2000x2xf32, #tpu.memory_space<vmem>>, vector<2000x2xf32>
    %max3A = arith.constant 1.000000e+00 : f32
    %max3A_2 = vector.broadcast %max3A : f32 to vector<2000x2xf32>
    %max3A_3 = arith.maximumf %get3A_1, %max3A_2 : vector<2000x2xf32>
    %rsqrt3A = math.rsqrt %max3A_3 : vector<2000x2xf32>
    %swap3A = arith.constant 0 : index
    %swap3A_4 = arith.constant 0 : index
    %swap3A_5 = vector.load %arg4[%swap3A, %swap3A_4] : memref<2000x2xf32, #tpu.memory_space<vmem>>, vector<2000x2xf32>
    tpu.vector_store %arg4[%swap3A, %swap3A_4], %rsqrt3A {strides = array<i32>} : memref<2000x2xf32, #tpu.memory_space<vmem>>, vector<2000x2xf32>,
    %get3A_6 = arith.constant 0 : index
    %get3A_7 = arith.constant 0 : index
    %get3A_8 = vector.load %arg1[%get3A_6, %get3A_7] : memref<2000x128xf32, #tpu.memory_space<vmem>>, vector<2000x128xf32>
    %slice3A = vector.extract_strided_slice %rsqrt3A {offsets = [0, 0], sizes = [2000, 1], strides = [1, 1]} : vector<2000x2xf32> to vector<2000x1xf32>
    %mul3A = vector.broadcast %slice3A : vector<2000x1xf32> to vector<2000x128xf32>
    %mul3A_9 = arith.mulf %get3A_8, %mul3A : vector<2000x128xf32>
    %swap3A_10 = arith.constant 0 : index
    %swap3A_11 = arith.constant 0 : index
    %swap3A_12 = vector.load %arg3[%swap3A_10, %swap3A_11] : memref<2000x128xf32, #tpu.memory_space<vmem>>, vector<2000x128xf32>
    tpu.vector_store %arg3[%swap3A_10, %swap3A_11], %mul3A_9 {strides = array<i32>} : memref<2000x128xf32, #tpu.memory_space<vmem>>, vector<2000x128xf32>,
    return
  }
  func.func @transform_0(%arg0: i32) -> (i32, i32) {
    %c0_i32 = arith.constant 0 : i32
    %c0_i32_0 = arith.constant 0 : i32
    return %arg0, %c0_i32 : i32, i32
  }
  func.func @transform_1(%arg0: i32) -> (i32, i32) {
    %c0_i32 = arith.constant 0 : i32
    %c0_i32_0 = arith.constant 0 : i32
    return %arg0, %c0_i32 : i32, i32
  }
  func.func @transform_2(%arg0: i32) -> (i32, i32) {
    %c0_i32 = arith.constant 0 : i32
    %c0_i32_0 = arith.constant 0 : i32
    return %arg0, %c0_i32 : i32, i32
  }
  func.func @transform_3(%arg0: i32) -> (i32, i32) {
    %c0_i32 = arith.constant 0 : i32
    %c0_i32_0 = arith.constant 0 : i32
    return %arg0, %c0_i32 : i32, i32
  }
}

module attributes {stable_mosaic.version = 14 : i64} {
  func.func @layer_kernel(%arg0: i32, %arg1: memref<2000x128xf32, #tpu.memory_space<vmem>>, %arg2: memref<2000x128xf32, #tpu.memory_space<vmem>>, %arg3: memref<2000x2xf32, #tpu.memory_space<vmem>>, %arg4: memref<128x128xf32, #tpu.memory_space<vmem>>, %arg5: memref<1x128xf32, #tpu.memory_space<vmem>>, %arg6: memref<2000x128xf32, #tpu.memory_space<vmem>>) attributes {dimension_semantics = [#tpu.dimension_semantics<arbitrary>], iteration_bounds = array<i64: 5>, scalar_prefetch = 0 : i64, scratch_operands = 0 : i64, tpu.core_type = #tpu.core_type<tc>, window_params = [{transform_indices = @transform_0, window_bounds = array<i64: 2000, 128>}, {transform_indices = @transform_1, window_bounds = array<i64: 2000, 128>}, {transform_indices = @transform_2, window_bounds = array<i64: 2000, 2>}, {pipeline_mode = #tpu.pipeline_mode<synchronous>, transform_indices = @transform_3, window_bounds = array<i64: 128, 128>}, {pipeline_mode = #tpu.pipeline_mode<synchronous>, transform_indices = @transform_4, window_bounds = array<i64: 1, 128>}, {transform_indices = @transform_5, window_bounds = array<i64: 2000, 128>}]} {
    %get3A = arith.constant 0 : index
    %get3A_0 = arith.constant 0 : index
    %get3A_1 = vector.load %arg1[%get3A, %get3A_0] : memref<2000x128xf32, #tpu.memory_space<vmem>>, vector<2000x128xf32>
    %get3A_2 = arith.constant 0 : index
    %get3A_3 = arith.constant 0 : index
    %get3A_4 = vector.load %arg2[%get3A_2, %get3A_3] : memref<2000x128xf32, #tpu.memory_space<vmem>>, vector<2000x128xf32>
    %add3A = arith.addf %get3A_1, %get3A_4 : vector<2000x128xf32>
    %get3A_5 = arith.constant 0 : index
    %get3A_6 = arith.constant 1 : index
    %get3A_7 = vector.load %arg3[%get3A_5, %get3A_6] : memref<2000x2xf32, #tpu.memory_space<vmem>>, vector<2000x1xf32>
    %mul3A = vector.broadcast %get3A_7 : vector<2000x1xf32> to vector<2000x128xf32>
    %mul3A_8 = arith.mulf %add3A, %mul3A : vector<2000x128xf32>
    %get3A_9 = arith.constant 0 : index
    %get3A_10 = arith.constant 0 : index
    %get3A_11 = vector.load %arg4[%get3A_9, %get3A_10] : memref<128x128xf32, #tpu.memory_space<vmem>>, vector<128x128xf32>
    %dot_general3A = arith.constant dense<0.000000e+00> : vector<2000x128xf32>
    %dot_general3A_12 = tpu.matmul %mul3A_8, %get3A_11, %dot_general3A {dimension_numbers = #tpu.dot_dimension_numbers<[1], [0], [0], [1], [0, 0, 1, 1], [], []>, transpose_lhs_hint = false} : vector<2000x128xf32>, vector<128x128xf32>, vector<2000x128xf32> -> vector<2000x128xf32>
    %get3A_13 = arith.constant 0 : index
    %get3A_14 = arith.constant 0 : index
    %get3A_15 = vector.load %arg5[%get3A_13, %get3A_14] : memref<1x128xf32, #tpu.memory_space<vmem>>, vector<1x128xf32>
    %add3A_16 = vector.broadcast %get3A_15 : vector<1x128xf32> to vector<2000x128xf32>
    %add3A_17 = arith.addf %dot_general3A_12, %add3A_16 : vector<2000x128xf32>
    %max3A = arith.constant 0.000000e+00 : f32
    %max3A_18 = vector.broadcast %max3A : f32 to vector<2000x128xf32>
    %max3A_19 = arith.maximumf %add3A_17, %max3A_18 : vector<2000x128xf32>
    %get3A_20 = arith.constant 0 : index
    %get3A_21 = arith.constant 0 : index
    %get3A_22 = vector.load %arg3[%get3A_20, %get3A_21] : memref<2000x2xf32, #tpu.memory_space<vmem>>, vector<2000x1xf32>
    %mul3A_23 = vector.broadcast %get3A_22 : vector<2000x1xf32> to vector<2000x128xf32>
    %mul3A_24 = arith.mulf %max3A_19, %mul3A_23 : vector<2000x128xf32>
    %swap3A = arith.constant 0 : index
    %swap3A_25 = arith.constant 0 : index
    %swap3A_26 = vector.load %arg6[%swap3A, %swap3A_25] : memref<2000x128xf32, #tpu.memory_space<vmem>>, vector<2000x128xf32>
    tpu.vector_store %arg6[%swap3A, %swap3A_25], %mul3A_24 {strides = array<i32>} : memref<2000x128xf32, #tpu.memory_space<vmem>>, vector<2000x128xf32>,
    return
  }
  func.func @transform_0(%arg0: i32) -> (i32, i32) {
    %c0_i32 = arith.constant 0 : i32
    %c0_i32_0 = arith.constant 0 : i32
    return %arg0, %c0_i32 : i32, i32
  }
  func.func @transform_1(%arg0: i32) -> (i32, i32) {
    %add3A = arith.constant 5 : i32
    %add3A_0 = arith.addi %arg0, %add3A : i32
    %c0_i32 = arith.constant 0 : i32
    %c0_i32_1 = arith.constant 0 : i32
    return %add3A_0, %c0_i32 : i32, i32
  }
  func.func @transform_2(%arg0: i32) -> (i32, i32) {
    %c0_i32 = arith.constant 0 : i32
    %c0_i32_0 = arith.constant 0 : i32
    return %arg0, %c0_i32 : i32, i32
  }
  func.func @transform_3(%arg0: i32) -> (i32, i32) {
    %c0_i32 = arith.constant 0 : i32
    %c0_i32_0 = arith.constant 0 : i32
    %c0_i32_1 = arith.constant 0 : i32
    return %c0_i32, %c0_i32_0 : i32, i32
  }
  func.func @transform_4(%arg0: i32) -> (i32, i32) {
    %c0_i32 = arith.constant 0 : i32
    %c0_i32_0 = arith.constant 0 : i32
    %c0_i32_1 = arith.constant 0 : i32
    return %c0_i32, %c0_i32_0 : i32, i32
  }
  func.func @transform_5(%arg0: i32) -> (i32, i32) {
    %c0_i32 = arith.constant 0 : i32
    %c0_i32_0 = arith.constant 0 : i32
    return %arg0, %c0_i32 : i32, i32
  }
}

module attributes {stable_mosaic.version = 14 : i64} {
  func.func @layer_kernel(%arg0: i32, %arg1: memref<2000x128xf32, #tpu.memory_space<vmem>>, %arg2: memref<2000x128xf32, #tpu.memory_space<vmem>>, %arg3: memref<2000x2xf32, #tpu.memory_space<vmem>>, %arg4: memref<128x128xf32, #tpu.memory_space<vmem>>, %arg5: memref<1x128xf32, #tpu.memory_space<vmem>>, %arg6: memref<2000x128xf32, #tpu.memory_space<vmem>>) attributes {dimension_semantics = [#tpu.dimension_semantics<arbitrary>], iteration_bounds = array<i64: 5>, scalar_prefetch = 0 : i64, scratch_operands = 0 : i64, tpu.core_type = #tpu.core_type<tc>, window_params = [{transform_indices = @transform_0, window_bounds = array<i64: 2000, 128>}, {transform_indices = @transform_1, window_bounds = array<i64: 2000, 128>}, {transform_indices = @transform_2, window_bounds = array<i64: 2000, 2>}, {pipeline_mode = #tpu.pipeline_mode<synchronous>, transform_indices = @transform_3, window_bounds = array<i64: 128, 128>}, {pipeline_mode = #tpu.pipeline_mode<synchronous>, transform_indices = @transform_4, window_bounds = array<i64: 1, 128>}, {transform_indices = @transform_5, window_bounds = array<i64: 2000, 128>}]} {
    %get3A = arith.constant 0 : index
    %get3A_0 = arith.constant 0 : index
    %get3A_1 = vector.load %arg1[%get3A, %get3A_0] : memref<2000x128xf32, #tpu.memory_space<vmem>>, vector<2000x128xf32>
    %get3A_2 = arith.constant 0 : index
    %get3A_3 = arith.constant 0 : index
    %get3A_4 = vector.load %arg2[%get3A_2, %get3A_3] : memref<2000x128xf32, #tpu.memory_space<vmem>>, vector<2000x128xf32>
    %add3A = arith.addf %get3A_1, %get3A_4 : vector<2000x128xf32>
    %get3A_5 = arith.constant 0 : index
    %get3A_6 = arith.constant 1 : index
    %get3A_7 = vector.load %arg3[%get3A_5, %get3A_6] : memref<2000x2xf32, #tpu.memory_space<vmem>>, vector<2000x1xf32>
    %mul3A = vector.broadcast %get3A_7 : vector<2000x1xf32> to vector<2000x128xf32>
    %mul3A_8 = arith.mulf %add3A, %mul3A : vector<2000x128xf32>
    %get3A_9 = arith.constant 0 : index
    %get3A_10 = arith.constant 0 : index
    %get3A_11 = vector.load %arg4[%get3A_9, %get3A_10] : memref<128x128xf32, #tpu.memory_space<vmem>>, vector<128x128xf32>
    %dot_general3A = arith.constant dense<0.000000e+00> : vector<2000x128xf32>
    %dot_general3A_12 = tpu.matmul %mul3A_8, %get3A_11, %dot_general3A {dimension_numbers = #tpu.dot_dimension_numbers<[1], [0], [0], [1], [0, 0, 1, 1], [], []>, transpose_lhs_hint = false} : vector<2000x128xf32>, vector<128x128xf32>, vector<2000x128xf32> -> vector<2000x128xf32>
    %get3A_13 = arith.constant 0 : index
    %get3A_14 = arith.constant 0 : index
    %get3A_15 = vector.load %arg5[%get3A_13, %get3A_14] : memref<1x128xf32, #tpu.memory_space<vmem>>, vector<1x128xf32>
    %add3A_16 = vector.broadcast %get3A_15 : vector<1x128xf32> to vector<2000x128xf32>
    %add3A_17 = arith.addf %dot_general3A_12, %add3A_16 : vector<2000x128xf32>
    %max3A = arith.constant 0.000000e+00 : f32
    %max3A_18 = vector.broadcast %max3A : f32 to vector<2000x128xf32>
    %max3A_19 = arith.maximumf %add3A_17, %max3A_18 : vector<2000x128xf32>
    %swap3A = arith.constant 0 : index
    %swap3A_20 = arith.constant 0 : index
    %swap3A_21 = vector.load %arg6[%swap3A, %swap3A_20] : memref<2000x128xf32, #tpu.memory_space<vmem>>, vector<2000x128xf32>
    tpu.vector_store %arg6[%swap3A, %swap3A_20], %max3A_19 {strides = array<i32>} : memref<2000x128xf32, #tpu.memory_space<vmem>>, vector<2000x128xf32>,
    return
  }
  func.func @transform_0(%arg0: i32) -> (i32, i32) {
    %c0_i32 = arith.constant 0 : i32
    %c0_i32_0 = arith.constant 0 : i32
    return %arg0, %c0_i32 : i32, i32
  }
  func.func @transform_1(%arg0: i32) -> (i32, i32) {
    %add3A = arith.constant 5 : i32
    %add3A_0 = arith.addi %arg0, %add3A : i32
    %c0_i32 = arith.constant 0 : i32
    %c0_i32_1 = arith.constant 0 : i32
    return %add3A_0, %c0_i32 : i32, i32
  }
  func.func @transform_2(%arg0: i32) -> (i32, i32) {
    %c0_i32 = arith.constant 0 : i32
    %c0_i32_0 = arith.constant 0 : i32
    return %arg0, %c0_i32 : i32, i32
  }
  func.func @transform_3(%arg0: i32) -> (i32, i32) {
    %c0_i32 = arith.constant 0 : i32
    %c0_i32_0 = arith.constant 0 : i32
    %c0_i32_1 = arith.constant 0 : i32
    return %c0_i32, %c0_i32_0 : i32, i32
  }
  func.func @transform_4(%arg0: i32) -> (i32, i32) {
    %c0_i32 = arith.constant 0 : i32
    %c0_i32_0 = arith.constant 0 : i32
    %c0_i32_1 = arith.constant 0 : i32
    return %c0_i32, %c0_i32_0 : i32, i32
  }
  func.func @transform_5(%arg0: i32) -> (i32, i32) {
    %c0_i32 = arith.constant 0 : i32
    %c0_i32_0 = arith.constant 0 : i32
    return %arg0, %c0_i32 : i32, i32
  }
}

</mosaic_0001>

<sc_bundles>
// kernel: kernel.11.cloned.1.call-start
scs
__scs_entry_jumppad:
0x0: {  	(pc) =	sbr.rel $0x88, $3  }
0x1: {  	(tag) =	ssettag $0x0;
	lr =	simm.s32 $0x1  }
0x2: {  	[smem:$0x3F9B] =	sst lr;
	_ =	strace $0xD0000000  }
0x3: {  	_ = 	snop  }
0x4: {  	_ = 	snop  }
0x5: {  	_ = 	snop  }
0x6: {  	_ = 	snop  }
0x7: {  	_ = 	snop  }
__scs_overlays_trampoline_lowered:
0x8: {  	[smem:$0x3FAA] =	sst s0  }
0x9: {  	[smem:$0x3FAB] =	sst s1  }
0xa: {  	[smem:$0x3FAC] =	sst s2  }
0xb: {  	[smem:$0x3FAD] =	sst s3  }
0xc: {  	[smem:$0x3FAE] =	sst s4  }
0xd: {  	[smem:$0x3FAF] =	sst s5  }
0xe: {  	[smem:$0x3FB0] =	sst s6  }
0xf: {  	[smem:$0x3FB1] =	sst s7  }
0x10: {  	[smem:$0x3FB2] =	sst s8  }
0x11: {  	[smem:$0x3FB3] =	sst s9;
	s0 =	simm.s32 @!p0 $0x0  }
0x12: {  	s1 =	sld [smem:$0x3F99];
	s0 =	simm.s32 @p0 $0x1  }
0x13: {  	[smem:$0x3FB4] =	sst s0;
	s0 =	simm.s32 @!p1 $0x0  }
0x14: {  	s2 =	sld [smem:$0x3F98];
	s0 =	simm.s32 @p1 $0x1  }
0x15: {  	[smem:$0x3FB5] =	sst s0;
	s0 =	simm.s32 @!p2 $0x0  }
0x16: {  	s3 =	sld [smem:$0x3FDB];
	s0 =	simm.s32 @p2 $0x1  }
0x17: {  	s4 =	simm.s32 $0x1BF5;
	[smem:$0x3FB7] =	sst s0  }
0x18: {  	s0 =	sld [smem:$0x3F9A];
	_ =	swait.ge [sflag:s4], $0x0  }
0x19: {  	s7 =	sld [smem:$0x3F9B]  }
0x1a: {  	s8 =	sadd.s32 $0xFFFFE003, lr  }
0x1b: {  	s9 =	sadd.s32 $0xFFFFFEF7, lr;
	s5 =	simm.s32 $0xFFFFFFFF;
	p2 =	slt.u32 s8, $0xFFFFF086  }
0x1c: {  	p1 =	slt.u32 s9, $0xF7A;
	s5 =	simm.s32 @!p2 $0x0  }
0x1d: {  	s5 =	simm.s32 @p1 $0x1;
	p0 =	seq.s32 s7, s2  }
0x1e: {  	s7 =	smul.u32 @!p0 $0xF7A, s2;
	p2 =	seq.s32 @!p0 s5, $0x0  }
0x1f: {  	s9 =	smul.u32 $0xF7A, s1;
	s8 =	simm.s32 @!p0 $0x1BF5;
	p2 =	por !p2, p0  }
0x20: {  	[sflag:s8] =	ssyncset.s32 @!p0 $0xFFFFF086;
	s6 =	sadd.s32 @!p0 s3, s7;
	s7 =	simm.s32 @!p0 $0x108  }
0x21: {  	s3 =	sadd.s32 s3, s9;
	s6 =	sadd.s32 @!p0 $0x88, s6;
	s7 =	simm.s32 @p2 $0x1082  }
0x22: {  	[simem:s7], [sflag:s8] =	dma.local @!p0 [hbm:s6], $0xF7A  }
0x23: {  	s9 =	sor.u32 $0xD0000000, s2;
	s6 =	simm.s32 $0x108;
	_ =	swait.ge @!p0 [sflag:s8], $0x0  }
0x24: {  	s3 =	sadd.s32 $0x88, s3;
	s6 =	simm.s32 @!p1 $0x1082;
	[sflag:s4] =	ssyncset.s32 $0xFFFFF086  }
0x25: {  	[simem:s6], [sflag:s4] =	dma.local [hbm:s3], $0xF7A  }
0x26: {  	[smem:$0x3F9B] =	sst s1;
	(tag) =	ssettag s2;
	_ =	strace s9  }
0x27: {  	s1 =	sld [smem:$0x3FAB]  }
0x28: {  	s2 =	sld [smem:$0x3FAC]  }
0x29: {  	s4 =	sld [smem:$0x3FAE]  }
0x2a: {  	p0 =	seq.s32 s5, $0x0;
	s5 =	sld [smem:$0x3FAF]  }
0x2b: {  	s6 =	sld [smem:$0x3FB0]  }
0x2c: {  	s7 =	sld [smem:$0x3FB1]  }
0x2d: {  	s3 =	simm.s32 $0x108;
	s8 =	sld [smem:$0x3FB2]  }
0x2e: {  	s3 =	simm.s32 @!p0 $0x1082;
	s9 =	sld [smem:$0x3FB3]  }
0x2f: {  	lr =	sadd.s32 s0, s3;
	s0 =	sld [smem:$0x3FAA]  }
0x30: {  	s3 =	sld [smem:$0x3FAD]  }
0x31: {  	[smem:$0x3FB6] =	sst s10  }
0x32: {  	s10 =	sld [smem:$0x3FB4];
	_ =	sdelay $0x3  }
0x33: {  	p0 =	seq.s32 s10, $0x1;
	s10 =	sld [smem:$0x3FB6];
	_ =	sdelay $0x3  }
0x34: {  	[smem:$0x3FB6] =	sst s10  }
0x35: {  	s10 =	sld [smem:$0x3FB5];
	_ =	sdelay $0x3  }
0x36: {  	p1 =	seq.s32 s10, $0x1;
	s10 =	sld [smem:$0x3FB6];
	_ =	sdelay $0x3  }
0x37: {  	[smem:$0x3FB6] =	sst s10  }
0x38: {  	s10 =	sld [smem:$0x3FB7]  }
0x39: {  	_ = 	snop;
	(pc) =	sbr.ind lr, $3  }
0x3a: {  	_ = 	snop  }
0x3b: {  	_ = 	snop  }
0x3c: {  	p2 =	seq.s32 s10, $0x1;
	s10 =	sld [smem:$0x3FB6]  }
0x3d: {  	_ =	shalt  }
0x3e: {  	_ =	shalt  }
0x3f: {  	_ =	shalt  }
0x40: {  	_ =	shalt  }
0x41: {  	_ =	shalt  }
0x42: {  	_ =	shalt  }
0x43: {  	_ =	shalt  }
0x44: {  	_ =	shalt  }
0x45: {  	_ =	shalt  }
0x46: {  	_ =	shalt  }
0x47: {  	_ =	shalt  }
0x48: {  	_ =	shalt  }
0x49: {  	_ =	shalt  }
0x4a: {  	_ =	shalt  }
0x4b: {  	_ =	shalt  }
0x4c: {  	_ =	shalt  }
0x4d: {  	_ =	shalt  }
0x4e: {  	_ =	shalt  }
0x4f: {  	_ =	shalt  }
0x50: {  	_ =	shalt  }
0x51: {  	_ =	shalt  }
0x52: {  	_ =	shalt  }
0x53: {  	_ =	shalt  }
0x54: {  	_ =	shalt  }
0x55: {  	_ =	shalt  }
0x56: {  	_ =	shalt  }
0x57: {  	_ =	shalt  }
0x58: {  	_ =	shalt  }
0x59: {  	_ =	shalt  }
0x5a: {  	_ =	shalt  }
0x5b: {  	_ =	shalt  }
0x5c: {  	_ =	shalt  }
0x5d: {  	_ =	shalt  }
0x5e: {  	_ =	shalt  }
0x5f: {  	_ =	shalt  }
0x60: {  	_ =	shalt  }
0x61: {  	_ =	shalt  }
0x62: {  	_ =	shalt  }
0x63: {  	_ =	shalt  }
0x64: {  	_ =	shalt  }
0x65: {  	_ =	shalt  }
0x66: {  	_ =	shalt  }
0x67: {  	_ =	shalt  }
0x68: {  	_ =	shalt  }
0x69: {  	_ =	shalt  }
0x6a: {  	_ =	shalt  }
0x6b: {  	_ =	shalt  }
0x6c: {  	_ =	shalt  }
0x6d: {  	_ =	shalt  }
0x6e: {  	_ =	shalt  }
0x6f: {  	_ =	shalt  }
0x70: {  	_ =	shalt  }
0x71: {  	_ =	shalt  }
0x72: {  	_ =	shalt  }
0x73: {  	_ =	shalt  }
0x74: {  	_ =	shalt  }
0x75: {  	_ =	shalt  }
0x76: {  	_ =	shalt  }
0x77: {  	_ =	shalt  }
0x78: {  	_ =	shalt  }
0x79: {  	_ =	shalt  }
0x7a: {  	_ =	shalt  }
0x7b: {  	_ =	shalt  }
0x7c: {  	_ =	shalt  }
0x7d: {  	_ =	shalt  }
0x7e: {  	_ =	shalt  }
0x7f: {  	_ =	shalt  }
0x80: {  	_ =	shalt  }
0x81: {  	_ =	shalt  }
0x82: {  	_ =	shalt  }
0x83: {  	_ =	shalt  }
0x84: {  	_ =	shalt  }
0x85: {  	_ =	shalt  }
0x86: {  	_ =	shalt  }
0x87: {  	_ =	shalt  }
.Lfunc_end0:
.L_simem_size_0:
called_computation.1_lowered:
.L_overlay_start_0:
0x88: {  	s2 =	sld [smem:$0x3FD9]  }
0x89: {  	s3 =	sld [smem:$0x3FFE];
	_ =	sdelay $0x1  }
0x8a: {  	s1 =	srdreg.scid  }
0x8b: {  	s0 =	sand.u32 $0x1, s1  }
0x8c: {  	s17 =	sshll.u32 s0, $0xA;
	s2 =	sadd.s32 s3, s2  }
0x8d: {  	s2 =	sadd.s32 s2, s17  }
0x8e: {  	[smem:$0x3FC2] =	sst s2  }
0x8f: {  	_ = 	snop  }
0x90: {  	s2 =	sld [smem:$0x3FD0];
	(tm) =	ssettm $0x1  }
0x91: {  	s18 =	sld [smem:$0x3FFB];
	_ =	sdelay $0x3  }
0x92: {  	_ =	strace s18  }
0x93: {  	s3 =	sld [smem:$0x3FFC];
	_ =	sdelay $0x3  }
0x94: {  	_ =	strace s3  }
0x95: {  	s3 =	sld [smem:$0x3FFD];
	_ =	sdelay $0x3  }
0x96: {  	_ =	strace s3  }
0x97: {  	_ =	strace $0x8FFFFFFF  }
0x98: {  	s19 =	sld [smem:$0x3FDB];
	_ =	sdelay $0x1  }
0x99: {  	s4 =	simm.s32 $_scs_section_size  }
0x9a: {  	s5 =	simm.s32 $_size__tile_overlayer_lowered;
	s6 =	simm.s32 $_tile_overlayer_lowered  }
0x9b: {  	s22 =	simm.s32 $0x1BFF;
	s21 =	sshll.u32 s6, $0x1;
	s3 =	sadd.s32 s4, s19  }
0x9c: {  	s7 =	simm.s32 $0x0;
	s20 =	sshll.u32 s5, $0x1;
	s5 =	sadd.s32 s21, s3  }
0x9d: {  	[timem:s7], [sflag:s22] =	dma.local [hbm:s5], s20  }
0x9e: {  	_ =	swait.ge [sflag:s22], s20  }
0x9f: {  	s4 =	ssub.s32 $0x0, s20;
	[sflag:s22] =	ssyncset.done $0x0  }
0xa0: {  	[sflag:s22] =	ssyncadd.s32 s4;
	_ =	sdelay $0x1  }
0xa1: {  	s23 =	simm.s32 $0x1B8B  }
0xa2: {  	_ =	swait.ge [sflag:s23], $0x1  }
0xa3: {  	[sflag:s23] =	ssyncset.done $0x0  }
0xa4: {  	s25 =	simm.s32 $0x1B8E;
	s24 =	sld [smem:$0x3FFE];
	[sflag:s23] =	ssyncadd.s32 $0xFFFFFFFF  }
0xa5: {  	s26 =	simm.s32 $execute0_lowered;
	[smem:$0x3FD2] =	sst s25  }
0xa6: {  	s5 =	sshll.u32 s26, $0x1;
	_ =	strace $0x80000049;
	[dreg:$0x1] =	wrdreg $0xFFFFFFFF  }
0xa7: {  	s28 =	simm.s32 $_size_execute0_lowered;
	s3 =	sadd.s32 s3, s5;
	[dreg:$0x0] =	wrdreg $0x0  }
0xa8: {  	s5 =	sshll.u32 s28, $0x1;
	[dreg:$0x2] =	wrdreg s3  }
0xa9: {  	[dreg:$0x3] =	wrdreg s5  }
0xaa: {  	[dreg:$0x4] =	wrdreg $0xC0  }
0xab: {  	_ =	task [dreg:s7], $0x5FFFF  }
0xac: {  	[dreg:$0x1] =	wrdreg $0xFFFFFFFF  }
0xad: {  	[dreg:$0x0] =	wrdreg $0x60  }
0xae: {  	[dreg:$0x2] =	wrdreg s2  }
0xaf: {  	[dreg:$0x3] =	wrdreg s24  }
0xb0: {  	[dreg:$0x4] =	wrdreg $0x0  }
0xb1: {  	[dreg:$0x5] =	wrdreg $0x9  }
0xb2: {  	_ =	task.clear_ibuf [dreg:s7], $0x6FFFF;
	_ =	strace $0x90000049  }
0xb3: {  	s29 =	simm.s32 $0x9;
	_ =	strace $0x8000004B  }
0xb4: {  	_ =	swait.ge [sflag:s29], $0x1  }
0xb5: {  	[sflag:s29] =	ssyncadd.s32 $0xFFFFFFFF  }
0xb6: {  	_ =	strace $0x9000004B  }
0xb7: {  	_ =	sfence  }
0xb8: {  	s30 =	sld [smem:$0x0];
	_ =	sdelay $0x2  }
0xb9: {  	s31 =	sshll.u32 s1, $0xD;
	s1 =	sshrl.u32 s1, $0x2  }
0xba: {  	s3 =	sand.u32 $0x4000, s31;
	s1 =	sadd.s32 s1, s30  }
0xbb: {  	s0 =	sor.u32 s3, s0;
	s1 =	sshll.u32 s1, $0x11  }
0xbc: {  	s0 =	sor.u32 s1, s0  }
0xbd: {  	s0 =	sadd.s32 $0x8F2B, s0  }
0xbe: {  	[sflag:s0] =	ssyncadd.remote.s32 $0x1  }
0xbf: {  	_ =	sfence.sel $0xFFFF  }
0xc0: {  	[dreg:$0x0] =	wrdreg $0xFFFFFFFF;
	(pc) =	sbr.abs _section_cstart, $3  }
0xc1: {  	[dreg:$0x1] =	wrdreg $0xFFFFFFFF  }
0xc2: {  	_ =	task.clear_ibuf [dreg:s7], $0x2FFFF;
	_ =	strace $0x9FFFFFFF  }
0xc3: {  	(tm) =	ssettm $0x7FFFFFFF  }
tec
execute0_lowered:
.L_overlay_start_1:
0x0: {  	(tag) =	ssettag $0x1  }
0x1: {  	s1 =	rddreg [dreg:$0x0]  }
0x2: {  	s0 =	srdreg.scid;
	s2 =	rddreg [dreg:$0x1]  }
0x3: {  	s12 =	stileid.u32;
	s3 =	rddreg [dreg:$0x2]  }
0x4: {  	s6 =	simm.s32 $0x0;
	s28 =	simm.s32 $0x19000;
	s29 =	simm.s32 $0x9  }
0x5: {  	s30 =	simm.s32 $0x1;
	s31 =	simm.s32 $0x2;
	s0 =	sand.u32 $0x1, s0  }
0x6: {  	[smem:$0x7FF] =	sst s6;
	s18 =	sadd.s32 $0x2600, s2;
	s9 =	smul.u32 $0x2700, s12  }
0x7: {  	s2 =	sadd.s32 $0x18400, s2;
	s11 =	smul.u32 $0x4E000, s12;
	s19 =	sadd.s32 $0x138000, s3  }
0x8: {  	p0 =	sne.s32 s12, $0xF;
	p1 =	seq.s32 s12, $0xF;
	s6 =	simm.s32 $0x6  }
0x9: {  	s4 =	sshll.u32 s0, $0x4;
	_ =	strace $0x8000004A;
	s7 =	smul.u32 $0x27100, s0  }
0xa: {  	s8 =	ssub.s32 $0x2, s0;
	s0 =	smul.u32 $0x138800, s0;
	[dreg:$0x6] =	wrdreg s19  }
0xb: {  	s4 =	sor.u32 s12, s4;
	s10 =	sshrl.u32 s8, $0x1;
	s21 =	sshrl.u32 s11, $0x2  }
0xc: {  	s11 =	simm.s32 $0x8;
	s12 =	simm.s32 $0x0;
	s5 =	smul.u32 $0x578, s4  }
0xd: {  	s4 =	smul.u32 $0x2BC0, s4;
	s8 =	ssub.s32 s8, s10;
	s20 =	sadd.s32 s9, s7  }
0xe: {  	s0 =	sshrl.u32 s0, $0x3;
	s9 =	sadd.s32 s21, s3;
	s7 =	simm.s32 $0x3  }
0xf: {  	s10 =	simm.s32 $0x4;
	s0 =	sadd.s32 s2, s0;
	s22 =	smax.u32 s8, $0x1  }
0x10: {  	s23 =	sadd.s32 $0x1800, s9;
	s24 =	sadd.s32 $0x3000, s9;
	s25 =	sadd.s32 $0x4800, s9  }
0x11: {  	s26 =	sadd.s32 $0x6000, s9;
	s16 =	sadd.s32 $0x7800, s9;
	[dreg:$0x9] =	wrdreg s22  }
0x12: {  	s17 =	sadd.s32 $0x9000, s9;
	s19 =	sadd.s32 $0xC000, s9;
	[dreg:$0xa] =	wrdreg s23  }
0x13: {  	s21 =	sadd.s32 $0xF000, s9;
	s8 =	simm.s32 $0x7;
	[dreg:$0xb] =	wrdreg s24  }
0x14: {  	s4 =	sshrl.u32 s4, $0x3;
	s5 =	sadd.s32 s18, s5;
	[dreg:$0xc] =	wrdreg s25  }
0x15: {  	s0 =	sadd.s32 $0x24900, s0;
	[dreg:$0xd] =	wrdreg s26;
	s22 =	sadd.s32 $0x10800, s9  }
0x16: {  	s23 =	sadd.s32 $0x12000, s9;
	s24 =	simm.s32 $0x13880;
	[dreg:$0x4] =	wrdreg s5  }
0x17: {  	s26 =	simm.s32 $0x1C200;
	s4 =	sadd.s32 s18, s4;
	[dreg:$0x8] =	wrdreg s0  }
0x18: {  	s0 =	sadd.s32 $0x124800, s3;
	s18 =	sadd.s32 $0xA800, s9;
	s5 =	simm.s32 $0x5  }
0x19: {  	s4 =	sadd.s32 $0xAF00, s4;
	s25 =	sshrl.u32 @p1 s0, $0x3;
	s0 =	simm.s32 $0x1A900  }
0x1a: {  	[dreg:$0x5] =	wrdreg s4;
	s4 =	sadd.s32 s2, s20;
	s20 =	sadd.s32 $0xD800, s9  }
0x1b: {  	v0 =	vimm.f32 $0.0e+00;
	s2 =	simm.s32 $0x32;
	[dreg:$0x7] =	wrdreg s4;
	s4 =	simm.s32 $0x1DB00  }
.LBB2_1:
0x1c: {  	s13 =	simm.s32 $0x0;
	s14 =	rddreg [dreg:$0x4]  }
0x1d: {  	[tilespmem:s24], [sflag:$0x1] =	stream.linear.gather [hbm4b:s14+s13], $0x2BC0, $0x38;
	[tilespmem:$0x1F400] =	vst v63  }
0x1e: {  	s15 =	simm.s32 $0x16440;
	s14 =	rddreg [dreg:$0x5]  }
0x1f: {  	[tilespmem:s15], [sflag:$0x2] =	stream.linear.gather [hbm4b:s14+s13], $0x2BC0, $0x38;
	[tilespmem:$0x1F400] =	vst v63  }
0x20: {  	s13 =	simm.s32 $0x0;
	s14 =	simm.s32 $0x200  }
.LBB2_2:
0x21: {  	p2 =	sne.s32 s14, $0x6200;
	[tilespmem:s13+$0x19070] =	vst v0  }
0x22: {  	[tilespmem:s13+$0x19000] =	vst v0  }
0x23: {  	[tilespmem:s13+$0x19010] =	vst v0  }
.Ltmp0:
0x24: {  	[tilespmem:s13+$0x19020] =	vst v0;
	(pc) =	sbr.rel @p2 .LBB2_2-.Ltmp0, $4  }
0x25: {  	[tilespmem:s13+$0x19030] =	vst v0  }
0x26: {  	[tilespmem:s13+$0x19040] =	vst v0  }
0x27: {  	[tilespmem:s13+$0x19050] =	vst v0  }
0x28: {  	[tilespmem:s13+$0x19060] =	vst v0;
	s13 =	sshra.s32 s14, $0x2;
	s14 =	sadd.s32 $0x200, s14  }
0x29: {  	[tilespmem:s13+$0x19070] =	vst v0  }
0x2a: {  	[tilespmem:s13+$0x19000] =	vst v0  }
0x2b: {  	[tilespmem:s13+$0x19010] =	vst v0  }
0x2c: {  	[tilespmem:s13+$0x19020] =	vst v0  }
0x2d: {  	[tilespmem:s13+$0x19030] =	vst v0  }
0x2e: {  	[tilespmem:s13+$0x19040] =	vst v0  }
0x2f: {  	[tilespmem:s13+$0x19050] =	vst v0  }
0x30: {  	[tilespmem:s13+$0x19060] =	vst v0  }
0x31: {  	[spmem:s9] =	stream.linear.scatter [tilespmem:s28], [sflag:$0x9], $0x1800, $0x38;
	[tilespmem:$0x1F400] =	vst v63  }
0x32: {  	_ =	swait.ge [sflag:s29], $0x1800  }
0x33: {  	[sflag:s29] =	ssyncset.done $0x0  }
0x34: {  	s14 =	rddreg [dreg:$0xa];
	[sflag:s29] =	ssyncadd.s32 $0xFFFFE800  }
0x35: {  	[spmem:s14] =	stream.linear.scatter [tilespmem:s28], [sflag:$0x9], $0x1800, $0x38;
	[tilespmem:$0x1F400] =	vst v63  }
0x36: {  	_ =	swait.ge [sflag:s29], $0x1800  }
0x37: {  	[sflag:s29] =	ssyncset.done $0x0  }
0x38: {  	s15 =	rddreg [dreg:$0xb];
	[sflag:s29] =	ssyncadd.s32 $0xFFFFE800  }
0x39: {  	[spmem:s15] =	stream.linear.scatter [tilespmem:s28], [sflag:$0x9], $0x1800, $0x38;
	[tilespmem:$0x1F400] =	vst v63  }
0x3a: {  	_ =	swait.ge [sflag:s29], $0x1800  }
0x3b: {  	[sflag:s29] =	ssyncset.done $0x0  }
0x3c: {  	s14 =	rddreg [dreg:$0xc];
	[sflag:s29] =	ssyncadd.s32 $0xFFFFE800  }
0x3d: {  	[spmem:s14] =	stream.linear.scatter [tilespmem:s28], [sflag:$0x9], $0x1800, $0x38;
	[tilespmem:$0x1F400] =	vst v63  }
0x3e: {  	_ =	swait.ge [sflag:s29], $0x1800  }
0x3f: {  	[sflag:s29] =	ssyncset.done $0x0  }
0x40: {  	s15 =	rddreg [dreg:$0xd];
	[sflag:s29] =	ssyncadd.s32 $0xFFFFE800  }
0x41: {  	[spmem:s15] =	stream.linear.scatter [tilespmem:s28], [sflag:$0x9], $0x1800, $0x38;
	[tilespmem:$0x1F400] =	vst v63  }
0x42: {  	_ =	swait.ge [sflag:s29], $0x1800  }
0x43: {  	[sflag:s29] =	ssyncset.done $0x0  }
0x44: {  	[sflag:s29] =	ssyncadd.s32 $0xFFFFE800  }
0x45: {  	[spmem:s16] =	stream.linear.scatter [tilespmem:s28], [sflag:$0x9], $0x1800, $0x38;
	[tilespmem:$0x1F400] =	vst v63  }
0x46: {  	_ =	swait.ge [sflag:s29], $0x1800  }
0x47: {  	[sflag:s29] =	ssyncset.done $0x0  }
0x48: {  	[sflag:s29] =	ssyncadd.s32 $0xFFFFE800  }
0x49: {  	[spmem:s17] =	stream.linear.scatter [tilespmem:s28], [sflag:$0x9], $0x1800, $0x38;
	[tilespmem:$0x1F400] =	vst v63  }
0x4a: {  	_ =	swait.ge [sflag:s29], $0x1800  }
0x4b: {  	[sflag:s29] =	ssyncset.done $0x0  }
0x4c: {  	[sflag:s29] =	ssyncadd.s32 $0xFFFFE800  }
0x4d: {  	[spmem:s18] =	stream.linear.scatter [tilespmem:s28], [sflag:$0x9], $0x1800, $0x38;
	[tilespmem:$0x1F400] =	vst v63  }
0x4e: {  	_ =	swait.ge [sflag:s29], $0x1800  }
0x4f: {  	[sflag:s29] =	ssyncset.done $0x0  }
0x50: {  	[sflag:s29] =	ssyncadd.s32 $0xFFFFE800  }
0x51: {  	[spmem:s19] =	stream.linear.scatter [tilespmem:s28], [sflag:$0x9], $0x1800, $0x38;
	[tilespmem:$0x1F400] =	vst v63  }
0x52: {  	_ =	swait.ge [sflag:s29], $0x1800  }
0x53: {  	[sflag:s29] =	ssyncset.done $0x0  }
0x54: {  	[sflag:s29] =	ssyncadd.s32 $0xFFFFE800  }
0x55: {  	[spmem:s20] =	stream.linear.scatter [tilespmem:s28], [sflag:$0x9], $0x1800, $0x38;
	[tilespmem:$0x1F400] =	vst v63  }
0x56: {  	_ =	swait.ge [sflag:s29], $0x1800  }
0x57: {  	[sflag:s29] =	ssyncset.done $0x0  }
0x58: {  	[sflag:s29] =	ssyncadd.s32 $0xFFFFE800  }
0x59: {  	[spmem:s21] =	stream.linear.scatter [tilespmem:s28], [sflag:$0x9], $0x1800, $0x38;
	[tilespmem:$0x1F400] =	vst v63  }
0x5a: {  	_ =	swait.ge [sflag:s29], $0x1800  }
0x5b: {  	[sflag:s29] =	ssyncset.done $0x0  }
0x5c: {  	[sflag:s29] =	ssyncadd.s32 $0xFFFFE800  }
0x5d: {  	[spmem:s22] =	stream.linear.scatter [tilespmem:s28], [sflag:$0x9], $0x1800, $0x38;
	[tilespmem:$0x1F400] =	vst v63  }
0x5e: {  	_ =	swait.ge [sflag:s29], $0x1800  }
0x5f: {  	[sflag:s29] =	ssyncset.done $0x0  }
0x60: {  	[sflag:s29] =	ssyncadd.s32 $0xFFFFE800  }
0x61: {  	[spmem:s23] =	stream.linear.scatter [tilespmem:s28], [sflag:$0x9], $0x1800, $0x38;
	[tilespmem:$0x1F400] =	vst v63  }
0x62: {  	_ =	swait.ge [sflag:s29], $0x1800  }
0x63: {  	[sflag:s29] =	ssyncset.done $0x0  }
0x64: {  	s13 =	simm.s32 @!p0 $0x19000;
	s14 =	rddreg [dreg:$0x6];
	[sflag:s29] =	ssyncadd.s32 $0xFFFFE800  }
0x65: {  	[spmem:s14] =	stream.linear.scatter @!p0 [tilespmem:s13], [sflag:$0x9], $0x800, $0x38;
	[tilespmem:$0x1F400] =	vst v63  }
0x66: {  	s13 =	simm.s32 @!p0 $0x9  }
0x67: {  	_ =	swait.ge @!p0 [sflag:s13], $0x800  }
0x68: {  	[sflag:s13] =	ssyncset.done @!p0 $0x0  }
0x69: {  	[sflag:s13] =	ssyncadd.s32 @!p0 $0xFFFFF800  }
0x6a: {  	_ =	swait.ge [sflag:s30], $0x2BC0  }
0x6b: {  	[sflag:s30] =	ssyncset.done $0x0  }
0x6c: {  	[sflag:s30] =	ssyncadd.s32 $0xFFFFD440  }
0x6d: {  	_ =	swait.ge [sflag:s31], $0x2BC0  }
0x6e: {  	[sflag:s31] =	ssyncset.done $0x0  }
0x6f: {  	[sflag:s31] =	ssyncadd.s32 $0xFFFFD440  }
0x70: {  	[bflag:$0x0] =	sbarrier.arrive $0xFFFF  }
0x71: {  	[tilespmem:s28], [sflag:$0x1] =	stream.indirect.gather [hbm4b:s1+s2], $0x80, s24, s2, $0xb8;
	[tilespmem:$0x1F400] =	vst v63  }
0x72: {  	s14 =	simm.s32 $0x138B8  }
0x73: {  	[tilespmem:s0], [sflag:$0x2] =	stream.indirect.gather [hbm4b:s1+s2], $0x80, s14, s2, $0xb8;
	[tilespmem:$0x1F400] =	vst v63  }
0x74: {  	s15 =	simm.s32 $0x138F0  }
0x75: {  	[tilespmem:s26], [sflag:$0x3] =	stream.indirect.gather [hbm4b:s1+s2], $0x80, s15, s2, $0xb8;
	[tilespmem:$0x1F400] =	vst v63  }
0x76: {  	s14 =	simm.s32 $0x13928  }
0x77: {  	[tilespmem:s4], [sflag:$0x4] =	stream.indirect.gather [hbm4b:s1+s2], $0x80, s14, s2, $0xb8;
	[tilespmem:$0x1F400] =	vst v63  }
0x78: {  	_ =	swait.ge [sflag:s30], $0x1900  }
0x79: {  	[sflag:s30] =	ssyncset.done $0x0  }
0x7a: {  	s15 =	simm.s32 $0x16440;
	[sflag:s30] =	ssyncadd.s32 $0xFFFFE700  }
0x7b: {  	[spmem:s3] =	stream.indirect.scatter.add.f32 [tilespmem:s28], [sflag:$0x5], $0x80, s15, s2, $0xb8;
	[tilespmem:$0x1F400] =	vst v63  }
0x7c: {  	_ =	swait.ge [sflag:s5], $0x1900  }
0x7d: {  	[sflag:s5] =	ssyncset.done $0x0  }
0x7e: {  	s14 =	simm.s32 $0x13960;
	[sflag:s5] =	ssyncadd.s32 $0xFFFFE700  }
0x7f: {  	[tilespmem:s28], [sflag:$0x1] =	stream.indirect.gather [hbm4b:s1+s2], $0x80, s14, s2, $0xb8;
	[tilespmem:$0x1F400] =	vst v63  }
0x80: {  	_ =	swait.ge [sflag:s31], $0x1900  }
0x81: {  	[sflag:s31] =	ssyncset.done $0x0  }
0x82: {  	s15 =	simm.s32 $0x16478;
	[sflag:s31] =	ssyncadd.s32 $0xFFFFE700  }
0x83: {  	[spmem:s3] =	stream.indirect.scatter.add.f32 [tilespmem:s0], [sflag:$0x6], $0x80, s15, s2, $0xb8;
	[tilespmem:$0x1F400] =	vst v63  }
0x84: {  	_ =	swait.ge [sflag:s6], $0x1900  }
0x85: {  	[sflag:s6] =	ssyncset.done $0x0  }
0x86: {  	s14 =	simm.s32 $0x13998;
	[sflag:s6] =	ssyncadd.s32 $0xFFFFE700  }
0x87: {  	[tilespmem:s0], [sflag:$0x2] =	stream.indirect.gather [hbm4b:s1+s2], $0x80, s14, s2, $0xb8;
	[tilespmem:$0x1F400] =	vst v63  }
0x88: {  	_ =	swait.ge [sflag:s7], $0x1900  }
0x89: {  	[sflag:s7] =	ssyncset.done $0x0  }
0x8a: {  	s15 =	simm.s32 $0x164B0;
	[sflag:s7] =	ssyncadd.s32 $0xFFFFE700  }
0x8b: {  	[spmem:s3] =	stream.indirect.scatter.add.f32 [tilespmem:s26], [sflag:$0x7], $0x80, s15, s2, $0xb8;
	[tilespmem:$0x1F400] =	vst v63  }
0x8c: {  	_ =	swait.ge [sflag:s8], $0x1900  }
0x8d: {  	[sflag:s8] =	ssyncset.done $0x0  }
0x8e: {  	s14 =	simm.s32 $0x139D0;
	[sflag:s8] =	ssyncadd.s32 $0xFFFFE700  }
0x8f: {  	[tilespmem:s26], [sflag:$0x3] =	stream.indirect.gather [hbm4b:s1+s2], $0x80, s14, s2, $0xb8;
	[tilespmem:$0x1F400] =	vst v63  }
0x90: {  	_ =	swait.ge [sflag:s10], $0x1900  }
0x91: {  	[sflag:s10] =	ssyncset.done $0x0  }
0x92: {  	s15 =	simm.s32 $0x164E8;
	[sflag:s10] =	ssyncadd.s32 $0xFFFFE700  }
0x93: {  	[spmem:s3] =	stream.indirect.scatter.add.f32 [tilespmem:s4], [sflag:$0x8], $0x80, s15, s2, $0xb8;
	[tilespmem:$0x1F400] =	vst v63  }
0x94: {  	_ =	swait.ge [sflag:s11], $0x1900  }
0x95: {  	[sflag:s11] =	ssyncset.done $0x0  }
0x96: {  	s13 =	simm.s32 $0x380;
	s14 =	simm.s32 $0x13A08;
	[sflag:s11] =	ssyncadd.s32 $0xFFFFE700  }
.LBB2_4:
0x97: {  	[tilespmem:s4], [sflag:$0x4] =	stream.indirect.gather [hbm4b:s1+s2], $0x80, s14, s2, $0xb8;
	[tilespmem:$0x1F400] =	vst v63  }
0x98: {  	s14 =	smov.u32 s13  }
0x99: {  	p2 =	sne.s32 s13, $0xA800;
	s13 =	sadd.s32 $0x380, s13;
	_ =	swait.ge [sflag:s30], $0x1900  }
0x9a: {  	s14 =	sshra.s32 s14, $0x2;
	[sflag:s30] =	ssyncset.done $0x0  }
0x9b: {  	s15 =	sadd.s32 $0x16440, s14;
	[sflag:s30] =	ssyncadd.s32 $0xFFFFE700  }
0x9c: {  	[spmem:s3] =	stream.indirect.scatter.add.f32 [tilespmem:s28], [sflag:$0x5], $0x80, s15, s2, $0xb8;
	[tilespmem:$0x1F400] =	vst v63  }
0x9d: {  	_ =	swait.ge [sflag:s5], $0x1900  }
0x9e: {  	[sflag:s5] =	ssyncset.done $0x0  }
0x9f: {  	s15 =	sadd.s32 $0x13960, s14;
	[sflag:s5] =	ssyncadd.s32 $0xFFFFE700  }
0xa0: {  	[tilespmem:s28], [sflag:$0x1] =	stream.indirect.gather [hbm4b:s1+s2], $0x80, s15, s2, $0xb8;
	[tilespmem:$0x1F400] =	vst v63  }
0xa1: {  	_ =	swait.ge [sflag:s31], $0x1900  }
0xa2: {  	[sflag:s31] =	ssyncset.done $0x0  }
0xa3: {  	s15 =	sadd.s32 $0x16478, s14;
	[sflag:s31] =	ssyncadd.s32 $0xFFFFE700  }
0xa4: {  	[spmem:s3] =	stream.indirect.scatter.add.f32 [tilespmem:s0], [sflag:$0x6], $0x80, s15, s2, $0xb8;
	[tilespmem:$0x1F400] =	vst v63  }
0xa5: {  	_ =	swait.ge [sflag:s6], $0x1900  }
0xa6: {  	[sflag:s6] =	ssyncset.done $0x0  }
0xa7: {  	s15 =	sadd.s32 $0x13998, s14;
	[sflag:s6] =	ssyncadd.s32 $0xFFFFE700  }
0xa8: {  	[tilespmem:s0], [sflag:$0x2] =	stream.indirect.gather [hbm4b:s1+s2], $0x80, s15, s2, $0xb8;
	[tilespmem:$0x1F400] =	vst v63  }
0xa9: {  	_ =	swait.ge [sflag:s7], $0x1900  }
0xaa: {  	[sflag:s7] =	ssyncset.done $0x0  }
0xab: {  	s15 =	sadd.s32 $0x164B0, s14;
	[sflag:s7] =	ssyncadd.s32 $0xFFFFE700  }
0xac: {  	[spmem:s3] =	stream.indirect.scatter.add.f32 [tilespmem:s26], [sflag:$0x7], $0x80, s15, s2, $0xb8;
	[tilespmem:$0x1F400] =	vst v63  }
0xad: {  	_ =	swait.ge [sflag:s8], $0x1900  }
0xae: {  	[sflag:s8] =	ssyncset.done $0x0  }
0xaf: {  	s15 =	sadd.s32 $0x139D0, s14;
	[sflag:s8] =	ssyncadd.s32 $0xFFFFE700  }
0xb0: {  	[tilespmem:s26], [sflag:$0x3] =	stream.indirect.gather [hbm4b:s1+s2], $0x80, s15, s2, $0xb8;
	[tilespmem:$0x1F400] =	vst v63  }
0xb1: {  	_ =	swait.ge [sflag:s10], $0x1900  }
0xb2: {  	[sflag:s10] =	ssyncset.done $0x0  }
.Ltmp1:
0xb3: {  	s15 =	sadd.s32 $0x164E8, s14;
	[sflag:s10] =	ssyncadd.s32 $0xFFFFE700;
	(pc) =	sbr.rel @p2 .LBB2_4-.Ltmp1, $4  }
0xb4: {  	[spmem:s3] =	stream.indirect.scatter.add.f32 [tilespmem:s4], [sflag:$0x8], $0x80, s15, s2, $0xb8;
	[tilespmem:$0x1F400] =	vst v63  }
0xb5: {  	_ =	swait.ge [sflag:s11], $0x1900  }
0xb6: {  	[sflag:s11] =	ssyncset.done $0x0  }
0xb7: {  	s14 =	sadd.s32 $0x13A08, s14;
	[sflag:s11] =	ssyncadd.s32 $0xFFFFE700  }
0xb8: {  	[tilespmem:s4], [sflag:$0x4] =	stream.indirect.gather [hbm4b:s1+s2], $0x80, s14, s2, $0xb8;
	[tilespmem:$0x1F400] =	vst v63  }
0xb9: {  	_ =	swait.ge [sflag:s30], $0x1900  }
0xba: {  	[sflag:s30] =	ssyncset.done $0x0  }
0xbb: {  	s13 =	simm.s32 $0x18F20;
	[sflag:s30] =	ssyncadd.s32 $0xFFFFE700  }
0xbc: {  	[spmem:s3] =	stream.indirect.scatter.add.f32 [tilespmem:s28], [sflag:$0x5], $0x80, s13, s2, $0xb8;
	[tilespmem:$0x1F400] =	vst v63  }
0xbd: {  	_ =	swait.ge [sflag:s31], $0x1900  }
0xbe: {  	[sflag:s31] =	ssyncset.done $0x0  }
0xbf: {  	s14 =	simm.s32 $0x18F58;
	[sflag:s31] =	ssyncadd.s32 $0xFFFFE700  }
0xc0: {  	[spmem:s3] =	stream.indirect.scatter.add.f32 [tilespmem:s0], [sflag:$0x6], $0x80, s14, s2, $0xb8;
	[tilespmem:$0x1F400] =	vst v63  }
0xc1: {  	_ =	swait.ge [sflag:s7], $0x1900  }
0xc2: {  	[sflag:s7] =	ssyncset.done $0x0  }
0xc3: {  	s15 =	simm.s32 $0x18F90;
	[sflag:s7] =	ssyncadd.s32 $0xFFFFE700  }
0xc4: {  	[spmem:s3] =	stream.indirect.scatter.add.f32 [tilespmem:s26], [sflag:$0x7], $0x80, s15, s2, $0xb8;
	[tilespmem:$0x1F400] =	vst v63  }
0xc5: {  	_ =	swait.ge [sflag:s10], $0x1900  }
0xc6: {  	[sflag:s10] =	ssyncset.done $0x0  }
0xc7: {  	s14 =	simm.s32 $0x18FC8;
	[sflag:s10] =	ssyncadd.s32 $0xFFFFE700  }
0xc8: {  	[spmem:s3] =	stream.indirect.scatter.add.f32 [tilespmem:s4], [sflag:$0x8], $0x80, s14, s2, $0xb8;
	[tilespmem:$0x1F400] =	vst v63  }
0xc9: {  	_ =	swait.ge [sflag:s5], $0x1900  }
0xca: {  	[sflag:s5] =	ssyncset.done $0x0  }
0xcb: {  	[sflag:s5] =	ssyncadd.s32 $0xFFFFE700  }
0xcc: {  	_ =	swait.ge [sflag:s6], $0x1900  }
0xcd: {  	[sflag:s6] =	ssyncset.done $0x0  }
0xce: {  	[sflag:s6] =	ssyncadd.s32 $0xFFFFE700  }
0xcf: {  	_ =	swait.ge [sflag:s8], $0x1900  }
0xd0: {  	[sflag:s8] =	ssyncset.done $0x0  }
0xd1: {  	[sflag:s8] =	ssyncadd.s32 $0xFFFFE700  }
0xd2: {  	_ =	swait.ge [sflag:s11], $0x1900  }
0xd3: {  	[sflag:s11] =	ssyncset.done $0x0  }
0xd4: {  	[sflag:s11] =	ssyncadd.s32 $0xFFFFE700  }
0xd5: {  	[bflag:$0x0] =	sbarrier.arrive $0xFFFF  }
0xd6: {  	s13 =	simm.s32 @p1 $0x1FC9;
	s14 =	rddreg [dreg:$0x8]  }
0xd7: {  	[hbm:s14], [sflag:s13] =	dma.local @p1 [spmem:s25], $0x2800  }
0xd8: {  	s13 =	simm.s32 @p1 $0x9  }
0xd9: {  	s14 =	stileid.u32;
	_ =	swait.ge @p1 [sflag:s13], $0x2800  }
0xda: {  	s14 =	sshll.u32 @!p1 s14, $0x6;
	[sflag:s13] =	ssyncset.done @p1 $0x0;
	s15 =	rddreg [dreg:$0x7]  }
0xdb: {  	[sflag:s13] =	ssyncadd.s32 @p1 $0xFFFFD800;
	s13 =	sor.u32 @!p1 $0x1C09, s14;
	s14 =	sshrl.u32 @!p1 s9, $0x3  }
0xdc: {  	[hbm:s15], [sflag:s13] =	dma.local @!p1 [spmem:s14], $0x2700  }
0xdd: {  	s13 =	simm.s32 @!p1 $0x9  }
0xde: {  	_ =	swait.ge @!p1 [sflag:s13], $0x2700  }
0xdf: {  	s12 =	sadd.s32 $0x1, s12;
	s15 =	rddreg [dreg:$0x9]  }
0xe0: {  	p2 =	sne.s32 s12, s15  }
.Ltmp2:
0xe1: {  	_ = 	snop;
	(pc) =	sbr.rel @p2 .LBB2_1-.Ltmp2, $3  }
0xe2: {  	_ =	sdelay $0x1  }
0xe3: {  	[sflag:s13] =	ssyncset.done @!p1 $0x0  }
0xe4: {  	[sflag:s13] =	ssyncadd.s32 @!p1 $0xFFFFD900  }
0xe5: {  	_ =	sfence.sel $0x180000  }
0xe6: {  	[bflag:$0x0] =	sbarrier.arrive $0xFFFF  }
0xe7: {  	_ =	strace $0x9000004A  }
0xe8: {  	s0 =	stileid.u32;
	[bflag:$0x2] =	sbarrier.arrive $0xFFFF  }
0xe9: {  	p0 =	sne.s32 s0, $0x0;
	s0 =	rddreg [dreg:$0x3]  }
0xea: {  	s0 =	sadd.s32 @!p0 $0x100000, s0  }
0xeb: {  	[sflag:s0] =	ssyncadd.tile.s32 @!p0 $0x1;
	_ =	shalt  }
.Lfunc_end2:
_tile_overlayer_lowered:
.L_overlay_start_2:
0xec: {  	(tag) =	ssettag $0x2  }
0xed: {  	s0 =	rddreg [dreg:$0x0];
	s2 =	stileid.u32  }
0xee: {  	s1 =	rddreg [dreg:$0x1];
	p0 =	sne.s32 s2, $0x0  }
0xef: {  	s3 =	rddreg [dreg:$0x2];
	[bflag:$0x3] =	sbarrier.arrive $0xFFFF;
	s2 =	simm.s32 @!p0 $0x1C09  }
0xf0: {  	[timem:s3], [sflag:s2] =	dma.local @!p0 [hbm:s0], s1  }
0xf1: {  	s0 =	simm.s32 @!p0 $0x9  }
0xf2: {  	_ =	swait.ge @!p0 [sflag:s0], s1  }
0xf3: {  	s1 =	ssub.s32 @!p0 $0x0, s1;
	[sflag:s0] =	ssyncset.done @!p0 $0x0  }
0xf4: {  	[sflag:s0] =	ssyncadd.s32 @!p0 s1  }
0xf5: {  	[bflag:$0x3] =	sbarrier.arrive $0xFFFF  }
0xf6: {  	_ =	shalt  }

// kernel: kernel.14.cloned.1.call-start
scs
__scs_entry_jumppad:
0x0: {  	(pc) =	sbr.rel $0x88, $3  }
0x1: {  	(tag) =	ssettag $0x0;
	lr =	simm.s32 $0x1  }
0x2: {  	[smem:$0x3F9B] =	sst lr;
	_ =	strace $0xD0000000  }
0x3: {  	_ = 	snop  }
0x4: {  	_ = 	snop  }
0x5: {  	_ = 	snop  }
0x6: {  	_ = 	snop  }
0x7: {  	_ = 	snop  }
__scs_overlays_trampoline_lowered:
0x8: {  	[smem:$0x3FAA] =	sst s0  }
0x9: {  	[smem:$0x3FAB] =	sst s1  }
0xa: {  	[smem:$0x3FAC] =	sst s2  }
0xb: {  	[smem:$0x3FAD] =	sst s3  }
0xc: {  	[smem:$0x3FAE] =	sst s4  }
0xd: {  	[smem:$0x3FAF] =	sst s5  }
0xe: {  	[smem:$0x3FB0] =	sst s6  }
0xf: {  	[smem:$0x3FB1] =	sst s7  }
0x10: {  	[smem:$0x3FB2] =	sst s8  }
0x11: {  	[smem:$0x3FB3] =	sst s9;
	s0 =	simm.s32 @!p0 $0x0  }
0x12: {  	s1 =	sld [smem:$0x3F99];
	s0 =	simm.s32 @p0 $0x1  }
0x13: {  	[smem:$0x3FB4] =	sst s0;
	s0 =	simm.s32 @!p1 $0x0  }
0x14: {  	s2 =	sld [smem:$0x3F98];
	s0 =	simm.s32 @p1 $0x1  }
0x15: {  	[smem:$0x3FB5] =	sst s0;
	s0 =	simm.s32 @!p2 $0x0  }
0x16: {  	s3 =	sld [smem:$0x3FDB];
	s0 =	simm.s32 @p2 $0x1  }
0x17: {  	s4 =	simm.s32 $0x1BF5;
	[smem:$0x3FB7] =	sst s0  }
0x18: {  	s0 =	sld [smem:$0x3F9A];
	_ =	swait.ge [sflag:s4], $0x0  }
0x19: {  	s7 =	sld [smem:$0x3F9B]  }
0x1a: {  	s8 =	sadd.s32 $0xFFFFE003, lr  }
0x1b: {  	s9 =	sadd.s32 $0xFFFFFEF7, lr;
	s5 =	simm.s32 $0xFFFFFFFF;
	p2 =	slt.u32 s8, $0xFFFFF086  }
0x1c: {  	p1 =	slt.u32 s9, $0xF7A;
	s5 =	simm.s32 @!p2 $0x0  }
0x1d: {  	s5 =	simm.s32 @p1 $0x1;
	p0 =	seq.s32 s7, s2  }
0x1e: {  	s7 =	smul.u32 @!p0 $0xF7A, s2;
	p2 =	seq.s32 @!p0 s5, $0x0  }
0x1f: {  	s9 =	smul.u32 $0xF7A, s1;
	s8 =	simm.s32 @!p0 $0x1BF5;
	p2 =	por !p2, p0  }
0x20: {  	[sflag:s8] =	ssyncset.s32 @!p0 $0xFFFFF086;
	s6 =	sadd.s32 @!p0 s3, s7;
	s7 =	simm.s32 @!p0 $0x108  }
0x21: {  	s3 =	sadd.s32 s3, s9;
	s6 =	sadd.s32 @!p0 $0x88, s6;
	s7 =	simm.s32 @p2 $0x1082  }
0x22: {  	[simem:s7], [sflag:s8] =	dma.local @!p0 [hbm:s6], $0xF7A  }
0x23: {  	s9 =	sor.u32 $0xD0000000, s2;
	s6 =	simm.s32 $0x108;
	_ =	swait.ge @!p0 [sflag:s8], $0x0  }
0x24: {  	s3 =	sadd.s32 $0x88, s3;
	s6 =	simm.s32 @!p1 $0x1082;
	[sflag:s4] =	ssyncset.s32 $0xFFFFF086  }
0x25: {  	[simem:s6], [sflag:s4] =	dma.local [hbm:s3], $0xF7A  }
0x26: {  	[smem:$0x3F9B] =	sst s1;
	(tag) =	ssettag s2;
	_ =	strace s9  }
0x27: {  	s1 =	sld [smem:$0x3FAB]  }
0x28: {  	s2 =	sld [smem:$0x3FAC]  }
0x29: {  	s4 =	sld [smem:$0x3FAE]  }
0x2a: {  	p0 =	seq.s32 s5, $0x0;
	s5 =	sld [smem:$0x3FAF]  }
0x2b: {  	s6 =	sld [smem:$0x3FB0]  }
0x2c: {  	s7 =	sld [smem:$0x3FB1]  }
0x2d: {  	s3 =	simm.s32 $0x108;
	s8 =	sld [smem:$0x3FB2]  }
0x2e: {  	s3 =	simm.s32 @!p0 $0x1082;
	s9 =	sld [smem:$0x3FB3]  }
0x2f: {  	lr =	sadd.s32 s0, s3;
	s0 =	sld [smem:$0x3FAA]  }
0x30: {  	s3 =	sld [smem:$0x3FAD]  }
0x31: {  	[smem:$0x3FB6] =	sst s10  }
0x32: {  	s10 =	sld [smem:$0x3FB4];
	_ =	sdelay $0x3  }
0x33: {  	p0 =	seq.s32 s10, $0x1;
	s10 =	sld [smem:$0x3FB6];
	_ =	sdelay $0x3  }
0x34: {  	[smem:$0x3FB6] =	sst s10  }
0x35: {  	s10 =	sld [smem:$0x3FB5];
	_ =	sdelay $0x3  }
0x36: {  	p1 =	seq.s32 s10, $0x1;
	s10 =	sld [smem:$0x3FB6];
	_ =	sdelay $0x3  }
0x37: {  	[smem:$0x3FB6] =	sst s10  }
0x38: {  	s10 =	sld [smem:$0x3FB7]  }
0x39: {  	_ = 	snop;
	(pc) =	sbr.ind lr, $3  }
0x3a: {  	_ = 	snop  }
0x3b: {  	_ = 	snop  }
0x3c: {  	p2 =	seq.s32 s10, $0x1;
	s10 =	sld [smem:$0x3FB6]  }
0x3d: {  	_ =	shalt  }
0x3e: {  	_ =	shalt  }
0x3f: {  	_ =	shalt  }
0x40: {  	_ =	shalt  }
0x41: {  	_ =	shalt  }
0x42: {  	_ =	shalt  }
0x43: {  	_ =	shalt  }
0x44: {  	_ =	shalt  }
0x45: {  	_ =	shalt  }
0x46: {  	_ =	shalt  }
0x47: {  	_ =	shalt  }
0x48: {  	_ =	shalt  }
0x49: {  	_ =	shalt  }
0x4a: {  	_ =	shalt  }
0x4b: {  	_ =	shalt  }
0x4c: {  	_ =	shalt  }
0x4d: {  	_ =	shalt  }
0x4e: {  	_ =	shalt  }
0x4f: {  	_ =	shalt  }
0x50: {  	_ =	shalt  }
0x51: {  	_ =	shalt  }
0x52: {  	_ =	shalt  }
0x53: {  	_ =	shalt  }
0x54: {  	_ =	shalt  }
0x55: {  	_ =	shalt  }
0x56: {  	_ =	shalt  }
0x57: {  	_ =	shalt  }
0x58: {  	_ =	shalt  }
0x59: {  	_ =	shalt  }
0x5a: {  	_ =	shalt  }
0x5b: {  	_ =	shalt  }
0x5c: {  	_ =	shalt  }
0x5d: {  	_ =	shalt  }
0x5e: {  	_ =	shalt  }
0x5f: {  	_ =	shalt  }
0x60: {  	_ =	shalt  }
0x61: {  	_ =	shalt  }
0x62: {  	_ =	shalt  }
0x63: {  	_ =	shalt  }
0x64: {  	_ =	shalt  }
0x65: {  	_ =	shalt  }
0x66: {  	_ =	shalt  }
0x67: {  	_ =	shalt  }
0x68: {  	_ =	shalt  }
0x69: {  	_ =	shalt  }
0x6a: {  	_ =	shalt  }
0x6b: {  	_ =	shalt  }
0x6c: {  	_ =	shalt  }
0x6d: {  	_ =	shalt  }
0x6e: {  	_ =	shalt  }
0x6f: {  	_ =	shalt  }
0x70: {  	_ =	shalt  }
0x71: {  	_ =	shalt  }
0x72: {  	_ =	shalt  }
0x73: {  	_ =	shalt  }
0x74: {  	_ =	shalt  }
0x75: {  	_ =	shalt  }
0x76: {  	_ =	shalt  }
0x77: {  	_ =	shalt  }
0x78: {  	_ =	shalt  }
0x79: {  	_ =	shalt  }
0x7a: {  	_ =	shalt  }
0x7b: {  	_ =	shalt  }
0x7c: {  	_ =	shalt  }
0x7d: {  	_ =	shalt  }
0x7e: {  	_ =	shalt  }
0x7f: {  	_ =	shalt  }
0x80: {  	_ =	shalt  }
0x81: {  	_ =	shalt  }
0x82: {  	_ =	shalt  }
0x83: {  	_ =	shalt  }
0x84: {  	_ =	shalt  }
0x85: {  	_ =	shalt  }
0x86: {  	_ =	shalt  }
0x87: {  	_ =	shalt  }
.Lfunc_end0:
.L_simem_size_0:
called_computation.2_lowered:
.L_overlay_start_0:
0x88: {  	s2 =	sld [smem:$0x3FD9]  }
0x89: {  	s3 =	sld [smem:$0x3FFE];
	_ =	sdelay $0x1  }
0x8a: {  	s1 =	srdreg.scid  }
0x8b: {  	s0 =	sand.u32 $0x1, s1  }
0x8c: {  	s17 =	sshll.u32 s0, $0xA;
	s2 =	sadd.s32 s3, s2  }
0x8d: {  	s2 =	sadd.s32 s2, s17  }
0x8e: {  	[smem:$0x3FC2] =	sst s2  }
0x8f: {  	_ = 	snop  }
0x90: {  	s2 =	sld [smem:$0x3FD0];
	(tm) =	ssettm $0x1  }
0x91: {  	s18 =	sld [smem:$0x3FFB];
	_ =	sdelay $0x3  }
0x92: {  	_ =	strace s18  }
0x93: {  	s3 =	sld [smem:$0x3FFC];
	_ =	sdelay $0x3  }
0x94: {  	_ =	strace s3  }
0x95: {  	s3 =	sld [smem:$0x3FFD];
	_ =	sdelay $0x3  }
0x96: {  	_ =	strace s3  }
0x97: {  	_ =	strace $0x8FFFFFFF  }
0x98: {  	s19 =	sld [smem:$0x3FDB];
	_ =	sdelay $0x1  }
0x99: {  	s4 =	simm.s32 $_scs_section_size  }
0x9a: {  	s5 =	simm.s32 $_size__tile_overlayer_lowered;
	s6 =	simm.s32 $_tile_overlayer_lowered  }
0x9b: {  	s22 =	simm.s32 $0x1BFF;
	s21 =	sshll.u32 s6, $0x1;
	s3 =	sadd.s32 s4, s19  }
0x9c: {  	s7 =	simm.s32 $0x0;
	s20 =	sshll.u32 s5, $0x1;
	s5 =	sadd.s32 s21, s3  }
0x9d: {  	[timem:s7], [sflag:s22] =	dma.local [hbm:s5], s20  }
0x9e: {  	_ =	swait.ge [sflag:s22], s20  }
0x9f: {  	s4 =	ssub.s32 $0x0, s20;
	[sflag:s22] =	ssyncset.done $0x0  }
0xa0: {  	[sflag:s22] =	ssyncadd.s32 s4;
	_ =	sdelay $0x1  }
0xa1: {  	s23 =	simm.s32 $0x1B8B  }
0xa2: {  	_ =	swait.ge [sflag:s23], $0x1  }
0xa3: {  	[sflag:s23] =	ssyncset.done $0x0  }
0xa4: {  	s25 =	simm.s32 $0x1B8E;
	s24 =	sld [smem:$0x3FFE];
	[sflag:s23] =	ssyncadd.s32 $0xFFFFFFFF  }
0xa5: {  	s26 =	simm.s32 $execute0_lowered;
	[smem:$0x3FD2] =	sst s25  }
0xa6: {  	s5 =	sshll.u32 s26, $0x1;
	_ =	strace $0x8000004C;
	[dreg:$0x1] =	wrdreg $0xFFFFFFFF  }
0xa7: {  	s28 =	simm.s32 $_size_execute0_lowered;
	s3 =	sadd.s32 s3, s5;
	[dreg:$0x0] =	wrdreg $0x0  }
0xa8: {  	s5 =	sshll.u32 s28, $0x1;
	[dreg:$0x2] =	wrdreg s3  }
0xa9: {  	[dreg:$0x3] =	wrdreg s5  }
0xaa: {  	[dreg:$0x4] =	wrdreg $0xC0  }
0xab: {  	_ =	task [dreg:s7], $0x5FFFF  }
0xac: {  	[dreg:$0x1] =	wrdreg $0xFFFFFFFF  }
0xad: {  	[dreg:$0x0] =	wrdreg $0x60  }
0xae: {  	[dreg:$0x2] =	wrdreg s2  }
0xaf: {  	[dreg:$0x3] =	wrdreg s24  }
0xb0: {  	[dreg:$0x4] =	wrdreg $0x0  }
0xb1: {  	[dreg:$0x5] =	wrdreg $0x9  }
0xb2: {  	_ =	task.clear_ibuf [dreg:s7], $0x6FFFF;
	_ =	strace $0x9000004C  }
0xb3: {  	s29 =	simm.s32 $0x9;
	_ =	strace $0x8000004E  }
0xb4: {  	_ =	swait.ge [sflag:s29], $0x1  }
0xb5: {  	[sflag:s29] =	ssyncadd.s32 $0xFFFFFFFF  }
0xb6: {  	_ =	strace $0x9000004E  }
0xb7: {  	_ =	sfence  }
0xb8: {  	s30 =	sld [smem:$0x0];
	_ =	sdelay $0x2  }
0xb9: {  	s31 =	sshll.u32 s1, $0xD;
	s1 =	sshrl.u32 s1, $0x2  }
0xba: {  	s3 =	sand.u32 $0x4000, s31;
	s1 =	sadd.s32 s1, s30  }
0xbb: {  	s0 =	sor.u32 s3, s0;
	s1 =	sshll.u32 s1, $0x11  }
0xbc: {  	s0 =	sor.u32 s1, s0  }
0xbd: {  	s0 =	sadd.s32 $0x8F2B, s0  }
0xbe: {  	[sflag:s0] =	ssyncadd.remote.s32 $0x1  }
0xbf: {  	_ =	sfence.sel $0xFFFF  }
0xc0: {  	[dreg:$0x0] =	wrdreg $0xFFFFFFFF;
	(pc) =	sbr.abs _section_cstart, $3  }
0xc1: {  	[dreg:$0x1] =	wrdreg $0xFFFFFFFF  }
0xc2: {  	_ =	task.clear_ibuf [dreg:s7], $0x2FFFF;
	_ =	strace $0x9FFFFFFF  }
0xc3: {  	(tm) =	ssettm $0x7FFFFFFF  }
tec
execute0_lowered:
.L_overlay_start_1:
0x0: {  	(tag) =	ssettag $0x1  }
0x1: {  	s1 =	rddreg [dreg:$0x0]  }
0x2: {  	s0 =	srdreg.scid;
	s2 =	rddreg [dreg:$0x1]  }
0x3: {  	s12 =	stileid.u32;
	s3 =	rddreg [dreg:$0x2]  }
0x4: {  	s6 =	simm.s32 $0x0;
	s28 =	simm.s32 $0x19000;
	s29 =	simm.s32 $0x9  }
0x5: {  	s30 =	simm.s32 $0x1;
	s31 =	simm.s32 $0x2;
	s0 =	sand.u32 $0x1, s0  }
0x6: {  	[smem:$0x7FF] =	sst s6;
	s18 =	sadd.s32 $0x2600, s2;
	s9 =	smul.u32 $0x2700, s12  }
0x7: {  	s2 =	sadd.s32 $0x18400, s2;
	s11 =	smul.u32 $0x4E000, s12;
	s19 =	sadd.s32 $0x138000, s3  }
0x8: {  	p0 =	sne.s32 s12, $0xF;
	p1 =	seq.s32 s12, $0xF;
	s6 =	simm.s32 $0x6  }
0x9: {  	s4 =	sshll.u32 s0, $0x4;
	_ =	strace $0x8000004D;
	s7 =	smul.u32 $0x27100, s0  }
0xa: {  	s8 =	ssub.s32 $0x2, s0;
	s0 =	smul.u32 $0x138800, s0;
	[dreg:$0x6] =	wrdreg s19  }
0xb: {  	s4 =	sor.u32 s12, s4;
	s10 =	sshrl.u32 s8, $0x1;
	s21 =	sshrl.u32 s11, $0x2  }
0xc: {  	s11 =	simm.s32 $0x8;
	s12 =	simm.s32 $0x0;
	s5 =	smul.u32 $0x578, s4  }
0xd: {  	s4 =	smul.u32 $0x2BC0, s4;
	s8 =	ssub.s32 s8, s10;
	s20 =	sadd.s32 s9, s7  }
0xe: {  	s0 =	sshrl.u32 s0, $0x3;
	s9 =	sadd.s32 s21, s3;
	s7 =	simm.s32 $0x3  }
0xf: {  	s10 =	simm.s32 $0x4;
	s0 =	sadd.s32 s2, s0;
	s22 =	smax.u32 s8, $0x1  }
0x10: {  	s23 =	sadd.s32 $0x1800, s9;
	s24 =	sadd.s32 $0x3000, s9;
	s25 =	sadd.s32 $0x4800, s9  }
0x11: {  	s26 =	sadd.s32 $0x6000, s9;
	s16 =	sadd.s32 $0x7800, s9;
	[dreg:$0x9] =	wrdreg s22  }
0x12: {  	s17 =	sadd.s32 $0x9000, s9;
	s19 =	sadd.s32 $0xC000, s9;
	[dreg:$0xa] =	wrdreg s23  }
0x13: {  	s21 =	sadd.s32 $0xF000, s9;
	s8 =	simm.s32 $0x7;
	[dreg:$0xb] =	wrdreg s24  }
0x14: {  	s4 =	sshrl.u32 s4, $0x3;
	s5 =	sadd.s32 s18, s5;
	[dreg:$0xc] =	wrdreg s25  }
0x15: {  	s0 =	sadd.s32 $0x24900, s0;
	[dreg:$0xd] =	wrdreg s26;
	s22 =	sadd.s32 $0x10800, s9  }
0x16: {  	s23 =	sadd.s32 $0x12000, s9;
	s24 =	simm.s32 $0x13880;
	[dreg:$0x4] =	wrdreg s5  }
0x17: {  	s26 =	simm.s32 $0x1C200;
	s4 =	sadd.s32 s18, s4;
	[dreg:$0x8] =	wrdreg s0  }
0x18: {  	s0 =	sadd.s32 $0x124800, s3;
	s18 =	sadd.s32 $0xA800, s9;
	s5 =	simm.s32 $0x5  }
0x19: {  	s4 =	sadd.s32 $0xAF00, s4;
	s25 =	sshrl.u32 @p1 s0, $0x3;
	s0 =	simm.s32 $0x1A900  }
0x1a: {  	[dreg:$0x5] =	wrdreg s4;
	s4 =	sadd.s32 s2, s20;
	s20 =	sadd.s32 $0xD800, s9  }
0x1b: {  	v0 =	vimm.f32 $0.0e+00;
	s2 =	simm.s32 $0x32;
	[dreg:$0x7] =	wrdreg s4;
	s4 =	simm.s32 $0x1DB00  }
.LBB2_1:
0x1c: {  	s13 =	simm.s32 $0x0;
	s14 =	rddreg [dreg:$0x4]  }
0x1d: {  	[tilespmem:s24], [sflag:$0x1] =	stream.linear.gather [hbm4b:s14+s13], $0x2BC0, $0x38;
	[tilespmem:$0x1F400] =	vst v63  }
0x1e: {  	s15 =	simm.s32 $0x16440;
	s14 =	rddreg [dreg:$0x5]  }
0x1f: {  	[tilespmem:s15], [sflag:$0x2] =	stream.linear.gather [hbm4b:s14+s13], $0x2BC0, $0x38;
	[tilespmem:$0x1F400] =	vst v63  }
0x20: {  	s13 =	simm.s32 $0x0;
	s14 =	simm.s32 $0x200  }
.LBB2_2:
0x21: {  	p2 =	sne.s32 s14, $0x6200;
	[tilespmem:s13+$0x19070] =	vst v0  }
0x22: {  	[tilespmem:s13+$0x19000] =	vst v0  }
0x23: {  	[tilespmem:s13+$0x19010] =	vst v0  }
.Ltmp0:
0x24: {  	[tilespmem:s13+$0x19020] =	vst v0;
	(pc) =	sbr.rel @p2 .LBB2_2-.Ltmp0, $4  }
0x25: {  	[tilespmem:s13+$0x19030] =	vst v0  }
0x26: {  	[tilespmem:s13+$0x19040] =	vst v0  }
0x27: {  	[tilespmem:s13+$0x19050] =	vst v0  }
0x28: {  	[tilespmem:s13+$0x19060] =	vst v0;
	s13 =	sshra.s32 s14, $0x2;
	s14 =	sadd.s32 $0x200, s14  }
0x29: {  	[tilespmem:s13+$0x19070] =	vst v0  }
0x2a: {  	[tilespmem:s13+$0x19000] =	vst v0  }
0x2b: {  	[tilespmem:s13+$0x19010] =	vst v0  }
0x2c: {  	[tilespmem:s13+$0x19020] =	vst v0  }
0x2d: {  	[tilespmem:s13+$0x19030] =	vst v0  }
0x2e: {  	[tilespmem:s13+$0x19040] =	vst v0  }
0x2f: {  	[tilespmem:s13+$0x19050] =	vst v0  }
0x30: {  	[tilespmem:s13+$0x19060] =	vst v0  }
0x31: {  	[spmem:s9] =	stream.linear.scatter [tilespmem:s28], [sflag:$0x9], $0x1800, $0x38;
	[tilespmem:$0x1F400] =	vst v63  }
0x32: {  	_ =	swait.ge [sflag:s29], $0x1800  }
0x33: {  	[sflag:s29] =	ssyncset.done $0x0  }
0x34: {  	s14 =	rddreg [dreg:$0xa];
	[sflag:s29] =	ssyncadd.s32 $0xFFFFE800  }
0x35: {  	[spmem:s14] =	stream.linear.scatter [tilespmem:s28], [sflag:$0x9], $0x1800, $0x38;
	[tilespmem:$0x1F400] =	vst v63  }
0x36: {  	_ =	swait.ge [sflag:s29], $0x1800  }
0x37: {  	[sflag:s29] =	ssyncset.done $0x0  }
0x38: {  	s15 =	rddreg [dreg:$0xb];
	[sflag:s29] =	ssyncadd.s32 $0xFFFFE800  }
0x39: {  	[spmem:s15] =	stream.linear.scatter [tilespmem:s28], [sflag:$0x9], $0x1800, $0x38;
	[tilespmem:$0x1F400] =	vst v63  }
0x3a: {  	_ =	swait.ge [sflag:s29], $0x1800  }
0x3b: {  	[sflag:s29] =	ssyncset.done $0x0  }
0x3c: {  	s14 =	rddreg [dreg:$0xc];
	[sflag:s29] =	ssyncadd.s32 $0xFFFFE800  }
0x3d: {  	[spmem:s14] =	stream.linear.scatter [tilespmem:s28], [sflag:$0x9], $0x1800, $0x38;
	[tilespmem:$0x1F400] =	vst v63  }
0x3e: {  	_ =	swait.ge [sflag:s29], $0x1800  }
0x3f: {  	[sflag:s29] =	ssyncset.done $0x0  }
0x40: {  	s15 =	rddreg [dreg:$0xd];
	[sflag:s29] =	ssyncadd.s32 $0xFFFFE800  }
0x41: {  	[spmem:s15] =	stream.linear.scatter [tilespmem:s28], [sflag:$0x9], $0x1800, $0x38;
	[tilespmem:$0x1F400] =	vst v63  }
0x42: {  	_ =	swait.ge [sflag:s29], $0x1800  }
0x43: {  	[sflag:s29] =	ssyncset.done $0x0  }
0x44: {  	[sflag:s29] =	ssyncadd.s32 $0xFFFFE800  }
0x45: {  	[spmem:s16] =	stream.linear.scatter [tilespmem:s28], [sflag:$0x9], $0x1800, $0x38;
	[tilespmem:$0x1F400] =	vst v63  }
0x46: {  	_ =	swait.ge [sflag:s29], $0x1800  }
0x47: {  	[sflag:s29] =	ssyncset.done $0x0  }
0x48: {  	[sflag:s29] =	ssyncadd.s32 $0xFFFFE800  }
0x49: {  	[spmem:s17] =	stream.linear.scatter [tilespmem:s28], [sflag:$0x9], $0x1800, $0x38;
	[tilespmem:$0x1F400] =	vst v63  }
0x4a: {  	_ =	swait.ge [sflag:s29], $0x1800  }
0x4b: {  	[sflag:s29] =	ssyncset.done $0x0  }
0x4c: {  	[sflag:s29] =	ssyncadd.s32 $0xFFFFE800  }
0x4d: {  	[spmem:s18] =	stream.linear.scatter [tilespmem:s28], [sflag:$0x9], $0x1800, $0x38;
	[tilespmem:$0x1F400] =	vst v63  }
0x4e: {  	_ =	swait.ge [sflag:s29], $0x1800  }
0x4f: {  	[sflag:s29] =	ssyncset.done $0x0  }
0x50: {  	[sflag:s29] =	ssyncadd.s32 $0xFFFFE800  }
0x51: {  	[spmem:s19] =	stream.linear.scatter [tilespmem:s28], [sflag:$0x9], $0x1800, $0x38;
	[tilespmem:$0x1F400] =	vst v63  }
0x52: {  	_ =	swait.ge [sflag:s29], $0x1800  }
0x53: {  	[sflag:s29] =	ssyncset.done $0x0  }
0x54: {  	[sflag:s29] =	ssyncadd.s32 $0xFFFFE800  }
0x55: {  	[spmem:s20] =	stream.linear.scatter [tilespmem:s28], [sflag:$0x9], $0x1800, $0x38;
	[tilespmem:$0x1F400] =	vst v63  }
0x56: {  	_ =	swait.ge [sflag:s29], $0x1800  }
0x57: {  	[sflag:s29] =	ssyncset.done $0x0  }
0x58: {  	[sflag:s29] =	ssyncadd.s32 $0xFFFFE800  }
0x59: {  	[spmem:s21] =	stream.linear.scatter [tilespmem:s28], [sflag:$0x9], $0x1800, $0x38;
	[tilespmem:$0x1F400] =	vst v63  }
0x5a: {  	_ =	swait.ge [sflag:s29], $0x1800  }
0x5b: {  	[sflag:s29] =	ssyncset.done $0x0  }
0x5c: {  	[sflag:s29] =	ssyncadd.s32 $0xFFFFE800  }
0x5d: {  	[spmem:s22] =	stream.linear.scatter [tilespmem:s28], [sflag:$0x9], $0x1800, $0x38;
	[tilespmem:$0x1F400] =	vst v63  }
0x5e: {  	_ =	swait.ge [sflag:s29], $0x1800  }
0x5f: {  	[sflag:s29] =	ssyncset.done $0x0  }
0x60: {  	[sflag:s29] =	ssyncadd.s32 $0xFFFFE800  }
0x61: {  	[spmem:s23] =	stream.linear.scatter [tilespmem:s28], [sflag:$0x9], $0x1800, $0x38;
	[tilespmem:$0x1F400] =	vst v63  }
0x62: {  	_ =	swait.ge [sflag:s29], $0x1800  }
0x63: {  	[sflag:s29] =	ssyncset.done $0x0  }
0x64: {  	s13 =	simm.s32 @!p0 $0x19000;
	s14 =	rddreg [dreg:$0x6];
	[sflag:s29] =	ssyncadd.s32 $0xFFFFE800  }
0x65: {  	[spmem:s14] =	stream.linear.scatter @!p0 [tilespmem:s13], [sflag:$0x9], $0x800, $0x38;
	[tilespmem:$0x1F400] =	vst v63  }
0x66: {  	s13 =	simm.s32 @!p0 $0x9  }
0x67: {  	_ =	swait.ge @!p0 [sflag:s13], $0x800  }
0x68: {  	[sflag:s13] =	ssyncset.done @!p0 $0x0  }
0x69: {  	[sflag:s13] =	ssyncadd.s32 @!p0 $0xFFFFF800  }
0x6a: {  	_ =	swait.ge [sflag:s30], $0x2BC0  }
0x6b: {  	[sflag:s30] =	ssyncset.done $0x0  }
0x6c: {  	[sflag:s30] =	ssyncadd.s32 $0xFFFFD440  }
0x6d: {  	_ =	swait.ge [sflag:s31], $0x2BC0  }
0x6e: {  	[sflag:s31] =	ssyncset.done $0x0  }
0x6f: {  	[sflag:s31] =	ssyncadd.s32 $0xFFFFD440  }
0x70: {  	[bflag:$0x0] =	sbarrier.arrive $0xFFFF  }
0x71: {  	[tilespmem:s28], [sflag:$0x1] =	stream.indirect.gather [hbm4b:s1+s2], $0x80, s24, s2, $0xb8;
	[tilespmem:$0x1F400] =	vst v63  }
0x72: {  	s14 =	simm.s32 $0x138B8  }
0x73: {  	[tilespmem:s0], [sflag:$0x2] =	stream.indirect.gather [hbm4b:s1+s2], $0x80, s14, s2, $0xb8;
	[tilespmem:$0x1F400] =	vst v63  }
0x74: {  	s15 =	simm.s32 $0x138F0  }
0x75: {  	[tilespmem:s26], [sflag:$0x3] =	stream.indirect.gather [hbm4b:s1+s2], $0x80, s15, s2, $0xb8;
	[tilespmem:$0x1F400] =	vst v63  }
0x76: {  	s14 =	simm.s32 $0x13928  }
0x77: {  	[tilespmem:s4], [sflag:$0x4] =	stream.indirect.gather [hbm4b:s1+s2], $0x80, s14, s2, $0xb8;
	[tilespmem:$0x1F400] =	vst v63  }
0x78: {  	_ =	swait.ge [sflag:s30], $0x1900  }
0x79: {  	[sflag:s30] =	ssyncset.done $0x0  }
0x7a: {  	s15 =	simm.s32 $0x16440;
	[sflag:s30] =	ssyncadd.s32 $0xFFFFE700  }
0x7b: {  	[spmem:s3] =	stream.indirect.scatter.add.f32 [tilespmem:s28], [sflag:$0x5], $0x80, s15, s2, $0xb8;
	[tilespmem:$0x1F400] =	vst v63  }
0x7c: {  	_ =	swait.ge [sflag:s5], $0x1900  }
0x7d: {  	[sflag:s5] =	ssyncset.done $0x0  }
0x7e: {  	s14 =	simm.s32 $0x13960;
	[sflag:s5] =	ssyncadd.s32 $0xFFFFE700  }
0x7f: {  	[tilespmem:s28], [sflag:$0x1] =	stream.indirect.gather [hbm4b:s1+s2], $0x80, s14, s2, $0xb8;
	[tilespmem:$0x1F400] =	vst v63  }
0x80: {  	_ =	swait.ge [sflag:s31], $0x1900  }
0x81: {  	[sflag:s31] =	ssyncset.done $0x0  }
0x82: {  	s15 =	simm.s32 $0x16478;
	[sflag:s31] =	ssyncadd.s32 $0xFFFFE700  }
0x83: {  	[spmem:s3] =	stream.indirect.scatter.add.f32 [tilespmem:s0], [sflag:$0x6], $0x80, s15, s2, $0xb8;
	[tilespmem:$0x1F400] =	vst v63  }
0x84: {  	_ =	swait.ge [sflag:s6], $0x1900  }
0x85: {  	[sflag:s6] =	ssyncset.done $0x0  }
0x86: {  	s14 =	simm.s32 $0x13998;
	[sflag:s6] =	ssyncadd.s32 $0xFFFFE700  }
0x87: {  	[tilespmem:s0], [sflag:$0x2] =	stream.indirect.gather [hbm4b:s1+s2], $0x80, s14, s2, $0xb8;
	[tilespmem:$0x1F400] =	vst v63  }
0x88: {  	_ =	swait.ge [sflag:s7], $0x1900  }
0x89: {  	[sflag:s7] =	ssyncset.done $0x0  }
0x8a: {  	s15 =	simm.s32 $0x164B0;
	[sflag:s7] =	ssyncadd.s32 $0xFFFFE700  }
0x8b: {  	[spmem:s3] =	stream.indirect.scatter.add.f32 [tilespmem:s26], [sflag:$0x7], $0x80, s15, s2, $0xb8;
	[tilespmem:$0x1F400] =	vst v63  }
0x8c: {  	_ =	swait.ge [sflag:s8], $0x1900  }
0x8d: {  	[sflag:s8] =	ssyncset.done $0x0  }
0x8e: {  	s14 =	simm.s32 $0x139D0;
	[sflag:s8] =	ssyncadd.s32 $0xFFFFE700  }
0x8f: {  	[tilespmem:s26], [sflag:$0x3] =	stream.indirect.gather [hbm4b:s1+s2], $0x80, s14, s2, $0xb8;
	[tilespmem:$0x1F400] =	vst v63  }
0x90: {  	_ =	swait.ge [sflag:s10], $0x1900  }
0x91: {  	[sflag:s10] =	ssyncset.done $0x0  }
0x92: {  	s15 =	simm.s32 $0x164E8;
	[sflag:s10] =	ssyncadd.s32 $0xFFFFE700  }
0x93: {  	[spmem:s3] =	stream.indirect.scatter.add.f32 [tilespmem:s4], [sflag:$0x8], $0x80, s15, s2, $0xb8;
	[tilespmem:$0x1F400] =	vst v63  }
0x94: {  	_ =	swait.ge [sflag:s11], $0x1900  }
0x95: {  	[sflag:s11] =	ssyncset.done $0x0  }
0x96: {  	s13 =	simm.s32 $0x380;
	s14 =	simm.s32 $0x13A08;
	[sflag:s11] =	ssyncadd.s32 $0xFFFFE700  }
.LBB2_4:
0x97: {  	[tilespmem:s4], [sflag:$0x4] =	stream.indirect.gather [hbm4b:s1+s2], $0x80, s14, s2, $0xb8;
	[tilespmem:$0x1F400] =	vst v63  }
0x98: {  	s14 =	smov.u32 s13  }
0x99: {  	p2 =	sne.s32 s13, $0xA800;
	s13 =	sadd.s32 $0x380, s13;
	_ =	swait.ge [sflag:s30], $0x1900  }
0x9a: {  	s14 =	sshra.s32 s14, $0x2;
	[sflag:s30] =	ssyncset.done $0x0  }
0x9b: {  	s15 =	sadd.s32 $0x16440, s14;
	[sflag:s30] =	ssyncadd.s32 $0xFFFFE700  }
0x9c: {  	[spmem:s3] =	stream.indirect.scatter.add.f32 [tilespmem:s28], [sflag:$0x5], $0x80, s15, s2, $0xb8;
	[tilespmem:$0x1F400] =	vst v63  }
0x9d: {  	_ =	swait.ge [sflag:s5], $0x1900  }
0x9e: {  	[sflag:s5] =	ssyncset.done $0x0  }
0x9f: {  	s15 =	sadd.s32 $0x13960, s14;
	[sflag:s5] =	ssyncadd.s32 $0xFFFFE700  }
0xa0: {  	[tilespmem:s28], [sflag:$0x1] =	stream.indirect.gather [hbm4b:s1+s2], $0x80, s15, s2, $0xb8;
	[tilespmem:$0x1F400] =	vst v63  }
0xa1: {  	_ =	swait.ge [sflag:s31], $0x1900  }
0xa2: {  	[sflag:s31] =	ssyncset.done $0x0  }
0xa3: {  	s15 =	sadd.s32 $0x16478, s14;
	[sflag:s31] =	ssyncadd.s32 $0xFFFFE700  }
0xa4: {  	[spmem:s3] =	stream.indirect.scatter.add.f32 [tilespmem:s0], [sflag:$0x6], $0x80, s15, s2, $0xb8;
	[tilespmem:$0x1F400] =	vst v63  }
0xa5: {  	_ =	swait.ge [sflag:s6], $0x1900  }
0xa6: {  	[sflag:s6] =	ssyncset.done $0x0  }
0xa7: {  	s15 =	sadd.s32 $0x13998, s14;
	[sflag:s6] =	ssyncadd.s32 $0xFFFFE700  }
0xa8: {  	[tilespmem:s0], [sflag:$0x2] =	stream.indirect.gather [hbm4b:s1+s2], $0x80, s15, s2, $0xb8;
	[tilespmem:$0x1F400] =	vst v63  }
0xa9: {  	_ =	swait.ge [sflag:s7], $0x1900  }
0xaa: {  	[sflag:s7] =	ssyncset.done $0x0  }
0xab: {  	s15 =	sadd.s32 $0x164B0, s14;
	[sflag:s7] =	ssyncadd.s32 $0xFFFFE700  }
0xac: {  	[spmem:s3] =	stream.indirect.scatter.add.f32 [tilespmem:s26], [sflag:$0x7], $0x80, s15, s2, $0xb8;
	[tilespmem:$0x1F400] =	vst v63  }
0xad: {  	_ =	swait.ge [sflag:s8], $0x1900  }
0xae: {  	[sflag:s8] =	ssyncset.done $0x0  }
0xaf: {  	s15 =	sadd.s32 $0x139D0, s14;
	[sflag:s8] =	ssyncadd.s32 $0xFFFFE700  }
0xb0: {  	[tilespmem:s26], [sflag:$0x3] =	stream.indirect.gather [hbm4b:s1+s2], $0x80, s15, s2, $0xb8;
	[tilespmem:$0x1F400] =	vst v63  }
0xb1: {  	_ =	swait.ge [sflag:s10], $0x1900  }
0xb2: {  	[sflag:s10] =	ssyncset.done $0x0  }
.Ltmp1:
0xb3: {  	s15 =	sadd.s32 $0x164E8, s14;
	[sflag:s10] =	ssyncadd.s32 $0xFFFFE700;
	(pc) =	sbr.rel @p2 .LBB2_4-.Ltmp1, $4  }
0xb4: {  	[spmem:s3] =	stream.indirect.scatter.add.f32 [tilespmem:s4], [sflag:$0x8], $0x80, s15, s2, $0xb8;
	[tilespmem:$0x1F400] =	vst v63  }
0xb5: {  	_ =	swait.ge [sflag:s11], $0x1900  }
0xb6: {  	[sflag:s11] =	ssyncset.done $0x0  }
0xb7: {  	s14 =	sadd.s32 $0x13A08, s14;
	[sflag:s11] =	ssyncadd.s32 $0xFFFFE700  }
0xb8: {  	[tilespmem:s4], [sflag:$0x4] =	stream.indirect.gather [hbm4b:s1+s2], $0x80, s14, s2, $0xb8;
	[tilespmem:$0x1F400] =	vst v63  }
0xb9: {  	_ =	swait.ge [sflag:s30], $0x1900  }
0xba: {  	[sflag:s30] =	ssyncset.done $0x0  }
0xbb: {  	s13 =	simm.s32 $0x18F20;
	[sflag:s30] =	ssyncadd.s32 $0xFFFFE700  }
0xbc: {  	[spmem:s3] =	stream.indirect.scatter.add.f32 [tilespmem:s28], [sflag:$0x5], $0x80, s13, s2, $0xb8;
	[tilespmem:$0x1F400] =	vst v63  }
0xbd: {  	_ =	swait.ge [sflag:s31], $0x1900  }
0xbe: {  	[sflag:s31] =	ssyncset.done $0x0  }
0xbf: {  	s14 =	simm.s32 $0x18F58;
	[sflag:s31] =	ssyncadd.s32 $0xFFFFE700  }
0xc0: {  	[spmem:s3] =	stream.indirect.scatter.add.f32 [tilespmem:s0], [sflag:$0x6], $0x80, s14, s2, $0xb8;
	[tilespmem:$0x1F400] =	vst v63  }
0xc1: {  	_ =	swait.ge [sflag:s7], $0x1900  }
0xc2: {  	[sflag:s7] =	ssyncset.done $0x0  }
0xc3: {  	s15 =	simm.s32 $0x18F90;
	[sflag:s7] =	ssyncadd.s32 $0xFFFFE700  }
0xc4: {  	[spmem:s3] =	stream.indirect.scatter.add.f32 [tilespmem:s26], [sflag:$0x7], $0x80, s15, s2, $0xb8;
	[tilespmem:$0x1F400] =	vst v63  }
0xc5: {  	_ =	swait.ge [sflag:s10], $0x1900  }
0xc6: {  	[sflag:s10] =	ssyncset.done $0x0  }
0xc7: {  	s14 =	simm.s32 $0x18FC8;
	[sflag:s10] =	ssyncadd.s32 $0xFFFFE700  }
0xc8: {  	[spmem:s3] =	stream.indirect.scatter.add.f32 [tilespmem:s4], [sflag:$0x8], $0x80, s14, s2, $0xb8;
	[tilespmem:$0x1F400] =	vst v63  }
0xc9: {  	_ =	swait.ge [sflag:s5], $0x1900  }
0xca: {  	[sflag:s5] =	ssyncset.done $0x0  }
0xcb: {  	[sflag:s5] =	ssyncadd.s32 $0xFFFFE700  }
0xcc: {  	_ =	swait.ge [sflag:s6], $0x1900  }
0xcd: {  	[sflag:s6] =	ssyncset.done $0x0  }
0xce: {  	[sflag:s6] =	ssyncadd.s32 $0xFFFFE700  }
0xcf: {  	_ =	swait.ge [sflag:s8], $0x1900  }
0xd0: {  	[sflag:s8] =	ssyncset.done $0x0  }
0xd1: {  	[sflag:s8] =	ssyncadd.s32 $0xFFFFE700  }
0xd2: {  	_ =	swait.ge [sflag:s11], $0x1900  }
0xd3: {  	[sflag:s11] =	ssyncset.done $0x0  }
0xd4: {  	[sflag:s11] =	ssyncadd.s32 $0xFFFFE700  }
0xd5: {  	[bflag:$0x0] =	sbarrier.arrive $0xFFFF  }
0xd6: {  	s13 =	simm.s32 @p1 $0x1FC9;
	s14 =	rddreg [dreg:$0x8]  }
0xd7: {  	[hbm:s14], [sflag:s13] =	dma.local @p1 [spmem:s25], $0x2800  }
0xd8: {  	s13 =	simm.s32 @p1 $0x9  }
0xd9: {  	s14 =	stileid.u32;
	_ =	swait.ge @p1 [sflag:s13], $0x2800  }
0xda: {  	s14 =	sshll.u32 @!p1 s14, $0x6;
	[sflag:s13] =	ssyncset.done @p1 $0x0;
	s15 =	rddreg [dreg:$0x7]  }
0xdb: {  	[sflag:s13] =	ssyncadd.s32 @p1 $0xFFFFD800;
	s13 =	sor.u32 @!p1 $0x1C09, s14;
	s14 =	sshrl.u32 @!p1 s9, $0x3  }
0xdc: {  	[hbm:s15], [sflag:s13] =	dma.local @!p1 [spmem:s14], $0x2700  }
0xdd: {  	s13 =	simm.s32 @!p1 $0x9  }
0xde: {  	_ =	swait.ge @!p1 [sflag:s13], $0x2700  }
0xdf: {  	s12 =	sadd.s32 $0x1, s12;
	s15 =	rddreg [dreg:$0x9]  }
0xe0: {  	p2 =	sne.s32 s12, s15  }
.Ltmp2:
0xe1: {  	_ = 	snop;
	(pc) =	sbr.rel @p2 .LBB2_1-.Ltmp2, $3  }
0xe2: {  	_ =	sdelay $0x1  }
0xe3: {  	[sflag:s13] =	ssyncset.done @!p1 $0x0  }
0xe4: {  	[sflag:s13] =	ssyncadd.s32 @!p1 $0xFFFFD900  }
0xe5: {  	_ =	sfence.sel $0x180000  }
0xe6: {  	[bflag:$0x0] =	sbarrier.arrive $0xFFFF  }
0xe7: {  	_ =	strace $0x9000004D  }
0xe8: {  	s0 =	stileid.u32;
	[bflag:$0x2] =	sbarrier.arrive $0xFFFF  }
0xe9: {  	p0 =	sne.s32 s0, $0x0;
	s0 =	rddreg [dreg:$0x3]  }
0xea: {  	s0 =	sadd.s32 @!p0 $0x100000, s0  }
0xeb: {  	[sflag:s0] =	ssyncadd.tile.s32 @!p0 $0x1;
	_ =	shalt  }
.Lfunc_end2:
_tile_overlayer_lowered:
.L_overlay_start_2:
0xec: {  	(tag) =	ssettag $0x2  }
0xed: {  	s0 =	rddreg [dreg:$0x0];
	s2 =	stileid.u32  }
0xee: {  	s1 =	rddreg [dreg:$0x1];
	p0 =	sne.s32 s2, $0x0  }
0xef: {  	s3 =	rddreg [dreg:$0x2];
	[bflag:$0x3] =	sbarrier.arrive $0xFFFF;
	s2 =	simm.s32 @!p0 $0x1C09  }
0xf0: {  	[timem:s3], [sflag:s2] =	dma.local @!p0 [hbm:s0], s1  }
0xf1: {  	s0 =	simm.s32 @!p0 $0x9  }
0xf2: {  	_ =	swait.ge @!p0 [sflag:s0], s1  }
0xf3: {  	s1 =	ssub.s32 @!p0 $0x0, s1;
	[sflag:s0] =	ssyncset.done @!p0 $0x0  }
0xf4: {  	[sflag:s0] =	ssyncadd.s32 @!p0 s1  }
0xf5: {  	[bflag:$0x3] =	sbarrier.arrive $0xFFFF  }
0xf6: {  	_ =	shalt  }

// kernel: kernel.8.cloned.1.call-start
scs
__scs_entry_jumppad:
0x0: {  	(pc) =	sbr.rel $0x88, $3  }
0x1: {  	(tag) =	ssettag $0x0;
	lr =	simm.s32 $0x1  }
0x2: {  	[smem:$0x3F9B] =	sst lr;
	_ =	strace $0xD0000000  }
0x3: {  	_ = 	snop  }
0x4: {  	_ = 	snop  }
0x5: {  	_ = 	snop  }
0x6: {  	_ = 	snop  }
0x7: {  	_ = 	snop  }
__scs_overlays_trampoline_lowered:
0x8: {  	[smem:$0x3FAA] =	sst s0  }
0x9: {  	[smem:$0x3FAB] =	sst s1  }
0xa: {  	[smem:$0x3FAC] =	sst s2  }
0xb: {  	[smem:$0x3FAD] =	sst s3  }
0xc: {  	[smem:$0x3FAE] =	sst s4  }
0xd: {  	[smem:$0x3FAF] =	sst s5  }
0xe: {  	[smem:$0x3FB0] =	sst s6  }
0xf: {  	[smem:$0x3FB1] =	sst s7  }
0x10: {  	[smem:$0x3FB2] =	sst s8  }
0x11: {  	[smem:$0x3FB3] =	sst s9;
	s0 =	simm.s32 @!p0 $0x0  }
0x12: {  	s1 =	sld [smem:$0x3F99];
	s0 =	simm.s32 @p0 $0x1  }
0x13: {  	[smem:$0x3FB4] =	sst s0;
	s0 =	simm.s32 @!p1 $0x0  }
0x14: {  	s2 =	sld [smem:$0x3F98];
	s0 =	simm.s32 @p1 $0x1  }
0x15: {  	[smem:$0x3FB5] =	sst s0;
	s0 =	simm.s32 @!p2 $0x0  }
0x16: {  	s3 =	sld [smem:$0x3FDB];
	s0 =	simm.s32 @p2 $0x1  }
0x17: {  	s4 =	simm.s32 $0x1BF5;
	[smem:$0x3FB7] =	sst s0  }
0x18: {  	s0 =	sld [smem:$0x3F9A];
	_ =	swait.ge [sflag:s4], $0x0  }
0x19: {  	s7 =	sld [smem:$0x3F9B]  }
0x1a: {  	s8 =	sadd.s32 $0xFFFFE003, lr  }
0x1b: {  	s9 =	sadd.s32 $0xFFFFFEF7, lr;
	s5 =	simm.s32 $0xFFFFFFFF;
	p2 =	slt.u32 s8, $0xFFFFF086  }
0x1c: {  	p1 =	slt.u32 s9, $0xF7A;
	s5 =	simm.s32 @!p2 $0x0  }
0x1d: {  	s5 =	simm.s32 @p1 $0x1;
	p0 =	seq.s32 s7, s2  }
0x1e: {  	s7 =	smul.u32 @!p0 $0xF7A, s2;
	p2 =	seq.s32 @!p0 s5, $0x0  }
0x1f: {  	s9 =	smul.u32 $0xF7A, s1;
	s8 =	simm.s32 @!p0 $0x1BF5;
	p2 =	por !p2, p0  }
0x20: {  	[sflag:s8] =	ssyncset.s32 @!p0 $0xFFFFF086;
	s6 =	sadd.s32 @!p0 s3, s7;
	s7 =	simm.s32 @!p0 $0x108  }
0x21: {  	s3 =	sadd.s32 s3, s9;
	s6 =	sadd.s32 @!p0 $0x88, s6;
	s7 =	simm.s32 @p2 $0x1082  }
0x22: {  	[simem:s7], [sflag:s8] =	dma.local @!p0 [hbm:s6], $0xF7A  }
0x23: {  	s9 =	sor.u32 $0xD0000000, s2;
	s6 =	simm.s32 $0x108;
	_ =	swait.ge @!p0 [sflag:s8], $0x0  }
0x24: {  	s3 =	sadd.s32 $0x88, s3;
	s6 =	simm.s32 @!p1 $0x1082;
	[sflag:s4] =	ssyncset.s32 $0xFFFFF086  }
0x25: {  	[simem:s6], [sflag:s4] =	dma.local [hbm:s3], $0xF7A  }
0x26: {  	[smem:$0x3F9B] =	sst s1;
	(tag) =	ssettag s2;
	_ =	strace s9  }
0x27: {  	s1 =	sld [smem:$0x3FAB]  }
0x28: {  	s2 =	sld [smem:$0x3FAC]  }
0x29: {  	s4 =	sld [smem:$0x3FAE]  }
0x2a: {  	p0 =	seq.s32 s5, $0x0;
	s5 =	sld [smem:$0x3FAF]  }
0x2b: {  	s6 =	sld [smem:$0x3FB0]  }
0x2c: {  	s7 =	sld [smem:$0x3FB1]  }
0x2d: {  	s3 =	simm.s32 $0x108;
	s8 =	sld [smem:$0x3FB2]  }
0x2e: {  	s3 =	simm.s32 @!p0 $0x1082;
	s9 =	sld [smem:$0x3FB3]  }
0x2f: {  	lr =	sadd.s32 s0, s3;
	s0 =	sld [smem:$0x3FAA]  }
0x30: {  	s3 =	sld [smem:$0x3FAD]  }
0x31: {  	[smem:$0x3FB6] =	sst s10  }
0x32: {  	s10 =	sld [smem:$0x3FB4];
	_ =	sdelay $0x3  }
0x33: {  	p0 =	seq.s32 s10, $0x1;
	s10 =	sld [smem:$0x3FB6];
	_ =	sdelay $0x3  }
0x34: {  	[smem:$0x3FB6] =	sst s10  }
0x35: {  	s10 =	sld [smem:$0x3FB5];
	_ =	sdelay $0x3  }
0x36: {  	p1 =	seq.s32 s10, $0x1;
	s10 =	sld [smem:$0x3FB6];
	_ =	sdelay $0x3  }
0x37: {  	[smem:$0x3FB6] =	sst s10  }
0x38: {  	s10 =	sld [smem:$0x3FB7]  }
0x39: {  	_ = 	snop;
	(pc) =	sbr.ind lr, $3  }
0x3a: {  	_ = 	snop  }
0x3b: {  	_ = 	snop  }
0x3c: {  	p2 =	seq.s32 s10, $0x1;
	s10 =	sld [smem:$0x3FB6]  }
0x3d: {  	_ =	shalt  }
0x3e: {  	_ =	shalt  }
0x3f: {  	_ =	shalt  }
0x40: {  	_ =	shalt  }
0x41: {  	_ =	shalt  }
0x42: {  	_ =	shalt  }
0x43: {  	_ =	shalt  }
0x44: {  	_ =	shalt  }
0x45: {  	_ =	shalt  }
0x46: {  	_ =	shalt  }
0x47: {  	_ =	shalt  }
0x48: {  	_ =	shalt  }
0x49: {  	_ =	shalt  }
0x4a: {  	_ =	shalt  }
0x4b: {  	_ =	shalt  }
0x4c: {  	_ =	shalt  }
0x4d: {  	_ =	shalt  }
0x4e: {  	_ =	shalt  }
0x4f: {  	_ =	shalt  }
0x50: {  	_ =	shalt  }
0x51: {  	_ =	shalt  }
0x52: {  	_ =	shalt  }
0x53: {  	_ =	shalt  }
0x54: {  	_ =	shalt  }
0x55: {  	_ =	shalt  }
0x56: {  	_ =	shalt  }
0x57: {  	_ =	shalt  }
0x58: {  	_ =	shalt  }
0x59: {  	_ =	shalt  }
0x5a: {  	_ =	shalt  }
0x5b: {  	_ =	shalt  }
0x5c: {  	_ =	shalt  }
0x5d: {  	_ =	shalt  }
0x5e: {  	_ =	shalt  }
0x5f: {  	_ =	shalt  }
0x60: {  	_ =	shalt  }
0x61: {  	_ =	shalt  }
0x62: {  	_ =	shalt  }
0x63: {  	_ =	shalt  }
0x64: {  	_ =	shalt  }
0x65: {  	_ =	shalt  }
0x66: {  	_ =	shalt  }
0x67: {  	_ =	shalt  }
0x68: {  	_ =	shalt  }
0x69: {  	_ =	shalt  }
0x6a: {  	_ =	shalt  }
0x6b: {  	_ =	shalt  }
0x6c: {  	_ =	shalt  }
0x6d: {  	_ =	shalt  }
0x6e: {  	_ =	shalt  }
0x6f: {  	_ =	shalt  }
0x70: {  	_ =	shalt  }
0x71: {  	_ =	shalt  }
0x72: {  	_ =	shalt  }
0x73: {  	_ =	shalt  }
0x74: {  	_ =	shalt  }
0x75: {  	_ =	shalt  }
0x76: {  	_ =	shalt  }
0x77: {  	_ =	shalt  }
0x78: {  	_ =	shalt  }
0x79: {  	_ =	shalt  }
0x7a: {  	_ =	shalt  }
0x7b: {  	_ =	shalt  }
0x7c: {  	_ =	shalt  }
0x7d: {  	_ =	shalt  }
0x7e: {  	_ =	shalt  }
0x7f: {  	_ =	shalt  }
0x80: {  	_ =	shalt  }
0x81: {  	_ =	shalt  }
0x82: {  	_ =	shalt  }
0x83: {  	_ =	shalt  }
0x84: {  	_ =	shalt  }
0x85: {  	_ =	shalt  }
0x86: {  	_ =	shalt  }
0x87: {  	_ =	shalt  }
.Lfunc_end0:
.L_simem_size_0:
called_computation_lowered:
.L_overlay_start_0:
0x88: {  	s2 =	sld [smem:$0x3FD9]  }
0x89: {  	s3 =	sld [smem:$0x3FFE];
	_ =	sdelay $0x1  }
0x8a: {  	s1 =	srdreg.scid  }
0x8b: {  	s0 =	sand.u32 $0x1, s1  }
0x8c: {  	s17 =	sshll.u32 s0, $0xA;
	s2 =	sadd.s32 s3, s2  }
0x8d: {  	s2 =	sadd.s32 s2, s17  }
0x8e: {  	[smem:$0x3FC2] =	sst s2  }
0x8f: {  	_ = 	snop  }
0x90: {  	s2 =	sld [smem:$0x3FD0];
	(tm) =	ssettm $0x1  }
0x91: {  	s18 =	sld [smem:$0x3FFB];
	_ =	sdelay $0x3  }
0x92: {  	_ =	strace s18  }
0x93: {  	s3 =	sld [smem:$0x3FFC];
	_ =	sdelay $0x3  }
0x94: {  	_ =	strace s3  }
0x95: {  	s3 =	sld [smem:$0x3FFD];
	_ =	sdelay $0x3  }
0x96: {  	_ =	strace s3  }
0x97: {  	_ =	strace $0x8FFFFFFF  }
0x98: {  	s19 =	sld [smem:$0x3FDB];
	_ =	sdelay $0x1  }
0x99: {  	s4 =	simm.s32 $_scs_section_size  }
0x9a: {  	s5 =	simm.s32 $_size__tile_overlayer_lowered;
	s6 =	simm.s32 $_tile_overlayer_lowered  }
0x9b: {  	s22 =	simm.s32 $0x1BFF;
	s21 =	sshll.u32 s6, $0x1;
	s3 =	sadd.s32 s4, s19  }
0x9c: {  	s7 =	simm.s32 $0x0;
	s20 =	sshll.u32 s5, $0x1;
	s5 =	sadd.s32 s21, s3  }
0x9d: {  	[timem:s7], [sflag:s22] =	dma.local [hbm:s5], s20  }
0x9e: {  	_ =	swait.ge [sflag:s22], s20  }
0x9f: {  	s4 =	ssub.s32 $0x0, s20;
	[sflag:s22] =	ssyncset.done $0x0  }
0xa0: {  	[sflag:s22] =	ssyncadd.s32 s4;
	_ =	sdelay $0x1  }
0xa1: {  	s23 =	simm.s32 $0x1B8B  }
0xa2: {  	_ =	swait.ge [sflag:s23], $0x1  }
0xa3: {  	[sflag:s23] =	ssyncset.done $0x0  }
0xa4: {  	s25 =	simm.s32 $0x1B8E;
	s24 =	sld [smem:$0x3FFE];
	[sflag:s23] =	ssyncadd.s32 $0xFFFFFFFF  }
0xa5: {  	s26 =	simm.s32 $execute0_lowered;
	[smem:$0x3FD2] =	sst s25  }
0xa6: {  	s5 =	sshll.u32 s26, $0x1;
	_ =	strace $0x80000046;
	[dreg:$0x1] =	wrdreg $0xFFFFFFFF  }
0xa7: {  	s28 =	simm.s32 $_size_execute0_lowered;
	s3 =	sadd.s32 s3, s5;
	[dreg:$0x0] =	wrdreg $0x0  }
0xa8: {  	s5 =	sshll.u32 s28, $0x1;
	[dreg:$0x2] =	wrdreg s3  }
0xa9: {  	[dreg:$0x3] =	wrdreg s5  }
0xaa: {  	[dreg:$0x4] =	wrdreg $0xC0  }
0xab: {  	_ =	task [dreg:s7], $0x5FFFF  }
0xac: {  	[dreg:$0x1] =	wrdreg $0xFFFFFFFF  }
0xad: {  	[dreg:$0x0] =	wrdreg $0x60  }
0xae: {  	[dreg:$0x2] =	wrdreg s24  }
0xaf: {  	[dreg:$0x3] =	wrdreg s2  }
0xb0: {  	[dreg:$0x4] =	wrdreg $0x0  }
0xb1: {  	[dreg:$0x5] =	wrdreg $0x9  }
0xb2: {  	_ =	task.clear_ibuf [dreg:s7], $0x6FFFF;
	_ =	strace $0x90000046  }
0xb3: {  	s29 =	simm.s32 $0x9;
	_ =	strace $0x80000048  }
0xb4: {  	_ =	swait.ge [sflag:s29], $0x1  }
0xb5: {  	[sflag:s29] =	ssyncadd.s32 $0xFFFFFFFF  }
0xb6: {  	_ =	strace $0x90000048  }
0xb7: {  	_ =	sfence  }
0xb8: {  	s30 =	sld [smem:$0x0];
	_ =	sdelay $0x2  }
0xb9: {  	s31 =	sshll.u32 s1, $0xD;
	s1 =	sshrl.u32 s1, $0x2  }
0xba: {  	s3 =	sand.u32 $0x4000, s31;
	s1 =	sadd.s32 s1, s30  }
0xbb: {  	s0 =	sor.u32 s3, s0;
	s1 =	sshll.u32 s1, $0x11  }
0xbc: {  	s0 =	sor.u32 s1, s0  }
0xbd: {  	s0 =	sadd.s32 $0x8F2B, s0  }
0xbe: {  	[sflag:s0] =	ssyncadd.remote.s32 $0x1  }
0xbf: {  	_ =	sfence.sel $0xFFFF  }
0xc0: {  	[dreg:$0x0] =	wrdreg $0xFFFFFFFF;
	(pc) =	sbr.abs _section_cstart, $3  }
0xc1: {  	[dreg:$0x1] =	wrdreg $0xFFFFFFFF  }
0xc2: {  	_ =	task.clear_ibuf [dreg:s7], $0x2FFFF;
	_ =	strace $0x9FFFFFFF  }
0xc3: {  	(tm) =	ssettm $0x7FFFFFFF  }
tec
execute0_lowered:
.L_overlay_start_1:
0x0: {  	(tag) =	ssettag $0x1  }
0x1: {  	s3 =	rddreg [dreg:$0x0]  }
0x2: {  	s0 =	srdreg.scid;
	s4 =	rddreg [dreg:$0x1]  }
0x3: {  	s1 =	rddreg [dreg:$0x2];
	s6 =	stileid.u32;
	s10 =	simm.s32 $0x32  }
0x4: {  	s11 =	simm.s32 $0x59F8;
	s12 =	simm.s32 $0x1;
	s13 =	simm.s32 $0x0  }
0x5: {  	s5 =	sand.u32 $0x1, s0;
	s0 =	rddreg [dreg:$0x3];
	p0 =	sne.s32 s6, $0x0  }
0x6: {  	s2 =	sshll.u32 s5, $0x4;
	s8 =	ssub.s32 $0x2, s5;
	s5 =	smul.u32 $0x4E2, s5  }
0x7: {  	s7 =	sor.u32 s6, s2;
	s2 =	simm.s32 $0x0;
	s9 =	sshrl.u32 s8, $0x1  }
0x8: {  	s6 =	simm.s32 $0x278;
	s7 =	smul.u32 $0xAF0, s7;
	[smem:$0x7FF] =	sst s2  }
0x9: {  	s31 =	ssub.s32 s8, s9;
	s4 =	sadd.s32 s4, s5;
	s8 =	simm.s32 $0x3  }
0xa: {  	s9 =	simm.s32 $0x2;
	_ =	strace $0x80000047;
	s3 =	sadd.s32 s7, s3  }
0xb: {  	v0 =	vimm.f32 $1.000000000e+00;
	v1 =	vimm.f32 $0.0e+00;
	s5 =	smax.u32 s31, $0x1;
	s7 =	simm.s32 $0x5A78;
	s3 =	sadd.s32 $0x2600, s3  }
.LBB2_1:
0xc: {  	[tilespmem:s6], [sflag:$0x2] =	stream.linear.gather [hbm4b:s3+s2], $0x5780, $0x38;
	[tilespmem:$0x8188] =	vst v63  }
0xd: {  	[tilespmem:$0x59F8] =	vst v0  }
0xe: {  	[tilespmem:$0x5A08] =	vst v0  }
0xf: {  	[tilespmem:$0x5A18] =	vst v0  }
.Ltmp0:
0x10: {  	[tilespmem:$0x5A28] =	vst v0;
	(pc) =	sbr.rel @p0 .LBB2_5-.Ltmp0, $4  }
0x11: {  	[tilespmem:$0x5A38] =	vst v0  }
0x12: {  	[tilespmem:$0x5A48] =	vst v0  }
0x13: {  	[tilespmem:$0x5A58] =	vst v0  }
0x14: {  	[tilespmem:$0x5A68] =	vst v0  }
0x15: {  	s14 =	simm.s32 $0x40;
	s15 =	simm.s32 $0x0  }
.LBB2_3:
0x16: {  	p1 =	sne.s32 s14, $0x9C00;
	[tilespmem:s15+$0x5A78] =	vst v1;
	s15 =	smov.u32 s14;
	s14 =	sadd.s32 $0x40, s14  }
.Ltmp1:
0x17: {  	(pc) =	sbr.rel @p1 .LBB2_3-.Ltmp1, $2  }
0x18: {  	_ =	sdelay $0x2  }
0x19: {  	s15 =	sshra.s32 s15, $0x2  }
0x1a: {  	[tilespmem:s15+$0x5A78] =	vst v1  }
0x1b: {  	[spmem:s1] =	stream.linear.scatter [tilespmem:s7], [sflag:$0x3], $0x2710, $0x38;
	[tilespmem:$0x8188] =	vst v63  }
0x1c: {  	_ =	swait.ge [sflag:s8], $0x2710  }
0x1d: {  	[sflag:s8] =	ssyncset.done $0x0  }
0x1e: {  	[sflag:s8] =	ssyncadd.s32 $0xFFFFD8F0  }
.LBB2_5:
0x1f: {  	_ =	swait.ge [sflag:s9], $0x5780  }
0x20: {  	[sflag:s9] =	ssyncset.done $0x0  }
0x21: {  	p1 =	por $0x1, $0x1;
	[sflag:s9] =	ssyncadd.s32 $0xFFFFA880  }
0x22: {  	s15 =	simm.s32 @!p1 $0x1;
	[bflag:$0x0] =	sbarrier.arrive $0xFFFF  }
0x23: {  	_ =	swait.ge @!p1 [sflag:s15], $0x32  }
0x24: {  	s16 =	simm.s32 $0x278;
	[sflag:s15] =	ssyncset.done @!p1 $0x0  }
0x25: {  	s14 =	simm.s32 $0x1;
	[sflag:s15] =	ssyncadd.s32 @!p1 $0xFFFFFFCE;
	s15 =	simm.s32 $0x2B0  }
.LBB2_6:
0x26: {  	[spmem:s1] =	stream.indirect.scatter.add.f32 [tilespmem:s11], [sflag:$0x1], $0x1, s16, s10, $0xb8;
	[tilespmem:$0x8188] =	vst v63  }
0x27: {  	p1 =	slt.u32 s14, $0x8;
	s14 =	sadd.s32 $0x1, s14  }
0x28: {  	p2 =	sne.s32 s14, $0x190  }
.Ltmp2:
0x29: {  	(pc) =	sbr.rel @p2 .LBB2_6-.Ltmp2, $4  }
0x2a: {  	s16 =	smov.u32 s15;
	s17 =	simm.s32 @!p1 $0x1  }
0x2b: {  	_ =	swait.ge @!p1 [sflag:s17], $0x32  }
0x2c: {  	[sflag:s17] =	ssyncset.done @!p1 $0x0  }
0x2d: {  	s15 =	sadd.s32 $0x38, s15;
	[sflag:s17] =	ssyncadd.s32 @!p1 $0xFFFFFFCE  }
0x2e: {  	[spmem:s1] =	stream.indirect.scatter.add.f32 [tilespmem:s11], [sflag:$0x1], $0x1, s16, s10, $0xb8;
	[tilespmem:$0x8188] =	vst v63  }
0x2f: {  	_ =	swait.ge [sflag:s12], $0x32  }
0x30: {  	[sflag:s12] =	ssyncset.done $0x0  }
0x31: {  	[sflag:s12] =	ssyncadd.s32 $0xFFFFFFCE  }
0x32: {  	_ =	swait.ge [sflag:s12], $0x32  }
0x33: {  	[sflag:s12] =	ssyncset.done $0x0  }
0x34: {  	[sflag:s12] =	ssyncadd.s32 $0xFFFFFFCE  }
0x35: {  	_ =	swait.ge [sflag:s12], $0x32  }
0x36: {  	[sflag:s12] =	ssyncset.done $0x0  }
0x37: {  	[sflag:s12] =	ssyncadd.s32 $0xFFFFFFCE  }
0x38: {  	_ =	swait.ge [sflag:s12], $0x32  }
0x39: {  	[sflag:s12] =	ssyncset.done $0x0  }
0x3a: {  	[sflag:s12] =	ssyncadd.s32 $0xFFFFFFCE  }
0x3b: {  	_ =	swait.ge [sflag:s12], $0x32  }
0x3c: {  	[sflag:s12] =	ssyncset.done $0x0  }
0x3d: {  	[sflag:s12] =	ssyncadd.s32 $0xFFFFFFCE  }
0x3e: {  	_ =	swait.ge [sflag:s12], $0x32  }
0x3f: {  	[sflag:s12] =	ssyncset.done $0x0  }
0x40: {  	[sflag:s12] =	ssyncadd.s32 $0xFFFFFFCE  }
0x41: {  	_ =	swait.ge [sflag:s12], $0x32  }
0x42: {  	[sflag:s12] =	ssyncset.done $0x0  }
0x43: {  	[sflag:s12] =	ssyncadd.s32 $0xFFFFFFCE  }
0x44: {  	_ =	swait.ge [sflag:s12], $0x32  }
0x45: {  	[sflag:s12] =	ssyncset.done $0x0  }
0x46: {  	[sflag:s12] =	ssyncadd.s32 $0xFFFFFFCE  }
0x47: {  	s14 =	simm.s32 @!p0 $0x5A78;
	s15 =	simm.s32 @!p0 $0x3;
	[bflag:$0x0] =	sbarrier.arrive $0xFFFF  }
0x48: {  	[tilespmem:s14], [sflag:$0x3] =	stream.linear.gather @!p0 [spmem:s1], $0x2710, $0x38;
	[tilespmem:$0x8188] =	vst v63  }
0x49: {  	s13 =	sadd.s32 $0x1, s13;
	_ =	swait.ge @!p0 [sflag:s15], $0x2710  }
0x4a: {  	p1 =	sne.s32 s13, s5;
	[sflag:s15] =	ssyncset.done @!p0 $0x0  }
.Ltmp3:
0x4b: {  	s16 =	simm.s32 @!p0 $0x0;
	[sflag:s15] =	ssyncadd.s32 @!p0 $0xFFFFD8F0;
	(pc) =	sbr.rel @p1 .LBB2_1-.Ltmp3, $4  }
0x4c: {  	[hbm4b:s4+s16] =	stream.linear.scatter @!p0 [tilespmem:s14], [sflag:$0x3], $0x2710, $0x38;
	[tilespmem:$0x8188] =	vst v63  }
0x4d: {  	_ =	swait.ge @!p0 [sflag:s15], $0x2710  }
0x4e: {  	[sflag:s15] =	ssyncset.done @!p0 $0x0  }
0x4f: {  	[sflag:s15] =	ssyncadd.s32 @!p0 $0xFFFFD8F0  }
0x50: {  	_ =	sfence.sel $0x180000  }
0x51: {  	[bflag:$0x0] =	sbarrier.arrive $0xFFFF  }
0x52: {  	_ =	strace $0x90000047  }
0x53: {  	s0 =	sadd.s32 @!p0 $0x100000, s0;
	[bflag:$0x2] =	sbarrier.arrive $0xFFFF  }
0x54: {  	[sflag:s0] =	ssyncadd.tile.s32 @!p0 $0x1;
	_ =	shalt  }
.Lfunc_end2:
_tile_overlayer_lowered:
.L_overlay_start_2:
0x55: {  	(tag) =	ssettag $0x2  }
0x56: {  	s0 =	rddreg [dreg:$0x0];
	s2 =	stileid.u32  }
0x57: {  	s1 =	rddreg [dreg:$0x1];
	p0 =	sne.s32 s2, $0x0  }
0x58: {  	s3 =	rddreg [dreg:$0x2];
	[bflag:$0x3] =	sbarrier.arrive $0xFFFF;
	s2 =	simm.s32 @!p0 $0x1C03  }
0x59: {  	[timem:s3], [sflag:s2] =	dma.local @!p0 [hbm:s0], s1  }
0x5a: {  	s0 =	simm.s32 @!p0 $0x3  }
0x5b: {  	_ =	swait.ge @!p0 [sflag:s0], s1  }
0x5c: {  	s1 =	ssub.s32 @!p0 $0x0, s1;
	[sflag:s0] =	ssyncset.done @!p0 $0x0  }
0x5d: {  	[sflag:s0] =	ssyncadd.s32 @!p0 s1  }
0x5e: {  	[bflag:$0x3] =	sbarrier.arrive $0xFFFF  }
0x5f: {  	_ =	shalt  }

</sc_bundles>
